<compile_context>
chip_gen: v7x
topology: tpu7x:2x2x1
jax: 0.10.2.dev20260603
libtpu: 0.0.44.dev20260713+nightly
codegen_flags: <defaults>
</compile_context>

<pallas_src>
import functools

import jax
import jax.numpy as jnp
from jax import lax
from jax.experimental import pallas as pl
from jax.experimental.pallas import tpu as pltpu
from jax.experimental.pallas import tpu_sc as plsc

N_TOKENS = 2048
D_MODEL = 1024
HIDDEN = 512
H2 = HIDDEN // 2
OUT_DIM = 10
OUT_PAD = 128
SC_L = 16
NUM_EXPERTS = 8
TOP_K = 2

BLK = 128
P = N_TOKENS * TOP_K + NUM_EXPERTS * BLK
NBLK = P // BLK
CHUNK = 256

SC_CORES = 2
SC_SUBCORES = 16
NW = SC_CORES * SC_SUBCORES
TPW = N_TOKENS // NW


def _router_kernel(x_ref, wr_ref, br_ref,
                   d1_ref, d2_ref, g12_ref, be_ref):
    x = x_ref[...]
    logits = jnp.dot(x, wr_ref[...], preferred_element_type=jnp.float32)
    logits = logits + br_ref[...]
    m = jnp.max(logits, axis=-1, keepdims=True)
    ex = jnp.exp(logits - m)
    probs = ex / jnp.sum(ex, axis=-1, keepdims=True)

    idx1 = jnp.argmax(probs, axis=-1)
    eye = lax.broadcasted_iota(jnp.int32, probs.shape, 1)
    oh1 = (eye == idx1[:, None])
    masked = jnp.where(oh1, -jnp.inf, probs)
    idx2 = jnp.argmax(masked, axis=-1)
    oh2 = (eye == idx2[:, None])
    p1 = jnp.max(probs, axis=-1)
    p2 = jnp.max(masked, axis=-1)
    denom = p1 + p2
    g1 = p1 / denom
    g2 = p2 / denom

    oh1f = oh1.astype(jnp.float32)
    oh2f = oh2.astype(jnp.float32)
    sel = oh1f + oh2f

    ii = lax.broadcasted_iota(jnp.int32, (CHUNK, CHUNK), 0)
    jj = lax.broadcasted_iota(jnp.int32, (CHUNK, CHUNK), 1)
    tstrict = (ii > jj).astype(jnp.float32)
    carry = jnp.zeros((1, NUM_EXPERTS), dtype=jnp.float32)
    chunks = []
    for c in range(N_TOKENS // CHUNK):
        blk = sel[c * CHUNK:(c + 1) * CHUNK]
        excl = jnp.dot(tstrict, blk, preferred_element_type=jnp.float32)
        chunks.append(excl + carry)
        carry = carry + jnp.sum(blk, axis=0, keepdims=True)
    exclcum = jnp.concatenate(chunks, axis=0)
    counts = carry

    ac = jnp.floor((counts + (BLK - 1)) * (1.0 / BLK))
    ei = lax.broadcasted_iota(jnp.int32, (NUM_EXPERTS, NUM_EXPERTS), 0)
    ej = lax.broadcasted_iota(jnp.int32, (NUM_EXPERTS, NUM_EXPERTS), 1)
    tinc = (ei <= ej).astype(jnp.float32)
    end_blk = jnp.dot(ac, tinc, preferred_element_type=jnp.float32)
    off_blk = end_blk - ac

    base_pos = off_blk * float(BLK) + exclcum
    ones_e = jnp.ones((NUM_EXPERTS,), jnp.float32)
    dest1 = jnp.dot(oh1f * base_pos, ones_e, preferred_element_type=jnp.float32)
    dest2 = jnp.dot(oh2f * base_pos, ones_e, preferred_element_type=jnp.float32)
    d1_ref[...] = dest1.astype(jnp.int32)
    d2_ref[...] = dest2.astype(jnp.int32)
    lane = lax.broadcasted_iota(jnp.int32, (N_TOKENS, OUT_PAD), 1)
    g12_ref[...] = jnp.where(lane < SC_L, g1[:, None], g2[:, None])

    bio = lax.broadcasted_iota(jnp.int32, (NBLK, NUM_EXPERTS), 0).astype(jnp.float32)
    be = jnp.sum((bio >= end_blk).astype(jnp.float32), axis=1)
    be = jnp.minimum(be, float(NUM_EXPERTS - 1))
    be_ref[...] = be.astype(jnp.int32)


def _router_meta(x, Wr, br2):
    return pl.pallas_call(
        _router_kernel,
        grid=(1,),
        in_specs=[
            pl.BlockSpec((N_TOKENS, D_MODEL), lambda i: (0, 0)),
            pl.BlockSpec((D_MODEL, NUM_EXPERTS), lambda i: (0, 0)),
            pl.BlockSpec((1, NUM_EXPERTS), lambda i: (0, 0)),
        ],
        out_specs=[
            pl.BlockSpec((N_TOKENS,), lambda i: (0,)),
            pl.BlockSpec((N_TOKENS,), lambda i: (0,)),
            pl.BlockSpec((N_TOKENS, OUT_PAD), lambda i: (0, 0)),
            pl.BlockSpec((NBLK,), lambda i: (0,)),
        ],
        out_shape=[
            jax.ShapeDtypeStruct((N_TOKENS,), jnp.int32),
            jax.ShapeDtypeStruct((N_TOKENS,), jnp.int32),
            jax.ShapeDtypeStruct((N_TOKENS, OUT_PAD), jnp.float32),
            jax.ShapeDtypeStruct((NBLK,), jnp.int32),
        ],
    )(x, Wr, br2)


def _sc_dispatch(x, d1, d2):
    mesh = plsc.VectorSubcoreMesh(core_axis_name="c", subcore_axis_name="s")

    @functools.partial(
        pl.kernel, mesh=mesh,
        out_type=jax.ShapeDtypeStruct((P, D_MODEL), jnp.float32),
        scratch_types=[
            pltpu.VMEM((TPW,), jnp.int32),
            pltpu.VMEM((TPW,), jnp.int32),
            pltpu.VMEM((TPW, D_MODEL), jnp.float32),
            pltpu.SemaphoreType.DMA,
        ],
    )
    def disp(x_hbm, d1_hbm, d2_hbm, xs_hbm, d1v, d2v, xv, sem):
        wid = lax.axis_index("s") * SC_CORES + lax.axis_index("c")
        base = wid * TPW
        pltpu.sync_copy(d1_hbm.at[pl.ds(base, TPW)], d1v)
        pltpu.sync_copy(d2_hbm.at[pl.ds(base, TPW)], d2v)
        pltpu.sync_copy(x_hbm.at[pl.ds(base, TPW)], xv)
        pltpu.async_copy(xv, xs_hbm.at[d1v], sem).wait()
        pltpu.async_copy(xv, xs_hbm.at[d2v], sem).wait()

    return disp(x, d1, d2)


NSUB = 8
STEP = NSUB * BLK


def _expert_kernel(be_ref, x_ref, w1_ref, b1_ref, w2_ref, b2_ref,
                   w3_ref, b3_ref, out_ref):
    b = pl.program_id(0)
    xf = x_ref[...]
    for s in range(NSUB):
        e = be_ref[b * NSUB + s]
        x = xf[s * BLK:(s + 1) * BLK]
        h1 = jnp.dot(x, w1_ref[e], preferred_element_type=jnp.float32)
        h1 = jnp.maximum(h1 + b1_ref[pl.ds(e, 1)], 0.0)
        h2 = jnp.dot(h1, w2_ref[e], preferred_element_type=jnp.float32)
        h2 = jnp.maximum(h2 + b2_ref[pl.ds(e, 1)], 0.0)
        o = jnp.dot(h2, w3_ref[e], preferred_element_type=jnp.float32)
        out_ref[pl.ds(s * BLK, BLK), pl.ds(0, OUT_DIM)] = o + b3_ref[pl.ds(e, 1)]


def _grouped_mlp(be, xs, W1, b1, W2, b2, W3, b3):
    grid_spec = pltpu.PrefetchScalarGridSpec(
        num_scalar_prefetch=1,
        grid=(NBLK // NSUB,),
        in_specs=[
            pl.BlockSpec((STEP, D_MODEL), lambda b, be: (b, 0)),
            pl.BlockSpec((NUM_EXPERTS, D_MODEL, HIDDEN), lambda b, be: (0, 0, 0)),
            pl.BlockSpec((NUM_EXPERTS, HIDDEN), lambda b, be: (0, 0)),
            pl.BlockSpec((NUM_EXPERTS, HIDDEN, H2), lambda b, be: (0, 0, 0)),
            pl.BlockSpec((NUM_EXPERTS, H2), lambda b, be: (0, 0)),
            pl.BlockSpec((NUM_EXPERTS, H2, OUT_DIM), lambda b, be: (0, 0, 0)),
            pl.BlockSpec((NUM_EXPERTS, OUT_DIM), lambda b, be: (0, 0)),
        ],
        out_specs=pl.BlockSpec((STEP, OUT_PAD), lambda b, be: (b, 0)),
    )
    return pl.pallas_call(
        _expert_kernel,
        grid_spec=grid_spec,
        out_shape=jax.ShapeDtypeStruct((P, OUT_PAD), jnp.float32),
    )(be, xs, W1, b1, W2, b2, W3, b3)


def _sc_combine(rows, d1, d2, g12):
    mesh = plsc.VectorSubcoreMesh(core_axis_name="c", subcore_axis_name="s")

    @functools.partial(
        pl.kernel, mesh=mesh,
        out_type=jax.ShapeDtypeStruct((N_TOKENS, SC_L), jnp.float32),
        scratch_types=[
            pltpu.VMEM((TPW,), jnp.int32),
            pltpu.VMEM((TPW,), jnp.int32),
            pltpu.VMEM((TPW, OUT_PAD), jnp.float32),
            pltpu.VMEM((TPW, OUT_PAD), jnp.float32),
            pltpu.VMEM((TPW, OUT_PAD), jnp.float32),
            pltpu.VMEM((TPW, SC_L), jnp.float32),
            pltpu.SemaphoreType.DMA,
        ],
    )
    def comb(rows_hbm, d1_hbm, d2_hbm, g12_hbm, out_hbm,
             d1v, d2v, gv, r1v, r2v, ov, sem):
        wid = lax.axis_index("s") * SC_CORES + lax.axis_index("c")
        base = wid * TPW
        pltpu.sync_copy(d1_hbm.at[pl.ds(base, TPW)], d1v)
        pltpu.sync_copy(d2_hbm.at[pl.ds(base, TPW)], d2v)
        pltpu.sync_copy(g12_hbm.at[pl.ds(base, TPW)], gv)
        pltpu.async_copy(rows_hbm.at[d1v], r1v, sem).wait()
        pltpu.async_copy(rows_hbm.at[d2v], r2v, sem).wait()
        for i in range(TPW):
            ov[i] = (gv[i, pl.ds(0, SC_L)] * r1v[i, pl.ds(0, SC_L)]
                     + gv[i, pl.ds(SC_L, SC_L)] * r2v[i, pl.ds(0, SC_L)])
        pltpu.sync_copy(ov, out_hbm.at[pl.ds(base, TPW)])

    return comb(rows, d1, d2, g12)


@jax.jit
def kernel(inputs, Wr, br, W1, b1, W2, b2, W3, b3):
    br2 = br.reshape(1, NUM_EXPERTS)
    d1, d2, g12, be = _router_meta(inputs, Wr, br2)
    xs = _sc_dispatch(inputs, d1, d2)
    rows = _grouped_mlp(be, xs, W1, b1, W2, b2, W3, b3)
    outp = _sc_combine(rows, d1, d2, g12)
    return outp[:, :OUT_DIM]

# --- scband reference (transcript-rebuilt; emitter-appended) ---
"""Pipeline reference for scband-mixture-of-experts-41944650613264 (READ-ONLY COPY).

The authoritative reference and input builder live on the scoring server;
editing this copy changes nothing except your own understanding.
"""

import jax, jax.numpy as jnp
import numpy as np

N_TOKENS = 2048
D_MODEL = 1024
HIDDEN = 512
OUT_DIM = 10
NUM_EXPERTS = 8
TOP_K = 2


def setup_inputs(seed: int = 0) -> dict:
    key = jax.random.key(seed)
    ks = jax.random.split(key, 10)
    s = 0.02
    inputs = jax.random.normal(ks[0], (N_TOKENS, D_MODEL), dtype=jnp.float32)
    Wr = jax.random.normal(ks[1], (D_MODEL, NUM_EXPERTS), dtype=jnp.float32) * s
    br = jnp.zeros((NUM_EXPERTS,), dtype=jnp.float32)
    W1 = jax.random.normal(ks[2], (NUM_EXPERTS, D_MODEL, HIDDEN), dtype=jnp.float32) * s
    b1 = jnp.zeros((NUM_EXPERTS, HIDDEN), dtype=jnp.float32)
    W2 = jax.random.normal(ks[3], (NUM_EXPERTS, HIDDEN, HIDDEN // 2), dtype=jnp.float32) * s
    b2 = jnp.zeros((NUM_EXPERTS, HIDDEN // 2), dtype=jnp.float32)
    W3 = jax.random.normal(ks[4], (NUM_EXPERTS, HIDDEN // 2, OUT_DIM), dtype=jnp.float32) * s
    b3 = jnp.zeros((NUM_EXPERTS, OUT_DIM), dtype=jnp.float32)
    return {"inputs": inputs, "Wr": Wr, "br": br, "W1": W1, "b1": b1, "W2": W2, "b2": b2, "W3": W3, "b3": b3}


def reference(inputs, Wr, br, W1, b1, W2, b2, W3, b3):
    # Router (SparseRouter): dense -> softmax -> top-k -> renormalize
    router_logits = inputs @ Wr + br
    router_probs = jax.nn.softmax(router_logits, axis=-1)
    top_k_probs, top_k_indices = jax.lax.top_k(router_probs, TOP_K)
    top_k_probs = top_k_probs / jnp.sum(top_k_probs, axis=-1, keepdims=True)

    # Dense gate matrix equivalent of per-expert boolean_mask + scatter_nd_add:
    # gates[n, e] = normalized routing weight if expert e selected for token n else 0
    n = inputs.shape[0]
    gates = jnp.zeros((n, NUM_EXPERTS), dtype=inputs.dtype)
    gates = gates.at[jnp.arange(n)[:, None], top_k_indices].add(top_k_probs)

    # Expert MLPs (Expert): Dense(relu) -> Dropout(inference: identity) -> Dense(relu) -> Dense
    h1 = jax.nn.relu(jnp.einsum('nd,edh->enh', inputs, W1) + b1[:, None, :])
    h2 = jax.nn.relu(jnp.einsum('enh,ehk->enk', h1, W2) + b2[:, None, :])
    expert_out = jnp.einsum('enk,eko->eno', h2, W3) + b3[:, None, :]

    # Weighted combine == tensor_scatter_nd_add accumulation in the TF loop
    final_output = jnp.einsum('eno,ne->no', expert_out, gates)
    return final_output

if __name__ == "__main__":
    import jax
    _d = setup_inputs()
    print(jax.jit(kernel)(*tuple(_d.values())))

</pallas_src>

<mosaic_0001>
#map = affine_map<(d0, d1) -> (0, 0)>
#map1 = affine_map<(d0, d1) -> (0)>
module attributes {stable_mosaic.version = 14 : i64} {
  func.func @disp(%arg0: i32, %arg1: i32, %arg2: memref<2048x1024xf32, #tpu.memory_space<hbm>>, %arg3: memref<2048xi32, #tpu.memory_space<hbm>>, %arg4: memref<2048xi32, #tpu.memory_space<hbm>>, %arg5: memref<5120x1024xf32, #tpu.memory_space<hbm>>, %arg6: memref<64xi32, #tpu.memory_space<vmem>>, %arg7: memref<64xi32, #tpu.memory_space<vmem>>, %arg8: memref<64x1024xf32, #tpu.memory_space<vmem>>, %arg9: memref<!tpu.dma_semaphore, #tpu.memory_space<semaphore_mem>>) attributes {dimension_semantics = [#tpu.dimension_semantics<core_parallel>, #tpu.dimension_semantics<subcore_parallel>], iteration_bounds = array<i64: 2, 16>, scalar_prefetch = 0 : i64, scratch_operands = 4 : i64, tpu.core_type = #tpu.core_type<sc_vector_subcore>, window_params = [{transform_indices = #map}, {transform_indices = #map1}, {transform_indices = #map1}, {transform_indices = #map}]} {
    %mul3A = arith.constant 2 : i32
    %mul3A_0 = arith.muli %arg1, %mul3A : i32
    %add3A = arith.addi %mul3A_0, %arg0 : i32
    %mul3A_1 = arith.constant 64 : i32
    %mul3A_2 = arith.muli %add3A, %mul3A_1 : i32
    "tpu.region"() ({
      %run_scoped3A = tpu.sem_alloc : memref<!tpu.dma_semaphore, #tpu.memory_space<semaphore_mem>>
      %dma_start3A_13 = tpu.memref_slice %arg3[%mul3A_2] : memref<2048xi32, #tpu.memory_space<hbm>> -> memref<64xi32, #tpu.memory_space<hbm>>
      %dma_start3A_14 = tpu.memref_slice %arg3[%mul3A_2] : memref<2048xi32, #tpu.memory_space<hbm>> -> memref<64xi32, #tpu.memory_space<hbm>>
      tpu.enqueue_dma source(%dma_start3A_14 : memref<64xi32, #tpu.memory_space<hbm>>) target(%arg6 : memref<64xi32, #tpu.memory_space<vmem>>) target_semaphore(%run_scoped3A : memref<!tpu.dma_semaphore, #tpu.memory_space<semaphore_mem>>)
      %dma_wait3A_15 = tpu.memref_slice %arg3[%mul3A_2] : memref<2048xi32, #tpu.memory_space<hbm>> -> memref<64xi32, #tpu.memory_space<hbm>>
      %dma_wait3A_16 = tpu.memref_slice %arg3[%mul3A_2] : memref<2048xi32, #tpu.memory_space<hbm>> -> memref<64xi32, #tpu.memory_space<hbm>>
      tpu.wait_dma2 semaphore(%run_scoped3A : memref<!tpu.dma_semaphore, #tpu.memory_space<semaphore_mem>>) src(%dma_wait3A_16 : memref<64xi32, #tpu.memory_space<hbm>>) dst(%arg6 : memref<64xi32, #tpu.memory_space<vmem>>)
      tpu.yield
    }) : () -> ()
    "tpu.region"() ({
      %run_scoped3A = tpu.sem_alloc : memref<!tpu.dma_semaphore, #tpu.memory_space<semaphore_mem>>
      %dma_start3A_13 = tpu.memref_slice %arg4[%mul3A_2] : memref<2048xi32, #tpu.memory_space<hbm>> -> memref<64xi32, #tpu.memory_space<hbm>>
      %dma_start3A_14 = tpu.memref_slice %arg4[%mul3A_2] : memref<2048xi32, #tpu.memory_space<hbm>> -> memref<64xi32, #tpu.memory_space<hbm>>
      tpu.enqueue_dma source(%dma_start3A_14 : memref<64xi32, #tpu.memory_space<hbm>>) target(%arg7 : memref<64xi32, #tpu.memory_space<vmem>>) target_semaphore(%run_scoped3A : memref<!tpu.dma_semaphore, #tpu.memory_space<semaphore_mem>>)
      %dma_wait3A_15 = tpu.memref_slice %arg4[%mul3A_2] : memref<2048xi32, #tpu.memory_space<hbm>> -> memref<64xi32, #tpu.memory_space<hbm>>
      %dma_wait3A_16 = tpu.memref_slice %arg4[%mul3A_2] : memref<2048xi32, #tpu.memory_space<hbm>> -> memref<64xi32, #tpu.memory_space<hbm>>
      tpu.wait_dma2 semaphore(%run_scoped3A : memref<!tpu.dma_semaphore, #tpu.memory_space<semaphore_mem>>) src(%dma_wait3A_16 : memref<64xi32, #tpu.memory_space<hbm>>) dst(%arg7 : memref<64xi32, #tpu.memory_space<vmem>>)
      tpu.yield
    }) : () -> ()
    "tpu.region"() ({
      %run_scoped3A = tpu.sem_alloc : memref<!tpu.dma_semaphore, #tpu.memory_space<semaphore_mem>>
      %dma_start3A_13 = arith.constant 0 : i32
      %dma_start3A_14 = tpu.memref_slice %arg2[%mul3A_2, %dma_start3A_13] : memref<2048x1024xf32, #tpu.memory_space<hbm>> -> memref<64x1024xf32, #tpu.memory_space<hbm>>
      %dma_start3A_15 = arith.constant 0 : i32
      %dma_start3A_16 = tpu.memref_slice %arg2[%mul3A_2, %dma_start3A_15] : memref<2048x1024xf32, #tpu.memory_space<hbm>> -> memref<64x1024xf32, #tpu.memory_space<hbm>>
      tpu.enqueue_dma source(%dma_start3A_16 : memref<64x1024xf32, #tpu.memory_space<hbm>>) target(%arg8 : memref<64x1024xf32, #tpu.memory_space<vmem>>) target_semaphore(%run_scoped3A : memref<!tpu.dma_semaphore, #tpu.memory_space<semaphore_mem>>)
      %dma_wait3A_17 = arith.constant 0 : i32
      %dma_wait3A_18 = tpu.memref_slice %arg2[%mul3A_2, %dma_wait3A_17] : memref<2048x1024xf32, #tpu.memory_space<hbm>> -> memref<64x1024xf32, #tpu.memory_space<hbm>>
      %dma_wait3A_19 = arith.constant 0 : i32
      %dma_wait3A_20 = tpu.memref_slice %arg2[%mul3A_2, %dma_wait3A_19] : memref<2048x1024xf32, #tpu.memory_space<hbm>> -> memref<64x1024xf32, #tpu.memory_space<hbm>>
      tpu.wait_dma2 semaphore(%run_scoped3A : memref<!tpu.dma_semaphore, #tpu.memory_space<semaphore_mem>>) src(%dma_wait3A_20 : memref<64x1024xf32, #tpu.memory_space<hbm>>) dst(%arg8 : memref<64x1024xf32, #tpu.memory_space<vmem>>)
      tpu.yield
    }) : () -> ()
    %dma_start3A = arith.constant 0 : i32
    %dma_start3A_3 = arith.constant 0 : i32
    %dma_start3A_4 = tpu.memref_slice %arg5[%dma_start3A, %dma_start3A_3] : memref<5120x1024xf32, #tpu.memory_space<hbm>> -> memref<5120x1024xf32, #tpu.memory_space<hbm>>
    tpu.enqueue_indirect_dma source(%arg8 : memref<64x1024xf32, #tpu.memory_space<vmem>>) target(%dma_start3A_4 : memref<5120x1024xf32, #tpu.memory_space<hbm>>) offsets(%arg6 : memref<64xi32, #tpu.memory_space<vmem>>) semaphore(%arg9 : memref<!tpu.dma_semaphore, #tpu.memory_space<semaphore_mem>>)
    %dma_wait3A = arith.constant 0 : i32
    %dma_wait3A_5 = arith.constant 0 : i32
    %dma_wait3A_6 = tpu.memref_slice %arg5[%dma_wait3A, %dma_wait3A_5] : memref<5120x1024xf32, #tpu.memory_space<hbm>> -> memref<5120x1024xf32, #tpu.memory_space<hbm>>
    tpu.wait_indirect_dma semaphore(%arg9 : memref<!tpu.dma_semaphore, #tpu.memory_space<semaphore_mem>>) src(%arg8 : memref<64x1024xf32, #tpu.memory_space<vmem>>) dst(%dma_wait3A_6 : memref<5120x1024xf32, #tpu.memory_space<hbm>>)
    %dma_start3A_7 = arith.constant 0 : i32
    %dma_start3A_8 = arith.constant 0 : i32
    %dma_start3A_9 = tpu.memref_slice %arg5[%dma_start3A_7, %dma_start3A_8] : memref<5120x1024xf32, #tpu.memory_space<hbm>> -> memref<5120x1024xf32, #tpu.memory_space<hbm>>
    tpu.enqueue_indirect_dma source(%arg8 : memref<64x1024xf32, #tpu.memory_space<vmem>>) target(%dma_start3A_9 : memref<5120x1024xf32, #tpu.memory_space<hbm>>) offsets(%arg7 : memref<64xi32, #tpu.memory_space<vmem>>) semaphore(%arg9 : memref<!tpu.dma_semaphore, #tpu.memory_space<semaphore_mem>>)
    %dma_wait3A_10 = arith.constant 0 : i32
    %dma_wait3A_11 = arith.constant 0 : i32
    %dma_wait3A_12 = tpu.memref_slice %arg5[%dma_wait3A_10, %dma_wait3A_11] : memref<5120x1024xf32, #tpu.memory_space<hbm>> -> memref<5120x1024xf32, #tpu.memory_space<hbm>>
    tpu.wait_indirect_dma semaphore(%arg9 : memref<!tpu.dma_semaphore, #tpu.memory_space<semaphore_mem>>) src(%arg8 : memref<64x1024xf32, #tpu.memory_space<vmem>>) dst(%dma_wait3A_12 : memref<5120x1024xf32, #tpu.memory_space<hbm>>)
    return
  }
}

#map = affine_map<(d0, d1) -> (0, 0)>
#map1 = affine_map<(d0, d1) -> (0)>
module attributes {stable_mosaic.version = 14 : i64} {
  func.func @comb(%arg0: i32, %arg1: i32, %arg2: memref<5120x128xf32, #tpu.memory_space<hbm>>, %arg3: memref<2048xi32, #tpu.memory_space<hbm>>, %arg4: memref<2048xi32, #tpu.memory_space<hbm>>, %arg5: memref<2048x128xf32, #tpu.memory_space<hbm>>, %arg6: memref<2048x16xf32, #tpu.memory_space<hbm>>, %arg7: memref<64xi32, #tpu.memory_space<vmem>>, %arg8: memref<64xi32, #tpu.memory_space<vmem>>, %arg9: memref<64x128xf32, #tpu.memory_space<vmem>>, %arg10: memref<64x128xf32, #tpu.memory_space<vmem>>, %arg11: memref<64x128xf32, #tpu.memory_space<vmem>>, %arg12: memref<64x16xf32, #tpu.memory_space<vmem>>, %arg13: memref<!tpu.dma_semaphore, #tpu.memory_space<semaphore_mem>>) attributes {dimension_semantics = [#tpu.dimension_semantics<core_parallel>, #tpu.dimension_semantics<subcore_parallel>], iteration_bounds = array<i64: 2, 16>, scalar_prefetch = 0 : i64, scratch_operands = 7 : i64, tpu.core_type = #tpu.core_type<sc_vector_subcore>, window_params = [{transform_indices = #map}, {transform_indices = #map1}, {transform_indices = #map1}, {transform_indices = #map}, {transform_indices = #map}]} {
    %mul3A = arith.constant 2 : i32
    %mul3A_0 = arith.muli %arg1, %mul3A : i32
    %add3A = arith.addi %mul3A_0, %arg0 : i32
    %mul3A_1 = arith.constant 64 : i32
    %mul3A_2 = arith.muli %add3A, %mul3A_1 : i32
    "tpu.region"() ({
      %run_scoped3A = tpu.sem_alloc : memref<!tpu.dma_semaphore, #tpu.memory_space<semaphore_mem>>
      %dma_start3A_1867 = tpu.memref_slice %arg3[%mul3A_2] : memref<2048xi32, #tpu.memory_space<hbm>> -> memref<64xi32, #tpu.memory_space<hbm>>
      %dma_start3A_1868 = tpu.memref_slice %arg3[%mul3A_2] : memref<2048xi32, #tpu.memory_space<hbm>> -> memref<64xi32, #tpu.memory_space<hbm>>
      tpu.enqueue_dma source(%dma_start3A_1868 : memref<64xi32, #tpu.memory_space<hbm>>) target(%arg7 : memref<64xi32, #tpu.memory_space<vmem>>) target_semaphore(%run_scoped3A : memref<!tpu.dma_semaphore, #tpu.memory_space<semaphore_mem>>)
      %dma_wait3A_1869 = tpu.memref_slice %arg3[%mul3A_2] : memref<2048xi32, #tpu.memory_space<hbm>> -> memref<64xi32, #tpu.memory_space<hbm>>
      %dma_wait3A_1870 = tpu.memref_slice %arg3[%mul3A_2] : memref<2048xi32, #tpu.memory_space<hbm>> -> memref<64xi32, #tpu.memory_space<hbm>>
      tpu.wait_dma2 semaphore(%run_scoped3A : memref<!tpu.dma_semaphore, #tpu.memory_space<semaphore_mem>>) src(%dma_wait3A_1870 : memref<64xi32, #tpu.memory_space<hbm>>) dst(%arg7 : memref<64xi32, #tpu.memory_space<vmem>>)
      tpu.yield
    }) : () -> ()
    "tpu.region"() ({
      %run_scoped3A = tpu.sem_alloc : memref<!tpu.dma_semaphore, #tpu.memory_space<semaphore_mem>>
      %dma_start3A_1867 = tpu.memref_slice %arg4[%mul3A_2] : memref<2048xi32, #tpu.memory_space<hbm>> -> memref<64xi32, #tpu.memory_space<hbm>>
      %dma_start3A_1868 = tpu.memref_slice %arg4[%mul3A_2] : memref<2048xi32, #tpu.memory_space<hbm>> -> memref<64xi32, #tpu.memory_space<hbm>>
      tpu.enqueue_dma source(%dma_start3A_1868 : memref<64xi32, #tpu.memory_space<hbm>>) target(%arg8 : memref<64xi32, #tpu.memory_space<vmem>>) target_semaphore(%run_scoped3A : memref<!tpu.dma_semaphore, #tpu.memory_space<semaphore_mem>>)
      %dma_wait3A_1869 = tpu.memref_slice %arg4[%mul3A_2] : memref<2048xi32, #tpu.memory_space<hbm>> -> memref<64xi32, #tpu.memory_space<hbm>>
      %dma_wait3A_1870 = tpu.memref_slice %arg4[%mul3A_2] : memref<2048xi32, #tpu.memory_space<hbm>> -> memref<64xi32, #tpu.memory_space<hbm>>
      tpu.wait_dma2 semaphore(%run_scoped3A : memref<!tpu.dma_semaphore, #tpu.memory_space<semaphore_mem>>) src(%dma_wait3A_1870 : memref<64xi32, #tpu.memory_space<hbm>>) dst(%arg8 : memref<64xi32, #tpu.memory_space<vmem>>)
      tpu.yield
    }) : () -> ()
    "tpu.region"() ({
      %run_scoped3A = tpu.sem_alloc : memref<!tpu.dma_semaphore, #tpu.memory_space<semaphore_mem>>
      %dma_start3A_1867 = arith.constant 0 : i32
      %dma_start3A_1868 = tpu.memref_slice %arg5[%mul3A_2, %dma_start3A_1867] : memref<2048x128xf32, #tpu.memory_space<hbm>> -> memref<64x128xf32, #tpu.memory_space<hbm>>
      %dma_start3A_1869 = arith.constant 0 : i32
      %dma_start3A_1870 = tpu.memref_slice %arg5[%mul3A_2, %dma_start3A_1869] : memref<2048x128xf32, #tpu.memory_space<hbm>> -> memref<64x128xf32, #tpu.memory_space<hbm>>
      tpu.enqueue_dma source(%dma_start3A_1870 : memref<64x128xf32, #tpu.memory_space<hbm>>) target(%arg9 : memref<64x128xf32, #tpu.memory_space<vmem>>) target_semaphore(%run_scoped3A : memref<!tpu.dma_semaphore, #tpu.memory_space<semaphore_mem>>)
      %dma_wait3A_1871 = arith.constant 0 : i32
      %dma_wait3A_1872 = tpu.memref_slice %arg5[%mul3A_2, %dma_wait3A_1871] : memref<2048x128xf32, #tpu.memory_space<hbm>> -> memref<64x128xf32, #tpu.memory_space<hbm>>
      %dma_wait3A_1873 = arith.constant 0 : i32
      %dma_wait3A_1874 = tpu.memref_slice %arg5[%mul3A_2, %dma_wait3A_1873] : memref<2048x128xf32, #tpu.memory_space<hbm>> -> memref<64x128xf32, #tpu.memory_space<hbm>>
      tpu.wait_dma2 semaphore(%run_scoped3A : memref<!tpu.dma_semaphore, #tpu.memory_space<semaphore_mem>>) src(%dma_wait3A_1874 : memref<64x128xf32, #tpu.memory_space<hbm>>) dst(%arg9 : memref<64x128xf32, #tpu.memory_space<vmem>>)
      tpu.yield
    }) : () -> ()
    %dma_start3A = arith.constant 0 : i32
    %dma_start3A_3 = arith.constant 0 : i32
    %dma_start3A_4 = tpu.memref_slice %arg2[%dma_start3A, %dma_start3A_3] : memref<5120x128xf32, #tpu.memory_space<hbm>> -> memref<5120x128xf32, #tpu.memory_space<hbm>>
    tpu.enqueue_indirect_dma source(%dma_start3A_4 : memref<5120x128xf32, #tpu.memory_space<hbm>>) target(%arg10 : memref<64x128xf32, #tpu.memory_space<vmem>>) offsets(%arg7 : memref<64xi32, #tpu.memory_space<vmem>>) semaphore(%arg13 : memref<!tpu.dma_semaphore, #tpu.memory_space<semaphore_mem>>)
    %dma_wait3A = arith.constant 0 : i32
    %dma_wait3A_5 = arith.constant 0 : i32
    %dma_wait3A_6 = tpu.memref_slice %arg2[%dma_wait3A, %dma_wait3A_5] : memref<5120x128xf32, #tpu.memory_space<hbm>> -> memref<5120x128xf32, #tpu.memory_space<hbm>>
    tpu.wait_indirect_dma semaphore(%arg13 : memref<!tpu.dma_semaphore, #tpu.memory_space<semaphore_mem>>) src(%dma_wait3A_6 : memref<5120x128xf32, #tpu.memory_space<hbm>>) dst(%arg10 : memref<64x128xf32, #tpu.memory_space<vmem>>)
    %dma_start3A_7 = arith.constant 0 : i32
    %dma_start3A_8 = arith.constant 0 : i32
    %dma_start3A_9 = tpu.memref_slice %arg2[%dma_start3A_7, %dma_start3A_8] : memref<5120x128xf32, #tpu.memory_space<hbm>> -> memref<5120x128xf32, #tpu.memory_space<hbm>>
    tpu.enqueue_indirect_dma source(%dma_start3A_9 : memref<5120x128xf32, #tpu.memory_space<hbm>>) target(%arg11 : memref<64x128xf32, #tpu.memory_space<vmem>>) offsets(%arg8 : memref<64xi32, #tpu.memory_space<vmem>>) semaphore(%arg13 : memref<!tpu.dma_semaphore, #tpu.memory_space<semaphore_mem>>)
    %dma_wait3A_10 = arith.constant 0 : i32
    %dma_wait3A_11 = arith.constant 0 : i32
    %dma_wait3A_12 = tpu.memref_slice %arg2[%dma_wait3A_10, %dma_wait3A_11] : memref<5120x128xf32, #tpu.memory_space<hbm>> -> memref<5120x128xf32, #tpu.memory_space<hbm>>
    tpu.wait_indirect_dma semaphore(%arg13 : memref<!tpu.dma_semaphore, #tpu.memory_space<semaphore_mem>>) src(%dma_wait3A_12 : memref<5120x128xf32, #tpu.memory_space<hbm>>) dst(%arg11 : memref<64x128xf32, #tpu.memory_space<vmem>>)
    %get3A = arith.constant 0 : i32
    %get3A_13 = arith.index_cast %get3A : i32 to index
    %get3A_14 = arith.constant 0 : index
    %get3A_15 = tpu.vector_load %arg9[%get3A_13, %get3A_14] {strides = array<i32>} : memref<64x128xf32, #tpu.memory_space<vmem>>, vector<1x16xf32>,
    %get3A_16 = vector.shape_cast %get3A_15 : vector<1x16xf32> to vector<16xf32>
    %get3A_17 = arith.constant 0 : i32
    %get3A_18 = arith.index_cast %get3A_17 : i32 to index
    %get3A_19 = arith.constant 0 : index
    %get3A_20 = tpu.vector_load %arg10[%get3A_18, %get3A_19] {strides = array<i32>} : memref<64x128xf32, #tpu.memory_space<vmem>>, vector<1x16xf32>,
    %get3A_21 = vector.shape_cast %get3A_20 : vector<1x16xf32> to vector<16xf32>
    %mul3A_22 = arith.mulf %get3A_16, %get3A_21 : vector<16xf32>
    %get3A_23 = arith.constant 0 : i32
    %get3A_24 = arith.index_cast %get3A_23 : i32 to index
    %get3A_25 = arith.constant 16 : index
    %get3A_26 = tpu.vector_load %arg9[%get3A_24, %get3A_25] {strides = array<i32>} : memref<64x128xf32, #tpu.memory_space<vmem>>, vector<1x16xf32>,
    %get3A_27 = vector.shape_cast %get3A_26 : vector<1x16xf32> to vector<16xf32>
    %get3A_28 = arith.constant 0 : i32
    %get3A_29 = arith.index_cast %get3A_28 : i32 to index
    %get3A_30 = arith.constant 0 : index
    %get3A_31 = tpu.vector_load %arg11[%get3A_29, %get3A_30] {strides = array<i32>} : memref<64x128xf32, #tpu.memory_space<vmem>>, vector<1x16xf32>,
    %get3A_32 = vector.shape_cast %get3A_31 : vector<1x16xf32> to vector<16xf32>
    %mul3A_33 = arith.mulf %get3A_27, %get3A_32 : vector<16xf32>
    %add3A_34 = arith.addf %mul3A_22, %mul3A_33 : vector<16xf32>
    %swap3A = arith.constant 0 : i32
    %swap3A_35 = arith.index_cast %swap3A : i32 to index
    %swap3A_36 = arith.constant 0 : index
    %swap3A_37 = tpu.vector_load %arg12[%swap3A_35, %swap3A_36] {strides = array<i32>} : memref<64x16xf32, #tpu.memory_space<vmem>>, vector<1x16xf32>,
    %swap3A_38 = vector.shape_cast %swap3A_37 : vector<1x16xf32> to vector<16xf32>
    %swap3A_39 = vector.shape_cast %add3A_34 : vector<16xf32> to vector<1x16xf32>
    tpu.vector_store %arg12[%swap3A_35, %swap3A_36], %swap3A_39 {strides = array<i32>} : memref<64x16xf32, #tpu.memory_space<vmem>>, vector<1x16xf32>,
    %get3A_40 = arith.constant 1 : i32
    %get3A_41 = arith.index_cast %get3A_40 : i32 to index
    %get3A_42 = arith.constant 0 : index
    %get3A_43 = tpu.vector_load %arg9[%get3A_41, %get3A_42] {strides = array<i32>} : memref<64x128xf32, #tpu.memory_space<vmem>>, vector<1x16xf32>,
    %get3A_44 = vector.shape_cast %get3A_43 : vector<1x16xf32> to vector<16xf32>
    %get3A_45 = arith.constant 1 : i32
    %get3A_46 = arith.index_cast %get3A_45 : i32 to index
    %get3A_47 = arith.constant 0 : index
    %get3A_48 = tpu.vector_load %arg10[%get3A_46, %get3A_47] {strides = array<i32>} : memref<64x128xf32, #tpu.memory_space<vmem>>, vector<1x16xf32>,
    %get3A_49 = vector.shape_cast %get3A_48 : vector<1x16xf32> to vector<16xf32>
    %mul3A_50 = arith.mulf %get3A_44, %get3A_49 : vector<16xf32>
    %get3A_51 = arith.constant 1 : i32
    %get3A_52 = arith.index_cast %get3A_51 : i32 to index
    %get3A_53 = arith.constant 16 : index
    %get3A_54 = tpu.vector_load %arg9[%get3A_52, %get3A_53] {strides = array<i32>} : memref<64x128xf32, #tpu.memory_space<vmem>>, vector<1x16xf32>,
    %get3A_55 = vector.shape_cast %get3A_54 : vector<1x16xf32> to vector<16xf32>
    %get3A_56 = arith.constant 1 : i32
    %get3A_57 = arith.index_cast %get3A_56 : i32 to index
    %get3A_58 = arith.constant 0 : index
    %get3A_59 = tpu.vector_load %arg11[%get3A_57, %get3A_58] {strides = array<i32>} : memref<64x128xf32, #tpu.memory_space<vmem>>, vector<1x16xf32>,
    %get3A_60 = vector.shape_cast %get3A_59 : vector<1x16xf32> to vector<16xf32>
    %mul3A_61 = arith.mulf %get3A_55, %get3A_60 : vector<16xf32>
    %add3A_62 = arith.addf %mul3A_50, %mul3A_61 : vector<16xf32>
    %swap3A_63 = arith.constant 1 : i32
    %swap3A_64 = arith.index_cast %swap3A_63 : i32 to index
    %swap3A_65 = arith.constant 0 : index
    %swap3A_66 = tpu.vector_load %arg12[%swap3A_64, %swap3A_65] {strides = array<i32>} : memref<64x16xf32, #tpu.memory_space<vmem>>, vector<1x16xf32>,
    %swap3A_67 = vector.shape_cast %swap3A_66 : vector<1x16xf32> to vector<16xf32>
    %swap3A_68 = vector.shape_cast %add3A_62 : vector<16xf32> to vector<1x16xf32>
    tpu.vector_store %arg12[%swap3A_64, %swap3A_65], %swap3A_68 {strides = array<i32>} : memref<64x16xf32, #tpu.memory_space<vmem>>, vector<1x16xf32>,
    %get3A_69 = arith.constant 2 : i32
    %get3A_70 = arith.index_cast %get3A_69 : i32 to index
    %get3A_71 = arith.constant 0 : index
    %get3A_72 = tpu.vector_load %arg9[%get3A_70, %get3A_71] {strides = array<i32>} : memref<64x128xf32, #tpu.memory_space<vmem>>, vector<1x16xf32>,
    %get3A_73 = vector.shape_cast %get3A_72 : vector<1x16xf32> to vector<16xf32>
    %get3A_74 = arith.constant 2 : i32
    %get3A_75 = arith.index_cast %get3A_74 : i32 to index
    %get3A_76 = arith.constant 0 : index
    %get3A_77 = tpu.vector_load %arg10[%get3A_75, %get3A_76] {strides = array<i32>} : memref<64x128xf32, #tpu.memory_space<vmem>>, vector<1x16xf32>,
    %get3A_78 = vector.shape_cast %get3A_77 : vector<1x16xf32> to vector<16xf32>
    %mul3A_79 = arith.mulf %get3A_73, %get3A_78 : vector<16xf32>
    %get3A_80 = arith.constant 2 : i32
    %get3A_81 = arith.index_cast %get3A_80 : i32 to index
    %get3A_82 = arith.constant 16 : index
    %get3A_83 = tpu.vector_load %arg9[%get3A_81, %get3A_82] {strides = array<i32>} : memref<64x128xf32, #tpu.memory_space<vmem>>, vector<1x16xf32>,
    %get3A_84 = vector.shape_cast %get3A_83 : vector<1x16xf32> to vector<16xf32>
    %get3A_85 = arith.constant 2 : i32
    %get3A_86 = arith.index_cast %get3A_85 : i32 to index
    %get3A_87 = arith.constant 0 : index
    %get3A_88 = tpu.vector_load %arg11[%get3A_86, %get3A_87] {strides = array<i32>} : memref<64x128xf32, #tpu.memory_space<vmem>>, vector<1x16xf32>,
    %get3A_89 = vector.shape_cast %get3A_88 : vector<1x16xf32> to vector<16xf32>
    %mul3A_90 = arith.mulf %get3A_84, %get3A_89 : vector<16xf32>
    %add3A_91 = arith.addf %mul3A_79, %mul3A_90 : vector<16xf32>
    %swap3A_92 = arith.constant 2 : i32
    %swap3A_93 = arith.index_cast %swap3A_92 : i32 to index
    %swap3A_94 = arith.constant 0 : index
    %swap3A_95 = tpu.vector_load %arg12[%swap3A_93, %swap3A_94] {strides = array<i32>} : memref<64x16xf32, #tpu.memory_space<vmem>>, vector<1x16xf32>,
    %swap3A_96 = vector.shape_cast %swap3A_95 : vector<1x16xf32> to vector<16xf32>
    %swap3A_97 = vector.shape_cast %add3A_91 : vector<16xf32> to vector<1x16xf32>
    tpu.vector_store %arg12[%swap3A_93, %swap3A_94], %swap3A_97 {strides = array<i32>} : memref<64x16xf32, #tpu.memory_space<vmem>>, vector<1x16xf32>,
    %get3A_98 = arith.constant 3 : i32
    %get3A_99 = arith.index_cast %get3A_98 : i32 to index
    %get3A_100 = arith.constant 0 : index
    %get3A_101 = tpu.vector_load %arg9[%get3A_99, %get3A_100] {strides = array<i32>} : memref<64x128xf32, #tpu.memory_space<vmem>>, vector<1x16xf32>,
    %get3A_102 = vector.shape_cast %get3A_101 : vector<1x16xf32> to vector<16xf32>
    %get3A_103 = arith.constant 3 : i32
    %get3A_104 = arith.index_cast %get3A_103 : i32 to index
    %get3A_105 = arith.constant 0 : index
    %get3A_106 = tpu.vector_load %arg10[%get3A_104, %get3A_105] {strides = array<i32>} : memref<64x128xf32, #tpu.memory_space<vmem>>, vector<1x16xf32>,
    %get3A_107 = vector.shape_cast %get3A_106 : vector<1x16xf32> to vector<16xf32>
    %mul3A_108 = arith.mulf %get3A_102, %get3A_107 : vector<16xf32>
    %get3A_109 = arith.constant 3 : i32
    %get3A_110 = arith.index_cast %get3A_109 : i32 to index
    %get3A_111 = arith.constant 16 : index
    %get3A_112 = tpu.vector_load %arg9[%get3A_110, %get3A_111] {strides = array<i32>} : memref<64x128xf32, #tpu.memory_space<vmem>>, vector<1x16xf32>,
    %get3A_113 = vector.shape_cast %get3A_112 : vector<1x16xf32> to vector<16xf32>
    %get3A_114 = arith.constant 3 : i32
    %get3A_115 = arith.index_cast %get3A_114 : i32 to index
    %get3A_116 = arith.constant 0 : index
    %get3A_117 = tpu.vector_load %arg11[%get3A_115, %get3A_116] {strides = array<i32>} : memref<64x128xf32, #tpu.memory_space<vmem>>, vector<1x16xf32>,
    %get3A_118 = vector.shape_cast %get3A_117 : vector<1x16xf32> to vector<16xf32>
    %mul3A_119 = arith.mulf %get3A_113, %get3A_118 : vector<16xf32>
    %add3A_120 = arith.addf %mul3A_108, %mul3A_119 : vector<16xf32>
    %swap3A_121 = arith.constant 3 : i32
    %swap3A_122 = arith.index_cast %swap3A_121 : i32 to index
    %swap3A_123 = arith.constant 0 : index
    %swap3A_124 = tpu.vector_load %arg12[%swap3A_122, %swap3A_123] {strides = array<i32>} : memref<64x16xf32, #tpu.memory_space<vmem>>, vector<1x16xf32>,
    %swap3A_125 = vector.shape_cast %swap3A_124 : vector<1x16xf32> to vector<16xf32>
    %swap3A_126 = vector.shape_cast %add3A_120 : vector<16xf32> to vector<1x16xf32>
    tpu.vector_store %arg12[%swap3A_122, %swap3A_123], %swap3A_126 {strides = array<i32>} : memref<64x16xf32, #tpu.memory_space<vmem>>, vector<1x16xf32>,
    %get3A_127 = arith.constant 4 : i32
    %get3A_128 = arith.index_cast %get3A_127 : i32 to index
    %get3A_129 = arith.constant 0 : index
    %get3A_130 = tpu.vector_load %arg9[%get3A_128, %get3A_129] {strides = array<i32>} : memref<64x128xf32, #tpu.memory_space<vmem>>, vector<1x16xf32>,
    %get3A_131 = vector.shape_cast %get3A_130 : vector<1x16xf32> to vector<16xf32>
    %get3A_132 = arith.constant 4 : i32
    %get3A_133 = arith.index_cast %get3A_132 : i32 to index
    %get3A_134 = arith.constant 0 : index
    %get3A_135 = tpu.vector_load %arg10[%get3A_133, %get3A_134] {strides = array<i32>} : memref<64x128xf32, #tpu.memory_space<vmem>>, vector<1x16xf32>,
    %get3A_136 = vector.shape_cast %get3A_135 : vector<1x16xf32> to vector<16xf32>
    %mul3A_137 = arith.mulf %get3A_131, %get3A_136 : vector<16xf32>
    %get3A_138 = arith.constant 4 : i32
    %get3A_139 = arith.index_cast %get3A_138 : i32 to index
    %get3A_140 = arith.constant 16 : index
    %get3A_141 = tpu.vector_load %arg9[%get3A_139, %get3A_140] {strides = array<i32>} : memref<64x128xf32, #tpu.memory_space<vmem>>, vector<1x16xf32>,
    %get3A_142 = vector.shape_cast %get3A_141 : vector<1x16xf32> to vector<16xf32>
    %get3A_143 = arith.constant 4 : i32
    %get3A_144 = arith.index_cast %get3A_143 : i32 to index
    %get3A_145 = arith.constant 0 : index
    %get3A_146 = tpu.vector_load %arg11[%get3A_144, %get3A_145] {strides = array<i32>} : memref<64x128xf32, #tpu.memory_space<vmem>>, vector<1x16xf32>,
    %get3A_147 = vector.shape_cast %get3A_146 : vector<1x16xf32> to vector<16xf32>
    %mul3A_148 = arith.mulf %get3A_142, %get3A_147 : vector<16xf32>
    %add3A_149 = arith.addf %mul3A_137, %mul3A_148 : vector<16xf32>
    %swap3A_150 = arith.constant 4 : i32
    %swap3A_151 = arith.index_cast %swap3A_150 : i32 to index
    %swap3A_152 = arith.constant 0 : index
    %swap3A_153 = tpu.vector_load %arg12[%swap3A_151, %swap3A_152] {strides = array<i32>} : memref<64x16xf32, #tpu.memory_space<vmem>>, vector<1x16xf32>,
    %swap3A_154 = vector.shape_cast %swap3A_153 : vector<1x16xf32> to vector<16xf32>
    %swap3A_155 = vector.shape_cast %add3A_149 : vector<16xf32> to vector<1x16xf32>
    tpu.vector_store %arg12[%swap3A_151, %swap3A_152], %swap3A_155 {strides = array<i32>} : memref<64x16xf32, #tpu.memory_space<vmem>>, vector<1x16xf32>,
    %get3A_156 = arith.constant 5 : i32
    %get3A_157 = arith.index_cast %get3A_156 : i32 to index
    %get3A_158 = arith.constant 0 : index
    %get3A_159 = tpu.vector_load %arg9[%get3A_157, %get3A_158] {strides = array<i32>} : memref<64x128xf32, #tpu.memory_space<vmem>>, vector<1x16xf32>,
    %get3A_160 = vector.shape_cast %get3A_159 : vector<1x16xf32> to vector<16xf32>
    %get3A_161 = arith.constant 5 : i32
    %get3A_162 = arith.index_cast %get3A_161 : i32 to index
    %get3A_163 = arith.constant 0 : index
    %get3A_164 = tpu.vector_load %arg10[%get3A_162, %get3A_163] {strides = array<i32>} : memref<64x128xf32, #tpu.memory_space<vmem>>, vector<1x16xf32>,
    %get3A_165 = vector.shape_cast %get3A_164 : vector<1x16xf32> to vector<16xf32>
    %mul3A_166 = arith.mulf %get3A_160, %get3A_165 : vector<16xf32>
    %get3A_167 = arith.constant 5 : i32
    %get3A_168 = arith.index_cast %get3A_167 : i32 to index
    %get3A_169 = arith.constant 16 : index
    %get3A_170 = tpu.vector_load %arg9[%get3A_168, %get3A_169] {strides = array<i32>} : memref<64x128xf32, #tpu.memory_space<vmem>>, vector<1x16xf32>,
    %get3A_171 = vector.shape_cast %get3A_170 : vector<1x16xf32> to vector<16xf32>
    %get3A_172 = arith.constant 5 : i32
    %get3A_173 = arith.index_cast %get3A_172 : i32 to index
    %get3A_174 = arith.constant 0 : index
    %get3A_175 = tpu.vector_load %arg11[%get3A_173, %get3A_174] {strides = array<i32>} : memref<64x128xf32, #tpu.memory_space<vmem>>, vector<1x16xf32>,
    %get3A_176 = vector.shape_cast %get3A_175 : vector<1x16xf32> to vector<16xf32>
    %mul3A_177 = arith.mulf %get3A_171, %get3A_176 : vector<16xf32>
    %add3A_178 = arith.addf %mul3A_166, %mul3A_177 : vector<16xf32>
    %swap3A_179 = arith.constant 5 : i32
    %swap3A_180 = arith.index_cast %swap3A_179 : i32 to index
    %swap3A_181 = arith.constant 0 : index
    %swap3A_182 = tpu.vector_load %arg12[%swap3A_180, %swap3A_181] {strides = array<i32>} : memref<64x16xf32, #tpu.memory_space<vmem>>, vector<1x16xf32>,
    %swap3A_183 = vector.shape_cast %swap3A_182 : vector<1x16xf32> to vector<16xf32>
    %swap3A_184 = vector.shape_cast %add3A_178 : vector<16xf32> to vector<1x16xf32>
    tpu.vector_store %arg12[%swap3A_180, %swap3A_181], %swap3A_184 {strides = array<i32>} : memref<64x16xf32, #tpu.memory_space<vmem>>, vector<1x16xf32>,
    %get3A_185 = arith.constant 6 : i32
    %get3A_186 = arith.index_cast %get3A_185 : i32 to index
    %get3A_187 = arith.constant 0 : index
    %get3A_188 = tpu.vector_load %arg9[%get3A_186, %get3A_187] {strides = array<i32>} : memref<64x128xf32, #tpu.memory_space<vmem>>, vector<1x16xf32>,
    %get3A_189 = vector.shape_cast %get3A_188 : vector<1x16xf32> to vector<16xf32>
    %get3A_190 = arith.constant 6 : i32
    %get3A_191 = arith.index_cast %get3A_190 : i32 to index
    %get3A_192 = arith.constant 0 : index
    %get3A_193 = tpu.vector_load %arg10[%get3A_191, %get3A_192] {strides = array<i32>} : memref<64x128xf32, #tpu.memory_space<vmem>>, vector<1x16xf32>,
    %get3A_194 = vector.shape_cast %get3A_193 : vector<1x16xf32> to vector<16xf32>
    %mul3A_195 = arith.mulf %get3A_189, %get3A_194 : vector<16xf32>
    %get3A_196 = arith.constant 6 : i32
    %get3A_197 = arith.index_cast %get3A_196 : i32 to index
    %get3A_198 = arith.constant 16 : index
    %get3A_199 = tpu.vector_load %arg9[%get3A_197, %get3A_198] {strides = array<i32>} : memref<64x128xf32, #tpu.memory_space<vmem>>, vector<1x16xf32>,
    %get3A_200 = vector.shape_cast %get3A_199 : vector<1x16xf32> to vector<16xf32>
    %get3A_201 = arith.constant 6 : i32
    %get3A_202 = arith.index_cast %get3A_201 : i32 to index
    %get3A_203 = arith.constant 0 : index
    %get3A_204 = tpu.vector_load %arg11[%get3A_202, %get3A_203] {strides = array<i32>} : memref<64x128xf32, #tpu.memory_space<vmem>>, vector<1x16xf32>,
    %get3A_205 = vector.shape_cast %get3A_204 : vector<1x16xf32> to vector<16xf32>
    %mul3A_206 = arith.mulf %get3A_200, %get3A_205 : vector<16xf32>
    %add3A_207 = arith.addf %mul3A_195, %mul3A_206 : vector<16xf32>
    %swap3A_208 = arith.constant 6 : i32
    %swap3A_209 = arith.index_cast %swap3A_208 : i32 to index
    %swap3A_210 = arith.constant 0 : index
    %swap3A_211 = tpu.vector_load %arg12[%swap3A_209, %swap3A_210] {strides = array<i32>} : memref<64x16xf32, #tpu.memory_space<vmem>>, vector<1x16xf32>,
    %swap3A_212 = vector.shape_cast %swap3A_211 : vector<1x16xf32> to vector<16xf32>
    %swap3A_213 = vector.shape_cast %add3A_207 : vector<16xf32> to vector<1x16xf32>
    tpu.vector_store %arg12[%swap3A_209, %swap3A_210], %swap3A_213 {strides = array<i32>} : memref<64x16xf32, #tpu.memory_space<vmem>>, vector<1x16xf32>,
    %get3A_214 = arith.constant 7 : i32
    %get3A_215 = arith.index_cast %get3A_214 : i32 to index
    %get3A_216 = arith.constant 0 : index
    %get3A_217 = tpu.vector_load %arg9[%get3A_215, %get3A_216] {strides = array<i32>} : memref<64x128xf32, #tpu.memory_space<vmem>>, vector<1x16xf32>,
    %get3A_218 = vector.shape_cast %get3A_217 : vector<1x16xf32> to vector<16xf32>
    %get3A_219 = arith.constant 7 : i32
    %get3A_220 = arith.index_cast %get3A_219 : i32 to index
    %get3A_221 = arith.constant 0 : index
    %get3A_222 = tpu.vector_load %arg10[%get3A_220, %get3A_221] {strides = array<i32>} : memref<64x128xf32, #tpu.memory_space<vmem>>, vector<1x16xf32>,
    %get3A_223 = vector.shape_cast %get3A_222 : vector<1x16xf32> to vector<16xf32>
    %mul3A_224 = arith.mulf %get3A_218, %get3A_223 : vector<16xf32>
    %get3A_225 = arith.constant 7 : i32
    %get3A_226 = arith.index_cast %get3A_225 : i32 to index
    %get3A_227 = arith.constant 16 : index
    %get3A_228 = tpu.vector_load %arg9[%get3A_226, %get3A_227] {strides = array<i32>} : memref<64x128xf32, #tpu.memory_space<vmem>>, vector<1x16xf32>,
    %get3A_229 = vector.shape_cast %get3A_228 : vector<1x16xf32> to vector<16xf32>
    %get3A_230 = arith.constant 7 : i32
    %get3A_231 = arith.index_cast %get3A_230 : i32 to index
    %get3A_232 = arith.constant 0 : index
    %get3A_233 = tpu.vector_load %arg11[%get3A_231, %get3A_232] {strides = array<i32>} : memref<64x128xf32, #tpu.memory_space<vmem>>, vector<1x16xf32>,
    %get3A_234 = vector.shape_cast %get3A_233 : vector<1x16xf32> to vector<16xf32>
    %mul3A_235 = arith.mulf %get3A_229, %get3A_234 : vector<16xf32>
    %add3A_236 = arith.addf %mul3A_224, %mul3A_235 : vector<16xf32>
    %swap3A_237 = arith.constant 7 : i32
    %swap3A_238 = arith.index_cast %swap3A_237 : i32 to index
    %swap3A_239 = arith.constant 0 : index
    %swap3A_240 = tpu.vector_load %arg12[%swap3A_238, %swap3A_239] {strides = array<i32>} : memref<64x16xf32, #tpu.memory_space<vmem>>, vector<1x16xf32>,
    %swap3A_241 = vector.shape_cast %swap3A_240 : vector<1x16xf32> to vector<16xf32>
    %swap3A_242 = vector.shape_cast %add3A_236 : vector<16xf32> to vector<1x16xf32>
    tpu.vector_store %arg12[%swap3A_238, %swap3A_239], %swap3A_242 {strides = array<i32>} : memref<64x16xf32, #tpu.memory_space<vmem>>, vector<1x16xf32>,
    %get3A_243 = arith.constant 8 : i32
    %get3A_244 = arith.index_cast %get3A_243 : i32 to index
    %get3A_245 = arith.constant 0 : index
    %get3A_246 = tpu.vector_load %arg9[%get3A_244, %get3A_245] {strides = array<i32>} : memref<64x128xf32, #tpu.memory_space<vmem>>, vector<1x16xf32>,
    %get3A_247 = vector.shape_cast %get3A_246 : vector<1x16xf32> to vector<16xf32>
    %get3A_248 = arith.constant 8 : i32
    %get3A_249 = arith.index_cast %get3A_248 : i32 to index
    %get3A_250 = arith.constant 0 : index
    %get3A_251 = tpu.vector_load %arg10[%get3A_249, %get3A_250] {strides = array<i32>} : memref<64x128xf32, #tpu.memory_space<vmem>>, vector<1x16xf32>,
    %get3A_252 = vector.shape_cast %get3A_251 : vector<1x16xf32> to vector<16xf32>
    %mul3A_253 = arith.mulf %get3A_247, %get3A_252 : vector<16xf32>
    %get3A_254 = arith.constant 8 : i32
    %get3A_255 = arith.index_cast %get3A_254 : i32 to index
    %get3A_256 = arith.constant 16 : index
    %get3A_257 = tpu.vector_load %arg9[%get3A_255, %get3A_256] {strides = array<i32>} : memref<64x128xf32, #tpu.memory_space<vmem>>, vector<1x16xf32>,
    %get3A_258 = vector.shape_cast %get3A_257 : vector<1x16xf32> to vector<16xf32>
    %get3A_259 = arith.constant 8 : i32
    %get3A_260 = arith.index_cast %get3A_259 : i32 to index
    %get3A_261 = arith.constant 0 : index
    %get3A_262 = tpu.vector_load %arg11[%get3A_260, %get3A_261] {strides = array<i32>} : memref<64x128xf32, #tpu.memory_space<vmem>>, vector<1x16xf32>,
    %get3A_263 = vector.shape_cast %get3A_262 : vector<1x16xf32> to vector<16xf32>
    %mul3A_264 = arith.mulf %get3A_258, %get3A_263 : vector<16xf32>
    %add3A_265 = arith.addf %mul3A_253, %mul3A_264 : vector<16xf32>
    %swap3A_266 = arith.constant 8 : i32
    %swap3A_267 = arith.index_cast %swap3A_266 : i32 to index
    %swap3A_268 = arith.constant 0 : index
    %swap3A_269 = tpu.vector_load %arg12[%swap3A_267, %swap3A_268] {strides = array<i32>} : memref<64x16xf32, #tpu.memory_space<vmem>>, vector<1x16xf32>,
    %swap3A_270 = vector.shape_cast %swap3A_269 : vector<1x16xf32> to vector<16xf32>
    %swap3A_271 = vector.shape_cast %add3A_265 : vector<16xf32> to vector<1x16xf32>
    tpu.vector_store %arg12[%swap3A_267, %swap3A_268], %swap3A_271 {strides = array<i32>} : memref<64x16xf32, #tpu.memory_space<vmem>>, vector<1x16xf32>,
    %get3A_272 = arith.constant 9 : i32
    %get3A_273 = arith.index_cast %get3A_272 : i32 to index
    %get3A_274 = arith.constant 0 : index
    %get3A_275 = tpu.vector_load %arg9[%get3A_273, %get3A_274] {strides = array<i32>} : memref<64x128xf32, #tpu.memory_space<vmem>>, vector<1x16xf32>,
    %get3A_276 = vector.shape_cast %get3A_275 : vector<1x16xf32> to vector<16xf32>
    %get3A_277 = arith.constant 9 : i32
    %get3A_278 = arith.index_cast %get3A_277 : i32 to index
    %get3A_279 = arith.constant 0 : index
    %get3A_280 = tpu.vector_load %arg10[%get3A_278, %get3A_279] {strides = array<i32>} : memref<64x128xf32, #tpu.memory_space<vmem>>, vector<1x16xf32>,
    %get3A_281 = vector.shape_cast %get3A_280 : vector<1x16xf32> to vector<16xf32>
    %mul3A_282 = arith.mulf %get3A_276, %get3A_281 : vector<16xf32>
    %get3A_283 = arith.constant 9 : i32
    %get3A_284 = arith.index_cast %get3A_283 : i32 to index
    %get3A_285 = arith.constant 16 : index
    %get3A_286 = tpu.vector_load %arg9[%get3A_284, %get3A_285] {strides = array<i32>} : memref<64x128xf32, #tpu.memory_space<vmem>>, vector<1x16xf32>,
    %get3A_287 = vector.shape_cast %get3A_286 : vector<1x16xf32> to vector<16xf32>
    %get3A_288 = arith.constant 9 : i32
    %get3A_289 = arith.index_cast %get3A_288 : i32 to index
    %get3A_290 = arith.constant 0 : index
    %get3A_291 = tpu.vector_load %arg11[%get3A_289, %get3A_290] {strides = array<i32>} : memref<64x128xf32, #tpu.memory_space<vmem>>, vector<1x16xf32>,
    %get3A_292 = vector.shape_cast %get3A_291 : vector<1x16xf32> to vector<16xf32>
    %mul3A_293 = arith.mulf %get3A_287, %get3A_292 : vector<16xf32>
    %add3A_294 = arith.addf %mul3A_282, %mul3A_293 : vector<16xf32>
    %swap3A_295 = arith.constant 9 : i32
    %swap3A_296 = arith.index_cast %swap3A_295 : i32 to index
    %swap3A_297 = arith.constant 0 : index
    %swap3A_298 = tpu.vector_load %arg12[%swap3A_296, %swap3A_297] {strides = array<i32>} : memref<64x16xf32, #tpu.memory_space<vmem>>, vector<1x16xf32>,
    %swap3A_299 = vector.shape_cast %swap3A_298 : vector<1x16xf32> to vector<16xf32>
    %swap3A_300 = vector.shape_cast %add3A_294 : vector<16xf32> to vector<1x16xf32>
    tpu.vector_store %arg12[%swap3A_296, %swap3A_297], %swap3A_300 {strides = array<i32>} : memref<64x16xf32, #tpu.memory_space<vmem>>, vector<1x16xf32>,
    %get3A_301 = arith.constant 10 : i32
    %get3A_302 = arith.index_cast %get3A_301 : i32 to index
    %get3A_303 = arith.constant 0 : index
    %get3A_304 = tpu.vector_load %arg9[%get3A_302, %get3A_303] {strides = array<i32>} : memref<64x128xf32, #tpu.memory_space<vmem>>, vector<1x16xf32>,
    %get3A_305 = vector.shape_cast %get3A_304 : vector<1x16xf32> to vector<16xf32>
    %get3A_306 = arith.constant 10 : i32
    %get3A_307 = arith.index_cast %get3A_306 : i32 to index
    %get3A_308 = arith.constant 0 : index
    %get3A_309 = tpu.vector_load %arg10[%get3A_307, %get3A_308] {strides = array<i32>} : memref<64x128xf32, #tpu.memory_space<vmem>>, vector<1x16xf32>,
    %get3A_310 = vector.shape_cast %get3A_309 : vector<1x16xf32> to vector<16xf32>
    %mul3A_311 = arith.mulf %get3A_305, %get3A_310 : vector<16xf32>
    %get3A_312 = arith.constant 10 : i32
    %get3A_313 = arith.index_cast %get3A_312 : i32 to index
    %get3A_314 = arith.constant 16 : index
    %get3A_315 = tpu.vector_load %arg9[%get3A_313, %get3A_314] {strides = array<i32>} : memref<64x128xf32, #tpu.memory_space<vmem>>, vector<1x16xf32>,
    %get3A_316 = vector.shape_cast %get3A_315 : vector<1x16xf32> to vector<16xf32>
    %get3A_317 = arith.constant 10 : i32
    %get3A_318 = arith.index_cast %get3A_317 : i32 to index
    %get3A_319 = arith.constant 0 : index
    %get3A_320 = tpu.vector_load %arg11[%get3A_318, %get3A_319] {strides = array<i32>} : memref<64x128xf32, #tpu.memory_space<vmem>>, vector<1x16xf32>,
    %get3A_321 = vector.shape_cast %get3A_320 : vector<1x16xf32> to vector<16xf32>
    %mul3A_322 = arith.mulf %get3A_316, %get3A_321 : vector<16xf32>
    %add3A_323 = arith.addf %mul3A_311, %mul3A_322 : vector<16xf32>
    %swap3A_324 = arith.constant 10 : i32
    %swap3A_325 = arith.index_cast %swap3A_324 : i32 to index
    %swap3A_326 = arith.constant 0 : index
    %swap3A_327 = tpu.vector_load %arg12[%swap3A_325, %swap3A_326] {strides = array<i32>} : memref<64x16xf32, #tpu.memory_space<vmem>>, vector<1x16xf32>,
    %swap3A_328 = vector.shape_cast %swap3A_327 : vector<1x16xf32> to vector<16xf32>
    %swap3A_329 = vector.shape_cast %add3A_323 : vector<16xf32> to vector<1x16xf32>
    tpu.vector_store %arg12[%swap3A_325, %swap3A_326], %swap3A_329 {strides = array<i32>} : memref<64x16xf32, #tpu.memory_space<vmem>>, vector<1x16xf32>,
    %get3A_330 = arith.constant 11 : i32
    %get3A_331 = arith.index_cast %get3A_330 : i32 to index
    %get3A_332 = arith.constant 0 : index
    %get3A_333 = tpu.vector_load %arg9[%get3A_331, %get3A_332] {strides = array<i32>} : memref<64x128xf32, #tpu.memory_space<vmem>>, vector<1x16xf32>,
    %get3A_334 = vector.shape_cast %get3A_333 : vector<1x16xf32> to vector<16xf32>
    %get3A_335 = arith.constant 11 : i32
    %get3A_336 = arith.index_cast %get3A_335 : i32 to index
    %get3A_337 = arith.constant 0 : index
    %get3A_338 = tpu.vector_load %arg10[%get3A_336, %get3A_337] {strides = array<i32>} : memref<64x128xf32, #tpu.memory_space<vmem>>, vector<1x16xf32>,
    %get3A_339 = vector.shape_cast %get3A_338 : vector<1x16xf32> to vector<16xf32>
    %mul3A_340 = arith.mulf %get3A_334, %get3A_339 : vector<16xf32>
    %get3A_341 = arith.constant 11 : i32
    %get3A_342 = arith.index_cast %get3A_341 : i32 to index
    %get3A_343 = arith.constant 16 : index
    %get3A_344 = tpu.vector_load %arg9[%get3A_342, %get3A_343] {strides = array<i32>} : memref<64x128xf32, #tpu.memory_space<vmem>>, vector<1x16xf32>,
    %get3A_345 = vector.shape_cast %get3A_344 : vector<1x16xf32> to vector<16xf32>
    %get3A_346 = arith.constant 11 : i32
    %get3A_347 = arith.index_cast %get3A_346 : i32 to index
    %get3A_348 = arith.constant 0 : index
    %get3A_349 = tpu.vector_load %arg11[%get3A_347, %get3A_348] {strides = array<i32>} : memref<64x128xf32, #tpu.memory_space<vmem>>, vector<1x16xf32>,
    %get3A_350 = vector.shape_cast %get3A_349 : vector<1x16xf32> to vector<16xf32>
    %mul3A_351 = arith.mulf %get3A_345, %get3A_350 : vector<16xf32>
    %add3A_352 = arith.addf %mul3A_340, %mul3A_351 : vector<16xf32>
    %swap3A_353 = arith.constant 11 : i32
    %swap3A_354 = arith.index_cast %swap3A_353 : i32 to index
    %swap3A_355 = arith.constant 0 : index
    %swap3A_356 = tpu.vector_load %arg12[%swap3A_354, %swap3A_355] {strides = array<i32>} : memref<64x16xf32, #tpu.memory_space<vmem>>, vector<1x16xf32>,
    %swap3A_357 = vector.shape_cast %swap3A_356 : vector<1x16xf32> to vector<16xf32>
    %swap3A_358 = vector.shape_cast %add3A_352 : vector<16xf32> to vector<1x16xf32>
    tpu.vector_store %arg12[%swap3A_354, %swap3A_355], %swap3A_358 {strides = array<i32>} : memref<64x16xf32, #tpu.memory_space<vmem>>, vector<1x16xf32>,
    %get3A_359 = arith.constant 12 : i32
    %get3A_360 = arith.index_cast %get3A_359 : i32 to index
    %get3A_361 = arith.constant 0 : index
    %get3A_362 = tpu.vector_load %arg9[%get3A_360, %get3A_361] {strides = array<i32>} : memref<64x128xf32, #tpu.memory_space<vmem>>, vector<1x16xf32>,
    %get3A_363 = vector.shape_cast %get3A_362 : vector<1x16xf32> to vector<16xf32>
    %get3A_364 = arith.constant 12 : i32
    %get3A_365 = arith.index_cast %get3A_364 : i32 to index
    %get3A_366 = arith.constant 0 : index
    %get3A_367 = tpu.vector_load %arg10[%get3A_365, %get3A_366] {strides = array<i32>} : memref<64x128xf32, #tpu.memory_space<vmem>>, vector<1x16xf32>,
    %get3A_368 = vector.shape_cast %get3A_367 : vector<1x16xf32> to vector<16xf32>
    %mul3A_369 = arith.mulf %get3A_363, %get3A_368 : vector<16xf32>
    %get3A_370 = arith.constant 12 : i32
    %get3A_371 = arith.index_cast %get3A_370 : i32 to index
    %get3A_372 = arith.constant 16 : index
    %get3A_373 = tpu.vector_load %arg9[%get3A_371, %get3A_372] {strides = array<i32>} : memref<64x128xf32, #tpu.memory_space<vmem>>, vector<1x16xf32>,
    %get3A_374 = vector.shape_cast %get3A_373 : vector<1x16xf32> to vector<16xf32>
    %get3A_375 = arith.constant 12 : i32
    %get3A_376 = arith.index_cast %get3A_375 : i32 to index
    %get3A_377 = arith.constant 0 : index
    %get3A_378 = tpu.vector_load %arg11[%get3A_376, %get3A_377] {strides = array<i32>} : memref<64x128xf32, #tpu.memory_space<vmem>>, vector<1x16xf32>,
    %get3A_379 = vector.shape_cast %get3A_378 : vector<1x16xf32> to vector<16xf32>
    %mul3A_380 = arith.mulf %get3A_374, %get3A_379 : vector<16xf32>
    %add3A_381 = arith.addf %mul3A_369, %mul3A_380 : vector<16xf32>
    %swap3A_382 = arith.constant 12 : i32
    %swap3A_383 = arith.index_cast %swap3A_382 : i32 to index
    %swap3A_384 = arith.constant 0 : index
    %swap3A_385 = tpu.vector_load %arg12[%swap3A_383, %swap3A_384] {strides = array<i32>} : memref<64x16xf32, #tpu.memory_space<vmem>>, vector<1x16xf32>,
    %swap3A_386 = vector.shape_cast %swap3A_385 : vector<1x16xf32> to vector<16xf32>
    %swap3A_387 = vector.shape_cast %add3A_381 : vector<16xf32> to vector<1x16xf32>
    tpu.vector_store %arg12[%swap3A_383, %swap3A_384], %swap3A_387 {strides = array<i32>} : memref<64x16xf32, #tpu.memory_space<vmem>>, vector<1x16xf32>,
    %get3A_388 = arith.constant 13 : i32
    %get3A_389 = arith.index_cast %get3A_388 : i32 to index
    %get3A_390 = arith.constant 0 : index
    %get3A_391 = tpu.vector_load %arg9[%get3A_389, %get3A_390] {strides = array<i32>} : memref<64x128xf32, #tpu.memory_space<vmem>>, vector<1x16xf32>,
    %get3A_392 = vector.shape_cast %get3A_391 : vector<1x16xf32> to vector<16xf32>
    %get3A_393 = arith.constant 13 : i32
    %get3A_394 = arith.index_cast %get3A_393 : i32 to index
    %get3A_395 = arith.constant 0 : index
    %get3A_396 = tpu.vector_load %arg10[%get3A_394, %get3A_395] {strides = array<i32>} : memref<64x128xf32, #tpu.memory_space<vmem>>, vector<1x16xf32>,
    %get3A_397 = vector.shape_cast %get3A_396 : vector<1x16xf32> to vector<16xf32>
    %mul3A_398 = arith.mulf %get3A_392, %get3A_397 : vector<16xf32>
    %get3A_399 = arith.constant 13 : i32
    %get3A_400 = arith.index_cast %get3A_399 : i32 to index
    %get3A_401 = arith.constant 16 : index
    %get3A_402 = tpu.vector_load %arg9[%get3A_400, %get3A_401] {strides = array<i32>} : memref<64x128xf32, #tpu.memory_space<vmem>>, vector<1x16xf32>,
    %get3A_403 = vector.shape_cast %get3A_402 : vector<1x16xf32> to vector<16xf32>
    %get3A_404 = arith.constant 13 : i32
    %get3A_405 = arith.index_cast %get3A_404 : i32 to index
    %get3A_406 = arith.constant 0 : index
    %get3A_407 = tpu.vector_load %arg11[%get3A_405, %get3A_406] {strides = array<i32>} : memref<64x128xf32, #tpu.memory_space<vmem>>, vector<1x16xf32>,
    %get3A_408 = vector.shape_cast %get3A_407 : vector<1x16xf32> to vector<16xf32>
    %mul3A_409 = arith.mulf %get3A_403, %get3A_408 : vector<16xf32>
    %add3A_410 = arith.addf %mul3A_398, %mul3A_409 : vector<16xf32>
    %swap3A_411 = arith.constant 13 : i32
    %swap3A_412 = arith.index_cast %swap3A_411 : i32 to index
    %swap3A_413 = arith.constant 0 : index
    %swap3A_414 = tpu.vector_load %arg12[%swap3A_412, %swap3A_413] {strides = array<i32>} : memref<64x16xf32, #tpu.memory_space<vmem>>, vector<1x16xf32>,
    %swap3A_415 = vector.shape_cast %swap3A_414 : vector<1x16xf32> to vector<16xf32>
    %swap3A_416 = vector.shape_cast %add3A_410 : vector<16xf32> to vector<1x16xf32>
    tpu.vector_store %arg12[%swap3A_412, %swap3A_413], %swap3A_416 {strides = array<i32>} : memref<64x16xf32, #tpu.memory_space<vmem>>, vector<1x16xf32>,
    %get3A_417 = arith.constant 14 : i32
    %get3A_418 = arith.index_cast %get3A_417 : i32 to index
    %get3A_419 = arith.constant 0 : index
    %get3A_420 = tpu.vector_load %arg9[%get3A_418, %get3A_419] {strides = array<i32>} : memref<64x128xf32, #tpu.memory_space<vmem>>, vector<1x16xf32>,
    %get3A_421 = vector.shape_cast %get3A_420 : vector<1x16xf32> to vector<16xf32>
    %get3A_422 = arith.constant 14 : i32
    %get3A_423 = arith.index_cast %get3A_422 : i32 to index
    %get3A_424 = arith.constant 0 : index
    %get3A_425 = tpu.vector_load %arg10[%get3A_423, %get3A_424] {strides = array<i32>} : memref<64x128xf32, #tpu.memory_space<vmem>>, vector<1x16xf32>,
    %get3A_426 = vector.shape_cast %get3A_425 : vector<1x16xf32> to vector<16xf32>
    %mul3A_427 = arith.mulf %get3A_421, %get3A_426 : vector<16xf32>
    %get3A_428 = arith.constant 14 : i32
    %get3A_429 = arith.index_cast %get3A_428 : i32 to index
    %get3A_430 = arith.constant 16 : index
    %get3A_431 = tpu.vector_load %arg9[%get3A_429, %get3A_430] {strides = array<i32>} : memref<64x128xf32, #tpu.memory_space<vmem>>, vector<1x16xf32>,
    %get3A_432 = vector.shape_cast %get3A_431 : vector<1x16xf32> to vector<16xf32>
    %get3A_433 = arith.constant 14 : i32
    %get3A_434 = arith.index_cast %get3A_433 : i32 to index
    %get3A_435 = arith.constant 0 : index
    %get3A_436 = tpu.vector_load %arg11[%get3A_434, %get3A_435] {strides = array<i32>} : memref<64x128xf32, #tpu.memory_space<vmem>>, vector<1x16xf32>,
    %get3A_437 = vector.shape_cast %get3A_436 : vector<1x16xf32> to vector<16xf32>
    %mul3A_438 = arith.mulf %get3A_432, %get3A_437 : vector<16xf32>
    %add3A_439 = arith.addf %mul3A_427, %mul3A_438 : vector<16xf32>
    %swap3A_440 = arith.constant 14 : i32
    %swap3A_441 = arith.index_cast %swap3A_440 : i32 to index
    %swap3A_442 = arith.constant 0 : index
    %swap3A_443 = tpu.vector_load %arg12[%swap3A_441, %swap3A_442] {strides = array<i32>} : memref<64x16xf32, #tpu.memory_space<vmem>>, vector<1x16xf32>,
    %swap3A_444 = vector.shape_cast %swap3A_443 : vector<1x16xf32> to vector<16xf32>
    %swap3A_445 = vector.shape_cast %add3A_439 : vector<16xf32> to vector<1x16xf32>
    tpu.vector_store %arg12[%swap3A_441, %swap3A_442], %swap3A_445 {strides = array<i32>} : memref<64x16xf32, #tpu.memory_space<vmem>>, vector<1x16xf32>,
    %get3A_446 = arith.constant 15 : i32
    %get3A_447 = arith.index_cast %get3A_446 : i32 to index
    %get3A_448 = arith.constant 0 : index
    %get3A_449 = tpu.vector_load %arg9[%get3A_447, %get3A_448] {strides = array<i32>} : memref<64x128xf32, #tpu.memory_space<vmem>>, vector<1x16xf32>,
    %get3A_450 = vector.shape_cast %get3A_449 : vector<1x16xf32> to vector<16xf32>
    %get3A_451 = arith.constant 15 : i32
    %get3A_452 = arith.index_cast %get3A_451 : i32 to index
    %get3A_453 = arith.constant 0 : index
    %get3A_454 = tpu.vector_load %arg10[%get3A_452, %get3A_453] {strides = array<i32>} : memref<64x128xf32, #tpu.memory_space<vmem>>, vector<1x16xf32>,
    %get3A_455 = vector.shape_cast %get3A_454 : vector<1x16xf32> to vector<16xf32>
    %mul3A_456 = arith.mulf %get3A_450, %get3A_455 : vector<16xf32>
    %get3A_457 = arith.constant 15 : i32
    %get3A_458 = arith.index_cast %get3A_457 : i32 to index
    %get3A_459 = arith.constant 16 : index
    %get3A_460 = tpu.vector_load %arg9[%get3A_458, %get3A_459] {strides = array<i32>} : memref<64x128xf32, #tpu.memory_space<vmem>>, vector<1x16xf32>,
    %get3A_461 = vector.shape_cast %get3A_460 : vector<1x16xf32> to vector<16xf32>
    %get3A_462 = arith.constant 15 : i32
    %get3A_463 = arith.index_cast %get3A_462 : i32 to index
    %get3A_464 = arith.constant 0 : index
    %get3A_465 = tpu.vector_load %arg11[%get3A_463, %get3A_464] {strides = array<i32>} : memref<64x128xf32, #tpu.memory_space<vmem>>, vector<1x16xf32>,
    %get3A_466 = vector.shape_cast %get3A_465 : vector<1x16xf32> to vector<16xf32>
    %mul3A_467 = arith.mulf %get3A_461, %get3A_466 : vector<16xf32>
    %add3A_468 = arith.addf %mul3A_456, %mul3A_467 : vector<16xf32>
    %swap3A_469 = arith.constant 15 : i32
    %swap3A_470 = arith.index_cast %swap3A_469 : i32 to index
    %swap3A_471 = arith.constant 0 : index
    %swap3A_472 = tpu.vector_load %arg12[%swap3A_470, %swap3A_471] {strides = array<i32>} : memref<64x16xf32, #tpu.memory_space<vmem>>, vector<1x16xf32>,
    %swap3A_473 = vector.shape_cast %swap3A_472 : vector<1x16xf32> to vector<16xf32>
    %swap3A_474 = vector.shape_cast %add3A_468 : vector<16xf32> to vector<1x16xf32>
    tpu.vector_store %arg12[%swap3A_470, %swap3A_471], %swap3A_474 {strides = array<i32>} : memref<64x16xf32, #tpu.memory_space<vmem>>, vector<1x16xf32>,
    %get3A_475 = arith.constant 16 : i32
    %get3A_476 = arith.index_cast %get3A_475 : i32 to index
    %get3A_477 = arith.constant 0 : index
    %get3A_478 = tpu.vector_load %arg9[%get3A_476, %get3A_477] {strides = array<i32>} : memref<64x128xf32, #tpu.memory_space<vmem>>, vector<1x16xf32>,
    %get3A_479 = vector.shape_cast %get3A_478 : vector<1x16xf32> to vector<16xf32>
    %get3A_480 = arith.constant 16 : i32
    %get3A_481 = arith.index_cast %get3A_480 : i32 to index
    %get3A_482 = arith.constant 0 : index
    %get3A_483 = tpu.vector_load %arg10[%get3A_481, %get3A_482] {strides = array<i32>} : memref<64x128xf32, #tpu.memory_space<vmem>>, vector<1x16xf32>,
    %get3A_484 = vector.shape_cast %get3A_483 : vector<1x16xf32> to vector<16xf32>
    %mul3A_485 = arith.mulf %get3A_479, %get3A_484 : vector<16xf32>
    %get3A_486 = arith.constant 16 : i32
    %get3A_487 = arith.index_cast %get3A_486 : i32 to index
    %get3A_488 = arith.constant 16 : index
    %get3A_489 = tpu.vector_load %arg9[%get3A_487, %get3A_488] {strides = array<i32>} : memref<64x128xf32, #tpu.memory_space<vmem>>, vector<1x16xf32>,
    %get3A_490 = vector.shape_cast %get3A_489 : vector<1x16xf32> to vector<16xf32>
    %get3A_491 = arith.constant 16 : i32
    %get3A_492 = arith.index_cast %get3A_491 : i32 to index
    %get3A_493 = arith.constant 0 : index
    %get3A_494 = tpu.vector_load %arg11[%get3A_492, %get3A_493] {strides = array<i32>} : memref<64x128xf32, #tpu.memory_space<vmem>>, vector<1x16xf32>,
    %get3A_495 = vector.shape_cast %get3A_494 : vector<1x16xf32> to vector<16xf32>
    %mul3A_496 = arith.mulf %get3A_490, %get3A_495 : vector<16xf32>
    %add3A_497 = arith.addf %mul3A_485, %mul3A_496 : vector<16xf32>
    %swap3A_498 = arith.constant 16 : i32
    %swap3A_499 = arith.index_cast %swap3A_498 : i32 to index
    %swap3A_500 = arith.constant 0 : index
    %swap3A_501 = tpu.vector_load %arg12[%swap3A_499, %swap3A_500] {strides = array<i32>} : memref<64x16xf32, #tpu.memory_space<vmem>>, vector<1x16xf32>,
    %swap3A_502 = vector.shape_cast %swap3A_501 : vector<1x16xf32> to vector<16xf32>
    %swap3A_503 = vector.shape_cast %add3A_497 : vector<16xf32> to vector<1x16xf32>
    tpu.vector_store %arg12[%swap3A_499, %swap3A_500], %swap3A_503 {strides = array<i32>} : memref<64x16xf32, #tpu.memory_space<vmem>>, vector<1x16xf32>,
    %get3A_504 = arith.constant 17 : i32
    %get3A_505 = arith.index_cast %get3A_504 : i32 to index
    %get3A_506 = arith.constant 0 : index
    %get3A_507 = tpu.vector_load %arg9[%get3A_505, %get3A_506] {strides = array<i32>} : memref<64x128xf32, #tpu.memory_space<vmem>>, vector<1x16xf32>,
    %get3A_508 = vector.shape_cast %get3A_507 : vector<1x16xf32> to vector<16xf32>
    %get3A_509 = arith.constant 17 : i32
    %get3A_510 = arith.index_cast %get3A_509 : i32 to index
    %get3A_511 = arith.constant 0 : index
    %get3A_512 = tpu.vector_load %arg10[%get3A_510, %get3A_511] {strides = array<i32>} : memref<64x128xf32, #tpu.memory_space<vmem>>, vector<1x16xf32>,
    %get3A_513 = vector.shape_cast %get3A_512 : vector<1x16xf32> to vector<16xf32>
    %mul3A_514 = arith.mulf %get3A_508, %get3A_513 : vector<16xf32>
    %get3A_515 = arith.constant 17 : i32
    %get3A_516 = arith.index_cast %get3A_515 : i32 to index
    %get3A_517 = arith.constant 16 : index
    %get3A_518 = tpu.vector_load %arg9[%get3A_516, %get3A_517] {strides = array<i32>} : memref<64x128xf32, #tpu.memory_space<vmem>>, vector<1x16xf32>,
    %get3A_519 = vector.shape_cast %get3A_518 : vector<1x16xf32> to vector<16xf32>
    %get3A_520 = arith.constant 17 : i32
    %get3A_521 = arith.index_cast %get3A_520 : i32 to index
    %get3A_522 = arith.constant 0 : index
    %get3A_523 = tpu.vector_load %arg11[%get3A_521, %get3A_522] {strides = array<i32>} : memref<64x128xf32, #tpu.memory_space<vmem>>, vector<1x16xf32>,
    %get3A_524 = vector.shape_cast %get3A_523 : vector<1x16xf32> to vector<16xf32>
    %mul3A_525 = arith.mulf %get3A_519, %get3A_524 : vector<16xf32>
    %add3A_526 = arith.addf %mul3A_514, %mul3A_525 : vector<16xf32>
    %swap3A_527 = arith.constant 17 : i32
    %swap3A_528 = arith.index_cast %swap3A_527 : i32 to index
    %swap3A_529 = arith.constant 0 : index
    %swap3A_530 = tpu.vector_load %arg12[%swap3A_528, %swap3A_529] {strides = array<i32>} : memref<64x16xf32, #tpu.memory_space<vmem>>, vector<1x16xf32>,
    %swap3A_531 = vector.shape_cast %swap3A_530 : vector<1x16xf32> to vector<16xf32>
    %swap3A_532 = vector.shape_cast %add3A_526 : vector<16xf32> to vector<1x16xf32>
    tpu.vector_store %arg12[%swap3A_528, %swap3A_529], %swap3A_532 {strides = array<i32>} : memref<64x16xf32, #tpu.memory_space<vmem>>, vector<1x16xf32>,
    %get3A_533 = arith.constant 18 : i32
    %get3A_534 = arith.index_cast %get3A_533 : i32 to index
    %get3A_535 = arith.constant 0 : index
    %get3A_536 = tpu.vector_load %arg9[%get3A_534, %get3A_535] {strides = array<i32>} : memref<64x128xf32, #tpu.memory_space<vmem>>, vector<1x16xf32>,
    %get3A_537 = vector.shape_cast %get3A_536 : vector<1x16xf32> to vector<16xf32>
    %get3A_538 = arith.constant 18 : i32
    %get3A_539 = arith.index_cast %get3A_538 : i32 to index
    %get3A_540 = arith.constant 0 : index
    %get3A_541 = tpu.vector_load %arg10[%get3A_539, %get3A_540] {strides = array<i32>} : memref<64x128xf32, #tpu.memory_space<vmem>>, vector<1x16xf32>,
    %get3A_542 = vector.shape_cast %get3A_541 : vector<1x16xf32> to vector<16xf32>
    %mul3A_543 = arith.mulf %get3A_537, %get3A_542 : vector<16xf32>
    %get3A_544 = arith.constant 18 : i32
    %get3A_545 = arith.index_cast %get3A_544 : i32 to index
    %get3A_546 = arith.constant 16 : index
    %get3A_547 = tpu.vector_load %arg9[%get3A_545, %get3A_546] {strides = array<i32>} : memref<64x128xf32, #tpu.memory_space<vmem>>, vector<1x16xf32>,
    %get3A_548 = vector.shape_cast %get3A_547 : vector<1x16xf32> to vector<16xf32>
    %get3A_549 = arith.constant 18 : i32
    %get3A_550 = arith.index_cast %get3A_549 : i32 to index
    %get3A_551 = arith.constant 0 : index
    %get3A_552 = tpu.vector_load %arg11[%get3A_550, %get3A_551] {strides = array<i32>} : memref<64x128xf32, #tpu.memory_space<vmem>>, vector<1x16xf32>,
    %get3A_553 = vector.shape_cast %get3A_552 : vector<1x16xf32> to vector<16xf32>
    %mul3A_554 = arith.mulf %get3A_548, %get3A_553 : vector<16xf32>
    %add3A_555 = arith.addf %mul3A_543, %mul3A_554 : vector<16xf32>
    %swap3A_556 = arith.constant 18 : i32
    %swap3A_557 = arith.index_cast %swap3A_556 : i32 to index
    %swap3A_558 = arith.constant 0 : index
    %swap3A_559 = tpu.vector_load %arg12[%swap3A_557, %swap3A_558] {strides = array<i32>} : memref<64x16xf32, #tpu.memory_space<vmem>>, vector<1x16xf32>,
    %swap3A_560 = vector.shape_cast %swap3A_559 : vector<1x16xf32> to vector<16xf32>
    %swap3A_561 = vector.shape_cast %add3A_555 : vector<16xf32> to vector<1x16xf32>
    tpu.vector_store %arg12[%swap3A_557, %swap3A_558], %swap3A_561 {strides = array<i32>} : memref<64x16xf32, #tpu.memory_space<vmem>>, vector<1x16xf32>,
    %get3A_562 = arith.constant 19 : i32
    %get3A_563 = arith.index_cast %get3A_562 : i32 to index
    %get3A_564 = arith.constant 0 : index
    %get3A_565 = tpu.vector_load %arg9[%get3A_563, %get3A_564] {strides = array<i32>} : memref<64x128xf32, #tpu.memory_space<vmem>>, vector<1x16xf32>,
    %get3A_566 = vector.shape_cast %get3A_565 : vector<1x16xf32> to vector<16xf32>
    %get3A_567 = arith.constant 19 : i32
    %get3A_568 = arith.index_cast %get3A_567 : i32 to index
    %get3A_569 = arith.constant 0 : index
    %get3A_570 = tpu.vector_load %arg10[%get3A_568, %get3A_569] {strides = array<i32>} : memref<64x128xf32, #tpu.memory_space<vmem>>, vector<1x16xf32>,
    %get3A_571 = vector.shape_cast %get3A_570 : vector<1x16xf32> to vector<16xf32>
    %mul3A_572 = arith.mulf %get3A_566, %get3A_571 : vector<16xf32>
    %get3A_573 = arith.constant 19 : i32
    %get3A_574 = arith.index_cast %get3A_573 : i32 to index
    %get3A_575 = arith.constant 16 : index
    %get3A_576 = tpu.vector_load %arg9[%get3A_574, %get3A_575] {strides = array<i32>} : memref<64x128xf32, #tpu.memory_space<vmem>>, vector<1x16xf32>,
    %get3A_577 = vector.shape_cast %get3A_576 : vector<1x16xf32> to vector<16xf32>
    %get3A_578 = arith.constant 19 : i32
    %get3A_579 = arith.index_cast %get3A_578 : i32 to index
    %get3A_580 = arith.constant 0 : index
    %get3A_581 = tpu.vector_load %arg11[%get3A_579, %get3A_580] {strides = array<i32>} : memref<64x128xf32, #tpu.memory_space<vmem>>, vector<1x16xf32>,
    %get3A_582 = vector.shape_cast %get3A_581 : vector<1x16xf32> to vector<16xf32>
    %mul3A_583 = arith.mulf %get3A_577, %get3A_582 : vector<16xf32>
    %add3A_584 = arith.addf %mul3A_572, %mul3A_583 : vector<16xf32>
    %swap3A_585 = arith.constant 19 : i32
    %swap3A_586 = arith.index_cast %swap3A_585 : i32 to index
    %swap3A_587 = arith.constant 0 : index
    %swap3A_588 = tpu.vector_load %arg12[%swap3A_586, %swap3A_587] {strides = array<i32>} : memref<64x16xf32, #tpu.memory_space<vmem>>, vector<1x16xf32>,
    %swap3A_589 = vector.shape_cast %swap3A_588 : vector<1x16xf32> to vector<16xf32>
    %swap3A_590 = vector.shape_cast %add3A_584 : vector<16xf32> to vector<1x16xf32>
    tpu.vector_store %arg12[%swap3A_586, %swap3A_587], %swap3A_590 {strides = array<i32>} : memref<64x16xf32, #tpu.memory_space<vmem>>, vector<1x16xf32>,
    %get3A_591 = arith.constant 20 : i32
    %get3A_592 = arith.index_cast %get3A_591 : i32 to index
    %get3A_593 = arith.constant 0 : index
    %get3A_594 = tpu.vector_load %arg9[%get3A_592, %get3A_593] {strides = array<i32>} : memref<64x128xf32, #tpu.memory_space<vmem>>, vector<1x16xf32>,
    %get3A_595 = vector.shape_cast %get3A_594 : vector<1x16xf32> to vector<16xf32>
    %get3A_596 = arith.constant 20 : i32
    %get3A_597 = arith.index_cast %get3A_596 : i32 to index
    %get3A_598 = arith.constant 0 : index
    %get3A_599 = tpu.vector_load %arg10[%get3A_597, %get3A_598] {strides = array<i32>} : memref<64x128xf32, #tpu.memory_space<vmem>>, vector<1x16xf32>,
    %get3A_600 = vector.shape_cast %get3A_599 : vector<1x16xf32> to vector<16xf32>
    %mul3A_601 = arith.mulf %get3A_595, %get3A_600 : vector<16xf32>
    %get3A_602 = arith.constant 20 : i32
    %get3A_603 = arith.index_cast %get3A_602 : i32 to index
    %get3A_604 = arith.constant 16 : index
    %get3A_605 = tpu.vector_load %arg9[%get3A_603, %get3A_604] {strides = array<i32>} : memref<64x128xf32, #tpu.memory_space<vmem>>, vector<1x16xf32>,
    %get3A_606 = vector.shape_cast %get3A_605 : vector<1x16xf32> to vector<16xf32>
    %get3A_607 = arith.constant 20 : i32
    %get3A_608 = arith.index_cast %get3A_607 : i32 to index
    %get3A_609 = arith.constant 0 : index
    %get3A_610 = tpu.vector_load %arg11[%get3A_608, %get3A_609] {strides = array<i32>} : memref<64x128xf32, #tpu.memory_space<vmem>>, vector<1x16xf32>,
    %get3A_611 = vector.shape_cast %get3A_610 : vector<1x16xf32> to vector<16xf32>
    %mul3A_612 = arith.mulf %get3A_606, %get3A_611 : vector<16xf32>
    %add3A_613 = arith.addf %mul3A_601, %mul3A_612 : vector<16xf32>
    %swap3A_614 = arith.constant 20 : i32
    %swap3A_615 = arith.index_cast %swap3A_614 : i32 to index
    %swap3A_616 = arith.constant 0 : index
    %swap3A_617 = tpu.vector_load %arg12[%swap3A_615, %swap3A_616] {strides = array<i32>} : memref<64x16xf32, #tpu.memory_space<vmem>>, vector<1x16xf32>,
    %swap3A_618 = vector.shape_cast %swap3A_617 : vector<1x16xf32> to vector<16xf32>
    %swap3A_619 = vector.shape_cast %add3A_613 : vector<16xf32> to vector<1x16xf32>
    tpu.vector_store %arg12[%swap3A_615, %swap3A_616], %swap3A_619 {strides = array<i32>} : memref<64x16xf32, #tpu.memory_space<vmem>>, vector<1x16xf32>,
    %get3A_620 = arith.constant 21 : i32
    %get3A_621 = arith.index_cast %get3A_620 : i32 to index
    %get3A_622 = arith.constant 0 : index
    %get3A_623 = tpu.vector_load %arg9[%get3A_621, %get3A_622] {strides = array<i32>} : memref<64x128xf32, #tpu.memory_space<vmem>>, vector<1x16xf32>,
    %get3A_624 = vector.shape_cast %get3A_623 : vector<1x16xf32> to vector<16xf32>
    %get3A_625 = arith.constant 21 : i32
    %get3A_626 = arith.index_cast %get3A_625 : i32 to index
    %get3A_627 = arith.constant 0 : index
    %get3A_628 = tpu.vector_load %arg10[%get3A_626, %get3A_627] {strides = array<i32>} : memref<64x128xf32, #tpu.memory_space<vmem>>, vector<1x16xf32>,
    %get3A_629 = vector.shape_cast %get3A_628 : vector<1x16xf32> to vector<16xf32>
    %mul3A_630 = arith.mulf %get3A_624, %get3A_629 : vector<16xf32>
    %get3A_631 = arith.constant 21 : i32
    %get3A_632 = arith.index_cast %get3A_631 : i32 to index
    %get3A_633 = arith.constant 16 : index
    %get3A_634 = tpu.vector_load %arg9[%get3A_632, %get3A_633] {strides = array<i32>} : memref<64x128xf32, #tpu.memory_space<vmem>>, vector<1x16xf32>,
    %get3A_635 = vector.shape_cast %get3A_634 : vector<1x16xf32> to vector<16xf32>
    %get3A_636 = arith.constant 21 : i32
    %get3A_637 = arith.index_cast %get3A_636 : i32 to index
    %get3A_638 = arith.constant 0 : index
    %get3A_639 = tpu.vector_load %arg11[%get3A_637, %get3A_638] {strides = array<i32>} : memref<64x128xf32, #tpu.memory_space<vmem>>, vector<1x16xf32>,
    %get3A_640 = vector.shape_cast %get3A_639 : vector<1x16xf32> to vector<16xf32>
    %mul3A_641 = arith.mulf %get3A_635, %get3A_640 : vector<16xf32>
    %add3A_642 = arith.addf %mul3A_630, %mul3A_641 : vector<16xf32>
    %swap3A_643 = arith.constant 21 : i32
    %swap3A_644 = arith.index_cast %swap3A_643 : i32 to index
    %swap3A_645 = arith.constant 0 : index
    %swap3A_646 = tpu.vector_load %arg12[%swap3A_644, %swap3A_645] {strides = array<i32>} : memref<64x16xf32, #tpu.memory_space<vmem>>, vector<1x16xf32>,
    %swap3A_647 = vector.shape_cast %swap3A_646 : vector<1x16xf32> to vector<16xf32>
    %swap3A_648 = vector.shape_cast %add3A_642 : vector<16xf32> to vector<1x16xf32>
    tpu.vector_store %arg12[%swap3A_644, %swap3A_645], %swap3A_648 {strides = array<i32>} : memref<64x16xf32, #tpu.memory_space<vmem>>, vector<1x16xf32>,
    %get3A_649 = arith.constant 22 : i32
    %get3A_650 = arith.index_cast %get3A_649 : i32 to index
    %get3A_651 = arith.constant 0 : index
    %get3A_652 = tpu.vector_load %arg9[%get3A_650, %get3A_651] {strides = array<i32>} : memref<64x128xf32, #tpu.memory_space<vmem>>, vector<1x16xf32>,
    %get3A_653 = vector.shape_cast %get3A_652 : vector<1x16xf32> to vector<16xf32>
    %get3A_654 = arith.constant 22 : i32
    %get3A_655 = arith.index_cast %get3A_654 : i32 to index
    %get3A_656 = arith.constant 0 : index
    %get3A_657 = tpu.vector_load %arg10[%get3A_655, %get3A_656] {strides = array<i32>} : memref<64x128xf32, #tpu.memory_space<vmem>>, vector<1x16xf32>,
    %get3A_658 = vector.shape_cast %get3A_657 : vector<1x16xf32> to vector<16xf32>
    %mul3A_659 = arith.mulf %get3A_653, %get3A_658 : vector<16xf32>
    %get3A_660 = arith.constant 22 : i32
    %get3A_661 = arith.index_cast %get3A_660 : i32 to index
    %get3A_662 = arith.constant 16 : index
    %get3A_663 = tpu.vector_load %arg9[%get3A_661, %get3A_662] {strides = array<i32>} : memref<64x128xf32, #tpu.memory_space<vmem>>, vector<1x16xf32>,
    %get3A_664 = vector.shape_cast %get3A_663 : vector<1x16xf32> to vector<16xf32>
    %get3A_665 = arith.constant 22 : i32
    %get3A_666 = arith.index_cast %get3A_665 : i32 to index
    %get3A_667 = arith.constant 0 : index
    %get3A_668 = tpu.vector_load %arg11[%get3A_666, %get3A_667] {strides = array<i32>} : memref<64x128xf32, #tpu.memory_space<vmem>>, vector<1x16xf32>,
    %get3A_669 = vector.shape_cast %get3A_668 : vector<1x16xf32> to vector<16xf32>
    %mul3A_670 = arith.mulf %get3A_664, %get3A_669 : vector<16xf32>
    %add3A_671 = arith.addf %mul3A_659, %mul3A_670 : vector<16xf32>
    %swap3A_672 = arith.constant 22 : i32
    %swap3A_673 = arith.index_cast %swap3A_672 : i32 to index
    %swap3A_674 = arith.constant 0 : index
    %swap3A_675 = tpu.vector_load %arg12[%swap3A_673, %swap3A_674] {strides = array<i32>} : memref<64x16xf32, #tpu.memory_space<vmem>>, vector<1x16xf32>,
    %swap3A_676 = vector.shape_cast %swap3A_675 : vector<1x16xf32> to vector<16xf32>
    %swap3A_677 = vector.shape_cast %add3A_671 : vector<16xf32> to vector<1x16xf32>
    tpu.vector_store %arg12[%swap3A_673, %swap3A_674], %swap3A_677 {strides = array<i32>} : memref<64x16xf32, #tpu.memory_space<vmem>>, vector<1x16xf32>,
    %get3A_678 = arith.constant 23 : i32
    %get3A_679 = arith.index_cast %get3A_678 : i32 to index
    %get3A_680 = arith.constant 0 : index
    %get3A_681 = tpu.vector_load %arg9[%get3A_679, %get3A_680] {strides = array<i32>} : memref<64x128xf32, #tpu.memory_space<vmem>>, vector<1x16xf32>,
    %get3A_682 = vector.shape_cast %get3A_681 : vector<1x16xf32> to vector<16xf32>
    %get3A_683 = arith.constant 23 : i32
    %get3A_684 = arith.index_cast %get3A_683 : i32 to index
    %get3A_685 = arith.constant 0 : index
    %get3A_686 = tpu.vector_load %arg10[%get3A_684, %get3A_685] {strides = array<i32>} : memref<64x128xf32, #tpu.memory_space<vmem>>, vector<1x16xf32>,
    %get3A_687 = vector.shape_cast %get3A_686 : vector<1x16xf32> to vector<16xf32>
    %mul3A_688 = arith.mulf %get3A_682, %get3A_687 : vector<16xf32>
    %get3A_689 = arith.constant 23 : i32
    %get3A_690 = arith.index_cast %get3A_689 : i32 to index
    %get3A_691 = arith.constant 16 : index
    %get3A_692 = tpu.vector_load %arg9[%get3A_690, %get3A_691] {strides = array<i32>} : memref<64x128xf32, #tpu.memory_space<vmem>>, vector<1x16xf32>,
    %get3A_693 = vector.shape_cast %get3A_692 : vector<1x16xf32> to vector<16xf32>
    %get3A_694 = arith.constant 23 : i32
    %get3A_695 = arith.index_cast %get3A_694 : i32 to index
    %get3A_696 = arith.constant 0 : index
    %get3A_697 = tpu.vector_load %arg11[%get3A_695, %get3A_696] {strides = array<i32>} : memref<64x128xf32, #tpu.memory_space<vmem>>, vector<1x16xf32>,
    %get3A_698 = vector.shape_cast %get3A_697 : vector<1x16xf32> to vector<16xf32>
    %mul3A_699 = arith.mulf %get3A_693, %get3A_698 : vector<16xf32>
    %add3A_700 = arith.addf %mul3A_688, %mul3A_699 : vector<16xf32>
    %swap3A_701 = arith.constant 23 : i32
    %swap3A_702 = arith.index_cast %swap3A_701 : i32 to index
    %swap3A_703 = arith.constant 0 : index
    %swap3A_704 = tpu.vector_load %arg12[%swap3A_702, %swap3A_703] {strides = array<i32>} : memref<64x16xf32, #tpu.memory_space<vmem>>, vector<1x16xf32>,
    %swap3A_705 = vector.shape_cast %swap3A_704 : vector<1x16xf32> to vector<16xf32>
    %swap3A_706 = vector.shape_cast %add3A_700 : vector<16xf32> to vector<1x16xf32>
    tpu.vector_store %arg12[%swap3A_702, %swap3A_703], %swap3A_706 {strides = array<i32>} : memref<64x16xf32, #tpu.memory_space<vmem>>, vector<1x16xf32>,
    %get3A_707 = arith.constant 24 : i32
    %get3A_708 = arith.index_cast %get3A_707 : i32 to index
    %get3A_709 = arith.constant 0 : index
    %get3A_710 = tpu.vector_load %arg9[%get3A_708, %get3A_709] {strides = array<i32>} : memref<64x128xf32, #tpu.memory_space<vmem>>, vector<1x16xf32>,
    %get3A_711 = vector.shape_cast %get3A_710 : vector<1x16xf32> to vector<16xf32>
    %get3A_712 = arith.constant 24 : i32
    %get3A_713 = arith.index_cast %get3A_712 : i32 to index
    %get3A_714 = arith.constant 0 : index
    %get3A_715 = tpu.vector_load %arg10[%get3A_713, %get3A_714] {strides = array<i32>} : memref<64x128xf32, #tpu.memory_space<vmem>>, vector<1x16xf32>,
    %get3A_716 = vector.shape_cast %get3A_715 : vector<1x16xf32> to vector<16xf32>
    %mul3A_717 = arith.mulf %get3A_711, %get3A_716 : vector<16xf32>
    %get3A_718 = arith.constant 24 : i32
    %get3A_719 = arith.index_cast %get3A_718 : i32 to index
    %get3A_720 = arith.constant 16 : index
    %get3A_721 = tpu.vector_load %arg9[%get3A_719, %get3A_720] {strides = array<i32>} : memref<64x128xf32, #tpu.memory_space<vmem>>, vector<1x16xf32>,
    %get3A_722 = vector.shape_cast %get3A_721 : vector<1x16xf32> to vector<16xf32>
    %get3A_723 = arith.constant 24 : i32
    %get3A_724 = arith.index_cast %get3A_723 : i32 to index
    %get3A_725 = arith.constant 0 : index
    %get3A_726 = tpu.vector_load %arg11[%get3A_724, %get3A_725] {strides = array<i32>} : memref<64x128xf32, #tpu.memory_space<vmem>>, vector<1x16xf32>,
    %get3A_727 = vector.shape_cast %get3A_726 : vector<1x16xf32> to vector<16xf32>
    %mul3A_728 = arith.mulf %get3A_722, %get3A_727 : vector<16xf32>
    %add3A_729 = arith.addf %mul3A_717, %mul3A_728 : vector<16xf32>
    %swap3A_730 = arith.constant 24 : i32
    %swap3A_731 = arith.index_cast %swap3A_730 : i32 to index
    %swap3A_732 = arith.constant 0 : index
    %swap3A_733 = tpu.vector_load %arg12[%swap3A_731, %swap3A_732] {strides = array<i32>} : memref<64x16xf32, #tpu.memory_space<vmem>>, vector<1x16xf32>,
    %swap3A_734 = vector.shape_cast %swap3A_733 : vector<1x16xf32> to vector<16xf32>
    %swap3A_735 = vector.shape_cast %add3A_729 : vector<16xf32> to vector<1x16xf32>
    tpu.vector_store %arg12[%swap3A_731, %swap3A_732], %swap3A_735 {strides = array<i32>} : memref<64x16xf32, #tpu.memory_space<vmem>>, vector<1x16xf32>,
    %get3A_736 = arith.constant 25 : i32
    %get3A_737 = arith.index_cast %get3A_736 : i32 to index
    %get3A_738 = arith.constant 0 : index
    %get3A_739 = tpu.vector_load %arg9[%get3A_737, %get3A_738] {strides = array<i32>} : memref<64x128xf32, #tpu.memory_space<vmem>>, vector<1x16xf32>,
    %get3A_740 = vector.shape_cast %get3A_739 : vector<1x16xf32> to vector<16xf32>
    %get3A_741 = arith.constant 25 : i32
    %get3A_742 = arith.index_cast %get3A_741 : i32 to index
    %get3A_743 = arith.constant 0 : index
    %get3A_744 = tpu.vector_load %arg10[%get3A_742, %get3A_743] {strides = array<i32>} : memref<64x128xf32, #tpu.memory_space<vmem>>, vector<1x16xf32>,
    %get3A_745 = vector.shape_cast %get3A_744 : vector<1x16xf32> to vector<16xf32>
    %mul3A_746 = arith.mulf %get3A_740, %get3A_745 : vector<16xf32>
    %get3A_747 = arith.constant 25 : i32
    %get3A_748 = arith.index_cast %get3A_747 : i32 to index
    %get3A_749 = arith.constant 16 : index
    %get3A_750 = tpu.vector_load %arg9[%get3A_748, %get3A_749] {strides = array<i32>} : memref<64x128xf32, #tpu.memory_space<vmem>>, vector<1x16xf32>,
    %get3A_751 = vector.shape_cast %get3A_750 : vector<1x16xf32> to vector<16xf32>
    %get3A_752 = arith.constant 25 : i32
    %get3A_753 = arith.index_cast %get3A_752 : i32 to index
    %get3A_754 = arith.constant 0 : index
    %get3A_755 = tpu.vector_load %arg11[%get3A_753, %get3A_754] {strides = array<i32>} : memref<64x128xf32, #tpu.memory_space<vmem>>, vector<1x16xf32>,
    %get3A_756 = vector.shape_cast %get3A_755 : vector<1x16xf32> to vector<16xf32>
    %mul3A_757 = arith.mulf %get3A_751, %get3A_756 : vector<16xf32>
    %add3A_758 = arith.addf %mul3A_746, %mul3A_757 : vector<16xf32>
    %swap3A_759 = arith.constant 25 : i32
    %swap3A_760 = arith.index_cast %swap3A_759 : i32 to index
    %swap3A_761 = arith.constant 0 : index
    %swap3A_762 = tpu.vector_load %arg12[%swap3A_760, %swap3A_761] {strides = array<i32>} : memref<64x16xf32, #tpu.memory_space<vmem>>, vector<1x16xf32>,
    %swap3A_763 = vector.shape_cast %swap3A_762 : vector<1x16xf32> to vector<16xf32>
    %swap3A_764 = vector.shape_cast %add3A_758 : vector<16xf32> to vector<1x16xf32>
    tpu.vector_store %arg12[%swap3A_760, %swap3A_761], %swap3A_764 {strides = array<i32>} : memref<64x16xf32, #tpu.memory_space<vmem>>, vector<1x16xf32>,
    %get3A_765 = arith.constant 26 : i32
    %get3A_766 = arith.index_cast %get3A_765 : i32 to index
    %get3A_767 = arith.constant 0 : index
    %get3A_768 = tpu.vector_load %arg9[%get3A_766, %get3A_767] {strides = array<i32>} : memref<64x128xf32, #tpu.memory_space<vmem>>, vector<1x16xf32>,
    %get3A_769 = vector.shape_cast %get3A_768 : vector<1x16xf32> to vector<16xf32>
    %get3A_770 = arith.constant 26 : i32
    %get3A_771 = arith.index_cast %get3A_770 : i32 to index
    %get3A_772 = arith.constant 0 : index
    %get3A_773 = tpu.vector_load %arg10[%get3A_771, %get3A_772] {strides = array<i32>} : memref<64x128xf32, #tpu.memory_space<vmem>>, vector<1x16xf32>,
    %get3A_774 = vector.shape_cast %get3A_773 : vector<1x16xf32> to vector<16xf32>
    %mul3A_775 = arith.mulf %get3A_769, %get3A_774 : vector<16xf32>
    %get3A_776 = arith.constant 26 : i32
    %get3A_777 = arith.index_cast %get3A_776 : i32 to index
    %get3A_778 = arith.constant 16 : index
    %get3A_779 = tpu.vector_load %arg9[%get3A_777, %get3A_778] {strides = array<i32>} : memref<64x128xf32, #tpu.memory_space<vmem>>, vector<1x16xf32>,
    %get3A_780 = vector.shape_cast %get3A_779 : vector<1x16xf32> to vector<16xf32>
    %get3A_781 = arith.constant 26 : i32
    %get3A_782 = arith.index_cast %get3A_781 : i32 to index
    %get3A_783 = arith.constant 0 : index
    %get3A_784 = tpu.vector_load %arg11[%get3A_782, %get3A_783] {strides = array<i32>} : memref<64x128xf32, #tpu.memory_space<vmem>>, vector<1x16xf32>,
    %get3A_785 = vector.shape_cast %get3A_784 : vector<1x16xf32> to vector<16xf32>
    %mul3A_786 = arith.mulf %get3A_780, %get3A_785 : vector<16xf32>
    %add3A_787 = arith.addf %mul3A_775, %mul3A_786 : vector<16xf32>
    %swap3A_788 = arith.constant 26 : i32
    %swap3A_789 = arith.index_cast %swap3A_788 : i32 to index
    %swap3A_790 = arith.constant 0 : index
    %swap3A_791 = tpu.vector_load %arg12[%swap3A_789, %swap3A_790] {strides = array<i32>} : memref<64x16xf32, #tpu.memory_space<vmem>>, vector<1x16xf32>,
    %swap3A_792 = vector.shape_cast %swap3A_791 : vector<1x16xf32> to vector<16xf32>
    %swap3A_793 = vector.shape_cast %add3A_787 : vector<16xf32> to vector<1x16xf32>
    tpu.vector_store %arg12[%swap3A_789, %swap3A_790], %swap3A_793 {strides = array<i32>} : memref<64x16xf32, #tpu.memory_space<vmem>>, vector<1x16xf32>,
    %get3A_794 = arith.constant 27 : i32
    %get3A_795 = arith.index_cast %get3A_794 : i32 to index
    %get3A_796 = arith.constant 0 : index
    %get3A_797 = tpu.vector_load %arg9[%get3A_795, %get3A_796] {strides = array<i32>} : memref<64x128xf32, #tpu.memory_space<vmem>>, vector<1x16xf32>,
    %get3A_798 = vector.shape_cast %get3A_797 : vector<1x16xf32> to vector<16xf32>
    %get3A_799 = arith.constant 27 : i32
    %get3A_800 = arith.index_cast %get3A_799 : i32 to index
    %get3A_801 = arith.constant 0 : index
    %get3A_802 = tpu.vector_load %arg10[%get3A_800, %get3A_801] {strides = array<i32>} : memref<64x128xf32, #tpu.memory_space<vmem>>, vector<1x16xf32>,
    %get3A_803 = vector.shape_cast %get3A_802 : vector<1x16xf32> to vector<16xf32>
    %mul3A_804 = arith.mulf %get3A_798, %get3A_803 : vector<16xf32>
    %get3A_805 = arith.constant 27 : i32
    %get3A_806 = arith.index_cast %get3A_805 : i32 to index
    %get3A_807 = arith.constant 16 : index
    %get3A_808 = tpu.vector_load %arg9[%get3A_806, %get3A_807] {strides = array<i32>} : memref<64x128xf32, #tpu.memory_space<vmem>>, vector<1x16xf32>,
    %get3A_809 = vector.shape_cast %get3A_808 : vector<1x16xf32> to vector<16xf32>
    %get3A_810 = arith.constant 27 : i32
    %get3A_811 = arith.index_cast %get3A_810 : i32 to index
    %get3A_812 = arith.constant 0 : index
    %get3A_813 = tpu.vector_load %arg11[%get3A_811, %get3A_812] {strides = array<i32>} : memref<64x128xf32, #tpu.memory_space<vmem>>, vector<1x16xf32>,
    %get3A_814 = vector.shape_cast %get3A_813 : vector<1x16xf32> to vector<16xf32>
    %mul3A_815 = arith.mulf %get3A_809, %get3A_814 : vector<16xf32>
    %add3A_816 = arith.addf %mul3A_804, %mul3A_815 : vector<16xf32>
    %swap3A_817 = arith.constant 27 : i32
    %swap3A_818 = arith.index_cast %swap3A_817 : i32 to index
    %swap3A_819 = arith.constant 0 : index
    %swap3A_820 = tpu.vector_load %arg12[%swap3A_818, %swap3A_819] {strides = array<i32>} : memref<64x16xf32, #tpu.memory_space<vmem>>, vector<1x16xf32>,
    %swap3A_821 = vector.shape_cast %swap3A_820 : vector<1x16xf32> to vector<16xf32>
    %swap3A_822 = vector.shape_cast %add3A_816 : vector<16xf32> to vector<1x16xf32>
    tpu.vector_store %arg12[%swap3A_818, %swap3A_819], %swap3A_822 {strides = array<i32>} : memref<64x16xf32, #tpu.memory_space<vmem>>, vector<1x16xf32>,
    %get3A_823 = arith.constant 28 : i32
    %get3A_824 = arith.index_cast %get3A_823 : i32 to index
    %get3A_825 = arith.constant 0 : index
    %get3A_826 = tpu.vector_load %arg9[%get3A_824, %get3A_825] {strides = array<i32>} : memref<64x128xf32, #tpu.memory_space<vmem>>, vector<1x16xf32>,
    %get3A_827 = vector.shape_cast %get3A_826 : vector<1x16xf32> to vector<16xf32>
    %get3A_828 = arith.constant 28 : i32
    %get3A_829 = arith.index_cast %get3A_828 : i32 to index
    %get3A_830 = arith.constant 0 : index
    %get3A_831 = tpu.vector_load %arg10[%get3A_829, %get3A_830] {strides = array<i32>} : memref<64x128xf32, #tpu.memory_space<vmem>>, vector<1x16xf32>,
    %get3A_832 = vector.shape_cast %get3A_831 : vector<1x16xf32> to vector<16xf32>
    %mul3A_833 = arith.mulf %get3A_827, %get3A_832 : vector<16xf32>
    %get3A_834 = arith.constant 28 : i32
    %get3A_835 = arith.index_cast %get3A_834 : i32 to index
    %get3A_836 = arith.constant 16 : index
    %get3A_837 = tpu.vector_load %arg9[%get3A_835, %get3A_836] {strides = array<i32>} : memref<64x128xf32, #tpu.memory_space<vmem>>, vector<1x16xf32>,
    %get3A_838 = vector.shape_cast %get3A_837 : vector<1x16xf32> to vector<16xf32>
    %get3A_839 = arith.constant 28 : i32
    %get3A_840 = arith.index_cast %get3A_839 : i32 to index
    %get3A_841 = arith.constant 0 : index
    %get3A_842 = tpu.vector_load %arg11[%get3A_840, %get3A_841] {strides = array<i32>} : memref<64x128xf32, #tpu.memory_space<vmem>>, vector<1x16xf32>,
    %get3A_843 = vector.shape_cast %get3A_842 : vector<1x16xf32> to vector<16xf32>
    %mul3A_844 = arith.mulf %get3A_838, %get3A_843 : vector<16xf32>
    %add3A_845 = arith.addf %mul3A_833, %mul3A_844 : vector<16xf32>
    %swap3A_846 = arith.constant 28 : i32
    %swap3A_847 = arith.index_cast %swap3A_846 : i32 to index
    %swap3A_848 = arith.constant 0 : index
    %swap3A_849 = tpu.vector_load %arg12[%swap3A_847, %swap3A_848] {strides = array<i32>} : memref<64x16xf32, #tpu.memory_space<vmem>>, vector<1x16xf32>,
    %swap3A_850 = vector.shape_cast %swap3A_849 : vector<1x16xf32> to vector<16xf32>
    %swap3A_851 = vector.shape_cast %add3A_845 : vector<16xf32> to vector<1x16xf32>
    tpu.vector_store %arg12[%swap3A_847, %swap3A_848], %swap3A_851 {strides = array<i32>} : memref<64x16xf32, #tpu.memory_space<vmem>>, vector<1x16xf32>,
    %get3A_852 = arith.constant 29 : i32
    %get3A_853 = arith.index_cast %get3A_852 : i32 to index
    %get3A_854 = arith.constant 0 : index
    %get3A_855 = tpu.vector_load %arg9[%get3A_853, %get3A_854] {strides = array<i32>} : memref<64x128xf32, #tpu.memory_space<vmem>>, vector<1x16xf32>,
    %get3A_856 = vector.shape_cast %get3A_855 : vector<1x16xf32> to vector<16xf32>
    %get3A_857 = arith.constant 29 : i32
    %get3A_858 = arith.index_cast %get3A_857 : i32 to index
    %get3A_859 = arith.constant 0 : index
    %get3A_860 = tpu.vector_load %arg10[%get3A_858, %get3A_859] {strides = array<i32>} : memref<64x128xf32, #tpu.memory_space<vmem>>, vector<1x16xf32>,
    %get3A_861 = vector.shape_cast %get3A_860 : vector<1x16xf32> to vector<16xf32>
    %mul3A_862 = arith.mulf %get3A_856, %get3A_861 : vector<16xf32>
    %get3A_863 = arith.constant 29 : i32
    %get3A_864 = arith.index_cast %get3A_863 : i32 to index
    %get3A_865 = arith.constant 16 : index
    %get3A_866 = tpu.vector_load %arg9[%get3A_864, %get3A_865] {strides = array<i32>} : memref<64x128xf32, #tpu.memory_space<vmem>>, vector<1x16xf32>,
    %get3A_867 = vector.shape_cast %get3A_866 : vector<1x16xf32> to vector<16xf32>
    %get3A_868 = arith.constant 29 : i32
    %get3A_869 = arith.index_cast %get3A_868 : i32 to index
    %get3A_870 = arith.constant 0 : index
    %get3A_871 = tpu.vector_load %arg11[%get3A_869, %get3A_870] {strides = array<i32>} : memref<64x128xf32, #tpu.memory_space<vmem>>, vector<1x16xf32>,
    %get3A_872 = vector.shape_cast %get3A_871 : vector<1x16xf32> to vector<16xf32>
    %mul3A_873 = arith.mulf %get3A_867, %get3A_872 : vector<16xf32>
    %add3A_874 = arith.addf %mul3A_862, %mul3A_873 : vector<16xf32>
    %swap3A_875 = arith.constant 29 : i32
    %swap3A_876 = arith.index_cast %swap3A_875 : i32 to index
    %swap3A_877 = arith.constant 0 : index
    %swap3A_878 = tpu.vector_load %arg12[%swap3A_876, %swap3A_877] {strides = array<i32>} : memref<64x16xf32, #tpu.memory_space<vmem>>, vector<1x16xf32>,
    %swap3A_879 = vector.shape_cast %swap3A_878 : vector<1x16xf32> to vector<16xf32>
    %swap3A_880 = vector.shape_cast %add3A_874 : vector<16xf32> to vector<1x16xf32>
    tpu.vector_store %arg12[%swap3A_876, %swap3A_877], %swap3A_880 {strides = array<i32>} : memref<64x16xf32, #tpu.memory_space<vmem>>, vector<1x16xf32>,
    %get3A_881 = arith.constant 30 : i32
    %get3A_882 = arith.index_cast %get3A_881 : i32 to index
    %get3A_883 = arith.constant 0 : index
    %get3A_884 = tpu.vector_load %arg9[%get3A_882, %get3A_883] {strides = array<i32>} : memref<64x128xf32, #tpu.memory_space<vmem>>, vector<1x16xf32>,
    %get3A_885 = vector.shape_cast %get3A_884 : vector<1x16xf32> to vector<16xf32>
    %get3A_886 = arith.constant 30 : i32
    %get3A_887 = arith.index_cast %get3A_886 : i32 to index
    %get3A_888 = arith.constant 0 : index
    %get3A_889 = tpu.vector_load %arg10[%get3A_887, %get3A_888] {strides = array<i32>} : memref<64x128xf32, #tpu.memory_space<vmem>>, vector<1x16xf32>,
    %get3A_890 = vector.shape_cast %get3A_889 : vector<1x16xf32> to vector<16xf32>
    %mul3A_891 = arith.mulf %get3A_885, %get3A_890 : vector<16xf32>
    %get3A_892 = arith.constant 30 : i32
    %get3A_893 = arith.index_cast %get3A_892 : i32 to index
    %get3A_894 = arith.constant 16 : index
    %get3A_895 = tpu.vector_load %arg9[%get3A_893, %get3A_894] {strides = array<i32>} : memref<64x128xf32, #tpu.memory_space<vmem>>, vector<1x16xf32>,
    %get3A_896 = vector.shape_cast %get3A_895 : vector<1x16xf32> to vector<16xf32>
    %get3A_897 = arith.constant 30 : i32
    %get3A_898 = arith.index_cast %get3A_897 : i32 to index
    %get3A_899 = arith.constant 0 : index
    %get3A_900 = tpu.vector_load %arg11[%get3A_898, %get3A_899] {strides = array<i32>} : memref<64x128xf32, #tpu.memory_space<vmem>>, vector<1x16xf32>,
    %get3A_901 = vector.shape_cast %get3A_900 : vector<1x16xf32> to vector<16xf32>
    %mul3A_902 = arith.mulf %get3A_896, %get3A_901 : vector<16xf32>
    %add3A_903 = arith.addf %mul3A_891, %mul3A_902 : vector<16xf32>
    %swap3A_904 = arith.constant 30 : i32
    %swap3A_905 = arith.index_cast %swap3A_904 : i32 to index
    %swap3A_906 = arith.constant 0 : index
    %swap3A_907 = tpu.vector_load %arg12[%swap3A_905, %swap3A_906] {strides = array<i32>} : memref<64x16xf32, #tpu.memory_space<vmem>>, vector<1x16xf32>,
    %swap3A_908 = vector.shape_cast %swap3A_907 : vector<1x16xf32> to vector<16xf32>
    %swap3A_909 = vector.shape_cast %add3A_903 : vector<16xf32> to vector<1x16xf32>
    tpu.vector_store %arg12[%swap3A_905, %swap3A_906], %swap3A_909 {strides = array<i32>} : memref<64x16xf32, #tpu.memory_space<vmem>>, vector<1x16xf32>,
    %get3A_910 = arith.constant 31 : i32
    %get3A_911 = arith.index_cast %get3A_910 : i32 to index
    %get3A_912 = arith.constant 0 : index
    %get3A_913 = tpu.vector_load %arg9[%get3A_911, %get3A_912] {strides = array<i32>} : memref<64x128xf32, #tpu.memory_space<vmem>>, vector<1x16xf32>,
    %get3A_914 = vector.shape_cast %get3A_913 : vector<1x16xf32> to vector<16xf32>
    %get3A_915 = arith.constant 31 : i32
    %get3A_916 = arith.index_cast %get3A_915 : i32 to index
    %get3A_917 = arith.constant 0 : index
    %get3A_918 = tpu.vector_load %arg10[%get3A_916, %get3A_917] {strides = array<i32>} : memref<64x128xf32, #tpu.memory_space<vmem>>, vector<1x16xf32>,
    %get3A_919 = vector.shape_cast %get3A_918 : vector<1x16xf32> to vector<16xf32>
    %mul3A_920 = arith.mulf %get3A_914, %get3A_919 : vector<16xf32>
    %get3A_921 = arith.constant 31 : i32
    %get3A_922 = arith.index_cast %get3A_921 : i32 to index
    %get3A_923 = arith.constant 16 : index
    %get3A_924 = tpu.vector_load %arg9[%get3A_922, %get3A_923] {strides = array<i32>} : memref<64x128xf32, #tpu.memory_space<vmem>>, vector<1x16xf32>,
    %get3A_925 = vector.shape_cast %get3A_924 : vector<1x16xf32> to vector<16xf32>
    %get3A_926 = arith.constant 31 : i32
    %get3A_927 = arith.index_cast %get3A_926 : i32 to index
    %get3A_928 = arith.constant 0 : index
    %get3A_929 = tpu.vector_load %arg11[%get3A_927, %get3A_928] {strides = array<i32>} : memref<64x128xf32, #tpu.memory_space<vmem>>, vector<1x16xf32>,
    %get3A_930 = vector.shape_cast %get3A_929 : vector<1x16xf32> to vector<16xf32>
    %mul3A_931 = arith.mulf %get3A_925, %get3A_930 : vector<16xf32>
    %add3A_932 = arith.addf %mul3A_920, %mul3A_931 : vector<16xf32>
    %swap3A_933 = arith.constant 31 : i32
    %swap3A_934 = arith.index_cast %swap3A_933 : i32 to index
    %swap3A_935 = arith.constant 0 : index
    %swap3A_936 = tpu.vector_load %arg12[%swap3A_934, %swap3A_935] {strides = array<i32>} : memref<64x16xf32, #tpu.memory_space<vmem>>, vector<1x16xf32>,
    %swap3A_937 = vector.shape_cast %swap3A_936 : vector<1x16xf32> to vector<16xf32>
    %swap3A_938 = vector.shape_cast %add3A_932 : vector<16xf32> to vector<1x16xf32>
    tpu.vector_store %arg12[%swap3A_934, %swap3A_935], %swap3A_938 {strides = array<i32>} : memref<64x16xf32, #tpu.memory_space<vmem>>, vector<1x16xf32>,
    %get3A_939 = arith.constant 32 : i32
    %get3A_940 = arith.index_cast %get3A_939 : i32 to index
    %get3A_941 = arith.constant 0 : index
    %get3A_942 = tpu.vector_load %arg9[%get3A_940, %get3A_941] {strides = array<i32>} : memref<64x128xf32, #tpu.memory_space<vmem>>, vector<1x16xf32>,
    %get3A_943 = vector.shape_cast %get3A_942 : vector<1x16xf32> to vector<16xf32>
    %get3A_944 = arith.constant 32 : i32
    %get3A_945 = arith.index_cast %get3A_944 : i32 to index
    %get3A_946 = arith.constant 0 : index
    %get3A_947 = tpu.vector_load %arg10[%get3A_945, %get3A_946] {strides = array<i32>} : memref<64x128xf32, #tpu.memory_space<vmem>>, vector<1x16xf32>,
    %get3A_948 = vector.shape_cast %get3A_947 : vector<1x16xf32> to vector<16xf32>
    %mul3A_949 = arith.mulf %get3A_943, %get3A_948 : vector<16xf32>
    %get3A_950 = arith.constant 32 : i32
    %get3A_951 = arith.index_cast %get3A_950 : i32 to index
    %get3A_952 = arith.constant 16 : index
    %get3A_953 = tpu.vector_load %arg9[%get3A_951, %get3A_952] {strides = array<i32>} : memref<64x128xf32, #tpu.memory_space<vmem>>, vector<1x16xf32>,
    %get3A_954 = vector.shape_cast %get3A_953 : vector<1x16xf32> to vector<16xf32>
    %get3A_955 = arith.constant 32 : i32
    %get3A_956 = arith.index_cast %get3A_955 : i32 to index
    %get3A_957 = arith.constant 0 : index
    %get3A_958 = tpu.vector_load %arg11[%get3A_956, %get3A_957] {strides = array<i32>} : memref<64x128xf32, #tpu.memory_space<vmem>>, vector<1x16xf32>,
    %get3A_959 = vector.shape_cast %get3A_958 : vector<1x16xf32> to vector<16xf32>
    %mul3A_960 = arith.mulf %get3A_954, %get3A_959 : vector<16xf32>
    %add3A_961 = arith.addf %mul3A_949, %mul3A_960 : vector<16xf32>
    %swap3A_962 = arith.constant 32 : i32
    %swap3A_963 = arith.index_cast %swap3A_962 : i32 to index
    %swap3A_964 = arith.constant 0 : index
    %swap3A_965 = tpu.vector_load %arg12[%swap3A_963, %swap3A_964] {strides = array<i32>} : memref<64x16xf32, #tpu.memory_space<vmem>>, vector<1x16xf32>,
    %swap3A_966 = vector.shape_cast %swap3A_965 : vector<1x16xf32> to vector<16xf32>
    %swap3A_967 = vector.shape_cast %add3A_961 : vector<16xf32> to vector<1x16xf32>
    tpu.vector_store %arg12[%swap3A_963, %swap3A_964], %swap3A_967 {strides = array<i32>} : memref<64x16xf32, #tpu.memory_space<vmem>>, vector<1x16xf32>,
    %get3A_968 = arith.constant 33 : i32
    %get3A_969 = arith.index_cast %get3A_968 : i32 to index
    %get3A_970 = arith.constant 0 : index
    %get3A_971 = tpu.vector_load %arg9[%get3A_969, %get3A_970] {strides = array<i32>} : memref<64x128xf32, #tpu.memory_space<vmem>>, vector<1x16xf32>,
    %get3A_972 = vector.shape_cast %get3A_971 : vector<1x16xf32> to vector<16xf32>
    %get3A_973 = arith.constant 33 : i32
    %get3A_974 = arith.index_cast %get3A_973 : i32 to index
    %get3A_975 = arith.constant 0 : index
    %get3A_976 = tpu.vector_load %arg10[%get3A_974, %get3A_975] {strides = array<i32>} : memref<64x128xf32, #tpu.memory_space<vmem>>, vector<1x16xf32>,
    %get3A_977 = vector.shape_cast %get3A_976 : vector<1x16xf32> to vector<16xf32>
    %mul3A_978 = arith.mulf %get3A_972, %get3A_977 : vector<16xf32>
    %get3A_979 = arith.constant 33 : i32
    %get3A_980 = arith.index_cast %get3A_979 : i32 to index
    %get3A_981 = arith.constant 16 : index
    %get3A_982 = tpu.vector_load %arg9[%get3A_980, %get3A_981] {strides = array<i32>} : memref<64x128xf32, #tpu.memory_space<vmem>>, vector<1x16xf32>,
    %get3A_983 = vector.shape_cast %get3A_982 : vector<1x16xf32> to vector<16xf32>
    %get3A_984 = arith.constant 33 : i32
    %get3A_985 = arith.index_cast %get3A_984 : i32 to index
    %get3A_986 = arith.constant 0 : index
    %get3A_987 = tpu.vector_load %arg11[%get3A_985, %get3A_986] {strides = array<i32>} : memref<64x128xf32, #tpu.memory_space<vmem>>, vector<1x16xf32>,
    %get3A_988 = vector.shape_cast %get3A_987 : vector<1x16xf32> to vector<16xf32>
    %mul3A_989 = arith.mulf %get3A_983, %get3A_988 : vector<16xf32>
    %add3A_990 = arith.addf %mul3A_978, %mul3A_989 : vector<16xf32>
    %swap3A_991 = arith.constant 33 : i32
    %swap3A_992 = arith.index_cast %swap3A_991 : i32 to index
    %swap3A_993 = arith.constant 0 : index
    %swap3A_994 = tpu.vector_load %arg12[%swap3A_992, %swap3A_993] {strides = array<i32>} : memref<64x16xf32, #tpu.memory_space<vmem>>, vector<1x16xf32>,
    %swap3A_995 = vector.shape_cast %swap3A_994 : vector<1x16xf32> to vector<16xf32>
    %swap3A_996 = vector.shape_cast %add3A_990 : vector<16xf32> to vector<1x16xf32>
    tpu.vector_store %arg12[%swap3A_992, %swap3A_993], %swap3A_996 {strides = array<i32>} : memref<64x16xf32, #tpu.memory_space<vmem>>, vector<1x16xf32>,
    %get3A_997 = arith.constant 34 : i32
    %get3A_998 = arith.index_cast %get3A_997 : i32 to index
    %get3A_999 = arith.constant 0 : index
    %get3A_1000 = tpu.vector_load %arg9[%get3A_998, %get3A_999] {strides = array<i32>} : memref<64x128xf32, #tpu.memory_space<vmem>>, vector<1x16xf32>,
    %get3A_1001 = vector.shape_cast %get3A_1000 : vector<1x16xf32> to vector<16xf32>
    %get3A_1002 = arith.constant 34 : i32
    %get3A_1003 = arith.index_cast %get3A_1002 : i32 to index
    %get3A_1004 = arith.constant 0 : index
    %get3A_1005 = tpu.vector_load %arg10[%get3A_1003, %get3A_1004] {strides = array<i32>} : memref<64x128xf32, #tpu.memory_space<vmem>>, vector<1x16xf32>,
    %get3A_1006 = vector.shape_cast %get3A_1005 : vector<1x16xf32> to vector<16xf32>
    %mul3A_1007 = arith.mulf %get3A_1001, %get3A_1006 : vector<16xf32>
    %get3A_1008 = arith.constant 34 : i32
    %get3A_1009 = arith.index_cast %get3A_1008 : i32 to index
    %get3A_1010 = arith.constant 16 : index
    %get3A_1011 = tpu.vector_load %arg9[%get3A_1009, %get3A_1010] {strides = array<i32>} : memref<64x128xf32, #tpu.memory_space<vmem>>, vector<1x16xf32>,
    %get3A_1012 = vector.shape_cast %get3A_1011 : vector<1x16xf32> to vector<16xf32>
    %get3A_1013 = arith.constant 34 : i32
    %get3A_1014 = arith.index_cast %get3A_1013 : i32 to index
    %get3A_1015 = arith.constant 0 : index
    %get3A_1016 = tpu.vector_load %arg11[%get3A_1014, %get3A_1015] {strides = array<i32>} : memref<64x128xf32, #tpu.memory_space<vmem>>, vector<1x16xf32>,
    %get3A_1017 = vector.shape_cast %get3A_1016 : vector<1x16xf32> to vector<16xf32>
    %mul3A_1018 = arith.mulf %get3A_1012, %get3A_1017 : vector<16xf32>
    %add3A_1019 = arith.addf %mul3A_1007, %mul3A_1018 : vector<16xf32>
    %swap3A_1020 = arith.constant 34 : i32
    %swap3A_1021 = arith.index_cast %swap3A_1020 : i32 to index
    %swap3A_1022 = arith.constant 0 : index
    %swap3A_1023 = tpu.vector_load %arg12[%swap3A_1021, %swap3A_1022] {strides = array<i32>} : memref<64x16xf32, #tpu.memory_space<vmem>>, vector<1x16xf32>,
    %swap3A_1024 = vector.shape_cast %swap3A_1023 : vector<1x16xf32> to vector<16xf32>
    %swap3A_1025 = vector.shape_cast %add3A_1019 : vector<16xf32> to vector<1x16xf32>
    tpu.vector_store %arg12[%swap3A_1021, %swap3A_1022], %swap3A_1025 {strides = array<i32>} : memref<64x16xf32, #tpu.memory_space<vmem>>, vector<1x16xf32>,
    %get3A_1026 = arith.constant 35 : i32
    %get3A_1027 = arith.index_cast %get3A_1026 : i32 to index
    %get3A_1028 = arith.constant 0 : index
    %get3A_1029 = tpu.vector_load %arg9[%get3A_1027, %get3A_1028] {strides = array<i32>} : memref<64x128xf32, #tpu.memory_space<vmem>>, vector<1x16xf32>,
    %get3A_1030 = vector.shape_cast %get3A_1029 : vector<1x16xf32> to vector<16xf32>
    %get3A_1031 = arith.constant 35 : i32
    %get3A_1032 = arith.index_cast %get3A_1031 : i32 to index
    %get3A_1033 = arith.constant 0 : index
    %get3A_1034 = tpu.vector_load %arg10[%get3A_1032, %get3A_1033] {strides = array<i32>} : memref<64x128xf32, #tpu.memory_space<vmem>>, vector<1x16xf32>,
    %get3A_1035 = vector.shape_cast %get3A_1034 : vector<1x16xf32> to vector<16xf32>
    %mul3A_1036 = arith.mulf %get3A_1030, %get3A_1035 : vector<16xf32>
    %get3A_1037 = arith.constant 35 : i32
    %get3A_1038 = arith.index_cast %get3A_1037 : i32 to index
    %get3A_1039 = arith.constant 16 : index
    %get3A_1040 = tpu.vector_load %arg9[%get3A_1038, %get3A_1039] {strides = array<i32>} : memref<64x128xf32, #tpu.memory_space<vmem>>, vector<1x16xf32>,
    %get3A_1041 = vector.shape_cast %get3A_1040 : vector<1x16xf32> to vector<16xf32>
    %get3A_1042 = arith.constant 35 : i32
    %get3A_1043 = arith.index_cast %get3A_1042 : i32 to index
    %get3A_1044 = arith.constant 0 : index
    %get3A_1045 = tpu.vector_load %arg11[%get3A_1043, %get3A_1044] {strides = array<i32>} : memref<64x128xf32, #tpu.memory_space<vmem>>, vector<1x16xf32>,
    %get3A_1046 = vector.shape_cast %get3A_1045 : vector<1x16xf32> to vector<16xf32>
    %mul3A_1047 = arith.mulf %get3A_1041, %get3A_1046 : vector<16xf32>
    %add3A_1048 = arith.addf %mul3A_1036, %mul3A_1047 : vector<16xf32>
    %swap3A_1049 = arith.constant 35 : i32
    %swap3A_1050 = arith.index_cast %swap3A_1049 : i32 to index
    %swap3A_1051 = arith.constant 0 : index
    %swap3A_1052 = tpu.vector_load %arg12[%swap3A_1050, %swap3A_1051] {strides = array<i32>} : memref<64x16xf32, #tpu.memory_space<vmem>>, vector<1x16xf32>,
    %swap3A_1053 = vector.shape_cast %swap3A_1052 : vector<1x16xf32> to vector<16xf32>
    %swap3A_1054 = vector.shape_cast %add3A_1048 : vector<16xf32> to vector<1x16xf32>
    tpu.vector_store %arg12[%swap3A_1050, %swap3A_1051], %swap3A_1054 {strides = array<i32>} : memref<64x16xf32, #tpu.memory_space<vmem>>, vector<1x16xf32>,
    %get3A_1055 = arith.constant 36 : i32
    %get3A_1056 = arith.index_cast %get3A_1055 : i32 to index
    %get3A_1057 = arith.constant 0 : index
    %get3A_1058 = tpu.vector_load %arg9[%get3A_1056, %get3A_1057] {strides = array<i32>} : memref<64x128xf32, #tpu.memory_space<vmem>>, vector<1x16xf32>,
    %get3A_1059 = vector.shape_cast %get3A_1058 : vector<1x16xf32> to vector<16xf32>
    %get3A_1060 = arith.constant 36 : i32
    %get3A_1061 = arith.index_cast %get3A_1060 : i32 to index
    %get3A_1062 = arith.constant 0 : index
    %get3A_1063 = tpu.vector_load %arg10[%get3A_1061, %get3A_1062] {strides = array<i32>} : memref<64x128xf32, #tpu.memory_space<vmem>>, vector<1x16xf32>,
    %get3A_1064 = vector.shape_cast %get3A_1063 : vector<1x16xf32> to vector<16xf32>
    %mul3A_1065 = arith.mulf %get3A_1059, %get3A_1064 : vector<16xf32>
    %get3A_1066 = arith.constant 36 : i32
    %get3A_1067 = arith.index_cast %get3A_1066 : i32 to index
    %get3A_1068 = arith.constant 16 : index
    %get3A_1069 = tpu.vector_load %arg9[%get3A_1067, %get3A_1068] {strides = array<i32>} : memref<64x128xf32, #tpu.memory_space<vmem>>, vector<1x16xf32>,
    %get3A_1070 = vector.shape_cast %get3A_1069 : vector<1x16xf32> to vector<16xf32>
    %get3A_1071 = arith.constant 36 : i32
    %get3A_1072 = arith.index_cast %get3A_1071 : i32 to index
    %get3A_1073 = arith.constant 0 : index
    %get3A_1074 = tpu.vector_load %arg11[%get3A_1072, %get3A_1073] {strides = array<i32>} : memref<64x128xf32, #tpu.memory_space<vmem>>, vector<1x16xf32>,
    %get3A_1075 = vector.shape_cast %get3A_1074 : vector<1x16xf32> to vector<16xf32>
    %mul3A_1076 = arith.mulf %get3A_1070, %get3A_1075 : vector<16xf32>
    %add3A_1077 = arith.addf %mul3A_1065, %mul3A_1076 : vector<16xf32>
    %swap3A_1078 = arith.constant 36 : i32
    %swap3A_1079 = arith.index_cast %swap3A_1078 : i32 to index
    %swap3A_1080 = arith.constant 0 : index
    %swap3A_1081 = tpu.vector_load %arg12[%swap3A_1079, %swap3A_1080] {strides = array<i32>} : memref<64x16xf32, #tpu.memory_space<vmem>>, vector<1x16xf32>,
    %swap3A_1082 = vector.shape_cast %swap3A_1081 : vector<1x16xf32> to vector<16xf32>
    %swap3A_1083 = vector.shape_cast %add3A_1077 : vector<16xf32> to vector<1x16xf32>
    tpu.vector_store %arg12[%swap3A_1079, %swap3A_1080], %swap3A_1083 {strides = array<i32>} : memref<64x16xf32, #tpu.memory_space<vmem>>, vector<1x16xf32>,
    %get3A_1084 = arith.constant 37 : i32
    %get3A_1085 = arith.index_cast %get3A_1084 : i32 to index
    %get3A_1086 = arith.constant 0 : index
    %get3A_1087 = tpu.vector_load %arg9[%get3A_1085, %get3A_1086] {strides = array<i32>} : memref<64x128xf32, #tpu.memory_space<vmem>>, vector<1x16xf32>,
    %get3A_1088 = vector.shape_cast %get3A_1087 : vector<1x16xf32> to vector<16xf32>
    %get3A_1089 = arith.constant 37 : i32
    %get3A_1090 = arith.index_cast %get3A_1089 : i32 to index
    %get3A_1091 = arith.constant 0 : index
    %get3A_1092 = tpu.vector_load %arg10[%get3A_1090, %get3A_1091] {strides = array<i32>} : memref<64x128xf32, #tpu.memory_space<vmem>>, vector<1x16xf32>,
    %get3A_1093 = vector.shape_cast %get3A_1092 : vector<1x16xf32> to vector<16xf32>
    %mul3A_1094 = arith.mulf %get3A_1088, %get3A_1093 : vector<16xf32>
    %get3A_1095 = arith.constant 37 : i32
    %get3A_1096 = arith.index_cast %get3A_1095 : i32 to index
    %get3A_1097 = arith.constant 16 : index
    %get3A_1098 = tpu.vector_load %arg9[%get3A_1096, %get3A_1097] {strides = array<i32>} : memref<64x128xf32, #tpu.memory_space<vmem>>, vector<1x16xf32>,
    %get3A_1099 = vector.shape_cast %get3A_1098 : vector<1x16xf32> to vector<16xf32>
    %get3A_1100 = arith.constant 37 : i32
    %get3A_1101 = arith.index_cast %get3A_1100 : i32 to index
    %get3A_1102 = arith.constant 0 : index
    %get3A_1103 = tpu.vector_load %arg11[%get3A_1101, %get3A_1102] {strides = array<i32>} : memref<64x128xf32, #tpu.memory_space<vmem>>, vector<1x16xf32>,
    %get3A_1104 = vector.shape_cast %get3A_1103 : vector<1x16xf32> to vector<16xf32>
    %mul3A_1105 = arith.mulf %get3A_1099, %get3A_1104 : vector<16xf32>
    %add3A_1106 = arith.addf %mul3A_1094, %mul3A_1105 : vector<16xf32>
    %swap3A_1107 = arith.constant 37 : i32
    %swap3A_1108 = arith.index_cast %swap3A_1107 : i32 to index
    %swap3A_1109 = arith.constant 0 : index
    %swap3A_1110 = tpu.vector_load %arg12[%swap3A_1108, %swap3A_1109] {strides = array<i32>} : memref<64x16xf32, #tpu.memory_space<vmem>>, vector<1x16xf32>,
    %swap3A_1111 = vector.shape_cast %swap3A_1110 : vector<1x16xf32> to vector<16xf32>
    %swap3A_1112 = vector.shape_cast %add3A_1106 : vector<16xf32> to vector<1x16xf32>
    tpu.vector_store %arg12[%swap3A_1108, %swap3A_1109], %swap3A_1112 {strides = array<i32>} : memref<64x16xf32, #tpu.memory_space<vmem>>, vector<1x16xf32>,
    %get3A_1113 = arith.constant 38 : i32
    %get3A_1114 = arith.index_cast %get3A_1113 : i32 to index
    %get3A_1115 = arith.constant 0 : index
    %get3A_1116 = tpu.vector_load %arg9[%get3A_1114, %get3A_1115] {strides = array<i32>} : memref<64x128xf32, #tpu.memory_space<vmem>>, vector<1x16xf32>,
    %get3A_1117 = vector.shape_cast %get3A_1116 : vector<1x16xf32> to vector<16xf32>
    %get3A_1118 = arith.constant 38 : i32
    %get3A_1119 = arith.index_cast %get3A_1118 : i32 to index
    %get3A_1120 = arith.constant 0 : index
    %get3A_1121 = tpu.vector_load %arg10[%get3A_1119, %get3A_1120] {strides = array<i32>} : memref<64x128xf32, #tpu.memory_space<vmem>>, vector<1x16xf32>,
    %get3A_1122 = vector.shape_cast %get3A_1121 : vector<1x16xf32> to vector<16xf32>
    %mul3A_1123 = arith.mulf %get3A_1117, %get3A_1122 : vector<16xf32>
    %get3A_1124 = arith.constant 38 : i32
    %get3A_1125 = arith.index_cast %get3A_1124 : i32 to index
    %get3A_1126 = arith.constant 16 : index
    %get3A_1127 = tpu.vector_load %arg9[%get3A_1125, %get3A_1126] {strides = array<i32>} : memref<64x128xf32, #tpu.memory_space<vmem>>, vector<1x16xf32>,
    %get3A_1128 = vector.shape_cast %get3A_1127 : vector<1x16xf32> to vector<16xf32>
    %get3A_1129 = arith.constant 38 : i32
    %get3A_1130 = arith.index_cast %get3A_1129 : i32 to index
    %get3A_1131 = arith.constant 0 : index
    %get3A_1132 = tpu.vector_load %arg11[%get3A_1130, %get3A_1131] {strides = array<i32>} : memref<64x128xf32, #tpu.memory_space<vmem>>, vector<1x16xf32>,
    %get3A_1133 = vector.shape_cast %get3A_1132 : vector<1x16xf32> to vector<16xf32>
    %mul3A_1134 = arith.mulf %get3A_1128, %get3A_1133 : vector<16xf32>
    %add3A_1135 = arith.addf %mul3A_1123, %mul3A_1134 : vector<16xf32>
    %swap3A_1136 = arith.constant 38 : i32
    %swap3A_1137 = arith.index_cast %swap3A_1136 : i32 to index
    %swap3A_1138 = arith.constant 0 : index
    %swap3A_1139 = tpu.vector_load %arg12[%swap3A_1137, %swap3A_1138] {strides = array<i32>} : memref<64x16xf32, #tpu.memory_space<vmem>>, vector<1x16xf32>,
    %swap3A_1140 = vector.shape_cast %swap3A_1139 : vector<1x16xf32> to vector<16xf32>
    %swap3A_1141 = vector.shape_cast %add3A_1135 : vector<16xf32> to vector<1x16xf32>
    tpu.vector_store %arg12[%swap3A_1137, %swap3A_1138], %swap3A_1141 {strides = array<i32>} : memref<64x16xf32, #tpu.memory_space<vmem>>, vector<1x16xf32>,
    %get3A_1142 = arith.constant 39 : i32
    %get3A_1143 = arith.index_cast %get3A_1142 : i32 to index
    %get3A_1144 = arith.constant 0 : index
    %get3A_1145 = tpu.vector_load %arg9[%get3A_1143, %get3A_1144] {strides = array<i32>} : memref<64x128xf32, #tpu.memory_space<vmem>>, vector<1x16xf32>,
    %get3A_1146 = vector.shape_cast %get3A_1145 : vector<1x16xf32> to vector<16xf32>
    %get3A_1147 = arith.constant 39 : i32
    %get3A_1148 = arith.index_cast %get3A_1147 : i32 to index
    %get3A_1149 = arith.constant 0 : index
    %get3A_1150 = tpu.vector_load %arg10[%get3A_1148, %get3A_1149] {strides = array<i32>} : memref<64x128xf32, #tpu.memory_space<vmem>>, vector<1x16xf32>,
    %get3A_1151 = vector.shape_cast %get3A_1150 : vector<1x16xf32> to vector<16xf32>
    %mul3A_1152 = arith.mulf %get3A_1146, %get3A_1151 : vector<16xf32>
    %get3A_1153 = arith.constant 39 : i32
    %get3A_1154 = arith.index_cast %get3A_1153 : i32 to index
    %get3A_1155 = arith.constant 16 : index
    %get3A_1156 = tpu.vector_load %arg9[%get3A_1154, %get3A_1155] {strides = array<i32>} : memref<64x128xf32, #tpu.memory_space<vmem>>, vector<1x16xf32>,
    %get3A_1157 = vector.shape_cast %get3A_1156 : vector<1x16xf32> to vector<16xf32>
    %get3A_1158 = arith.constant 39 : i32
    %get3A_1159 = arith.index_cast %get3A_1158 : i32 to index
    %get3A_1160 = arith.constant 0 : index
    %get3A_1161 = tpu.vector_load %arg11[%get3A_1159, %get3A_1160] {strides = array<i32>} : memref<64x128xf32, #tpu.memory_space<vmem>>, vector<1x16xf32>,
    %get3A_1162 = vector.shape_cast %get3A_1161 : vector<1x16xf32> to vector<16xf32>
    %mul3A_1163 = arith.mulf %get3A_1157, %get3A_1162 : vector<16xf32>
    %add3A_1164 = arith.addf %mul3A_1152, %mul3A_1163 : vector<16xf32>
    %swap3A_1165 = arith.constant 39 : i32
    %swap3A_1166 = arith.index_cast %swap3A_1165 : i32 to index
    %swap3A_1167 = arith.constant 0 : index
    %swap3A_1168 = tpu.vector_load %arg12[%swap3A_1166, %swap3A_1167] {strides = array<i32>} : memref<64x16xf32, #tpu.memory_space<vmem>>, vector<1x16xf32>,
    %swap3A_1169 = vector.shape_cast %swap3A_1168 : vector<1x16xf32> to vector<16xf32>
    %swap3A_1170 = vector.shape_cast %add3A_1164 : vector<16xf32> to vector<1x16xf32>
    tpu.vector_store %arg12[%swap3A_1166, %swap3A_1167], %swap3A_1170 {strides = array<i32>} : memref<64x16xf32, #tpu.memory_space<vmem>>, vector<1x16xf32>,
    %get3A_1171 = arith.constant 40 : i32
    %get3A_1172 = arith.index_cast %get3A_1171 : i32 to index
    %get3A_1173 = arith.constant 0 : index
    %get3A_1174 = tpu.vector_load %arg9[%get3A_1172, %get3A_1173] {strides = array<i32>} : memref<64x128xf32, #tpu.memory_space<vmem>>, vector<1x16xf32>,
    %get3A_1175 = vector.shape_cast %get3A_1174 : vector<1x16xf32> to vector<16xf32>
    %get3A_1176 = arith.constant 40 : i32
    %get3A_1177 = arith.index_cast %get3A_1176 : i32 to index
    %get3A_1178 = arith.constant 0 : index
    %get3A_1179 = tpu.vector_load %arg10[%get3A_1177, %get3A_1178] {strides = array<i32>} : memref<64x128xf32, #tpu.memory_space<vmem>>, vector<1x16xf32>,
    %get3A_1180 = vector.shape_cast %get3A_1179 : vector<1x16xf32> to vector<16xf32>
    %mul3A_1181 = arith.mulf %get3A_1175, %get3A_1180 : vector<16xf32>
    %get3A_1182 = arith.constant 40 : i32
    %get3A_1183 = arith.index_cast %get3A_1182 : i32 to index
    %get3A_1184 = arith.constant 16 : index
    %get3A_1185 = tpu.vector_load %arg9[%get3A_1183, %get3A_1184] {strides = array<i32>} : memref<64x128xf32, #tpu.memory_space<vmem>>, vector<1x16xf32>,
    %get3A_1186 = vector.shape_cast %get3A_1185 : vector<1x16xf32> to vector<16xf32>
    %get3A_1187 = arith.constant 40 : i32
    %get3A_1188 = arith.index_cast %get3A_1187 : i32 to index
    %get3A_1189 = arith.constant 0 : index
    %get3A_1190 = tpu.vector_load %arg11[%get3A_1188, %get3A_1189] {strides = array<i32>} : memref<64x128xf32, #tpu.memory_space<vmem>>, vector<1x16xf32>,
    %get3A_1191 = vector.shape_cast %get3A_1190 : vector<1x16xf32> to vector<16xf32>
    %mul3A_1192 = arith.mulf %get3A_1186, %get3A_1191 : vector<16xf32>
    %add3A_1193 = arith.addf %mul3A_1181, %mul3A_1192 : vector<16xf32>
    %swap3A_1194 = arith.constant 40 : i32
    %swap3A_1195 = arith.index_cast %swap3A_1194 : i32 to index
    %swap3A_1196 = arith.constant 0 : index
    %swap3A_1197 = tpu.vector_load %arg12[%swap3A_1195, %swap3A_1196] {strides = array<i32>} : memref<64x16xf32, #tpu.memory_space<vmem>>, vector<1x16xf32>,
    %swap3A_1198 = vector.shape_cast %swap3A_1197 : vector<1x16xf32> to vector<16xf32>
    %swap3A_1199 = vector.shape_cast %add3A_1193 : vector<16xf32> to vector<1x16xf32>
    tpu.vector_store %arg12[%swap3A_1195, %swap3A_1196], %swap3A_1199 {strides = array<i32>} : memref<64x16xf32, #tpu.memory_space<vmem>>, vector<1x16xf32>,
    %get3A_1200 = arith.constant 41 : i32
    %get3A_1201 = arith.index_cast %get3A_1200 : i32 to index
    %get3A_1202 = arith.constant 0 : index
    %get3A_1203 = tpu.vector_load %arg9[%get3A_1201, %get3A_1202] {strides = array<i32>} : memref<64x128xf32, #tpu.memory_space<vmem>>, vector<1x16xf32>,
    %get3A_1204 = vector.shape_cast %get3A_1203 : vector<1x16xf32> to vector<16xf32>
    %get3A_1205 = arith.constant 41 : i32
    %get3A_1206 = arith.index_cast %get3A_1205 : i32 to index
    %get3A_1207 = arith.constant 0 : index
    %get3A_1208 = tpu.vector_load %arg10[%get3A_1206, %get3A_1207] {strides = array<i32>} : memref<64x128xf32, #tpu.memory_space<vmem>>, vector<1x16xf32>,
    %get3A_1209 = vector.shape_cast %get3A_1208 : vector<1x16xf32> to vector<16xf32>
    %mul3A_1210 = arith.mulf %get3A_1204, %get3A_1209 : vector<16xf32>
    %get3A_1211 = arith.constant 41 : i32
    %get3A_1212 = arith.index_cast %get3A_1211 : i32 to index
    %get3A_1213 = arith.constant 16 : index
    %get3A_1214 = tpu.vector_load %arg9[%get3A_1212, %get3A_1213] {strides = array<i32>} : memref<64x128xf32, #tpu.memory_space<vmem>>, vector<1x16xf32>,
    %get3A_1215 = vector.shape_cast %get3A_1214 : vector<1x16xf32> to vector<16xf32>
    %get3A_1216 = arith.constant 41 : i32
    %get3A_1217 = arith.index_cast %get3A_1216 : i32 to index
    %get3A_1218 = arith.constant 0 : index
    %get3A_1219 = tpu.vector_load %arg11[%get3A_1217, %get3A_1218] {strides = array<i32>} : memref<64x128xf32, #tpu.memory_space<vmem>>, vector<1x16xf32>,
    %get3A_1220 = vector.shape_cast %get3A_1219 : vector<1x16xf32> to vector<16xf32>
    %mul3A_1221 = arith.mulf %get3A_1215, %get3A_1220 : vector<16xf32>
    %add3A_1222 = arith.addf %mul3A_1210, %mul3A_1221 : vector<16xf32>
    %swap3A_1223 = arith.constant 41 : i32
    %swap3A_1224 = arith.index_cast %swap3A_1223 : i32 to index
    %swap3A_1225 = arith.constant 0 : index
    %swap3A_1226 = tpu.vector_load %arg12[%swap3A_1224, %swap3A_1225] {strides = array<i32>} : memref<64x16xf32, #tpu.memory_space<vmem>>, vector<1x16xf32>,
    %swap3A_1227 = vector.shape_cast %swap3A_1226 : vector<1x16xf32> to vector<16xf32>
    %swap3A_1228 = vector.shape_cast %add3A_1222 : vector<16xf32> to vector<1x16xf32>
    tpu.vector_store %arg12[%swap3A_1224, %swap3A_1225], %swap3A_1228 {strides = array<i32>} : memref<64x16xf32, #tpu.memory_space<vmem>>, vector<1x16xf32>,
    %get3A_1229 = arith.constant 42 : i32
    %get3A_1230 = arith.index_cast %get3A_1229 : i32 to index
    %get3A_1231 = arith.constant 0 : index
    %get3A_1232 = tpu.vector_load %arg9[%get3A_1230, %get3A_1231] {strides = array<i32>} : memref<64x128xf32, #tpu.memory_space<vmem>>, vector<1x16xf32>,
    %get3A_1233 = vector.shape_cast %get3A_1232 : vector<1x16xf32> to vector<16xf32>
    %get3A_1234 = arith.constant 42 : i32
    %get3A_1235 = arith.index_cast %get3A_1234 : i32 to index
    %get3A_1236 = arith.constant 0 : index
    %get3A_1237 = tpu.vector_load %arg10[%get3A_1235, %get3A_1236] {strides = array<i32>} : memref<64x128xf32, #tpu.memory_space<vmem>>, vector<1x16xf32>,
    %get3A_1238 = vector.shape_cast %get3A_1237 : vector<1x16xf32> to vector<16xf32>
    %mul3A_1239 = arith.mulf %get3A_1233, %get3A_1238 : vector<16xf32>
    %get3A_1240 = arith.constant 42 : i32
    %get3A_1241 = arith.index_cast %get3A_1240 : i32 to index
    %get3A_1242 = arith.constant 16 : index
    %get3A_1243 = tpu.vector_load %arg9[%get3A_1241, %get3A_1242] {strides = array<i32>} : memref<64x128xf32, #tpu.memory_space<vmem>>, vector<1x16xf32>,
    %get3A_1244 = vector.shape_cast %get3A_1243 : vector<1x16xf32> to vector<16xf32>
    %get3A_1245 = arith.constant 42 : i32
    %get3A_1246 = arith.index_cast %get3A_1245 : i32 to index
    %get3A_1247 = arith.constant 0 : index
    %get3A_1248 = tpu.vector_load %arg11[%get3A_1246, %get3A_1247] {strides = array<i32>} : memref<64x128xf32, #tpu.memory_space<vmem>>, vector<1x16xf32>,
    %get3A_1249 = vector.shape_cast %get3A_1248 : vector<1x16xf32> to vector<16xf32>
    %mul3A_1250 = arith.mulf %get3A_1244, %get3A_1249 : vector<16xf32>
    %add3A_1251 = arith.addf %mul3A_1239, %mul3A_1250 : vector<16xf32>
    %swap3A_1252 = arith.constant 42 : i32
    %swap3A_1253 = arith.index_cast %swap3A_1252 : i32 to index
    %swap3A_1254 = arith.constant 0 : index
    %swap3A_1255 = tpu.vector_load %arg12[%swap3A_1253, %swap3A_1254] {strides = array<i32>} : memref<64x16xf32, #tpu.memory_space<vmem>>, vector<1x16xf32>,
    %swap3A_1256 = vector.shape_cast %swap3A_1255 : vector<1x16xf32> to vector<16xf32>
    %swap3A_1257 = vector.shape_cast %add3A_1251 : vector<16xf32> to vector<1x16xf32>
    tpu.vector_store %arg12[%swap3A_1253, %swap3A_1254], %swap3A_1257 {strides = array<i32>} : memref<64x16xf32, #tpu.memory_space<vmem>>, vector<1x16xf32>,
    %get3A_1258 = arith.constant 43 : i32
    %get3A_1259 = arith.index_cast %get3A_1258 : i32 to index
    %get3A_1260 = arith.constant 0 : index
    %get3A_1261 = tpu.vector_load %arg9[%get3A_1259, %get3A_1260] {strides = array<i32>} : memref<64x128xf32, #tpu.memory_space<vmem>>, vector<1x16xf32>,
    %get3A_1262 = vector.shape_cast %get3A_1261 : vector<1x16xf32> to vector<16xf32>
    %get3A_1263 = arith.constant 43 : i32
    %get3A_1264 = arith.index_cast %get3A_1263 : i32 to index
    %get3A_1265 = arith.constant 0 : index
    %get3A_1266 = tpu.vector_load %arg10[%get3A_1264, %get3A_1265] {strides = array<i32>} : memref<64x128xf32, #tpu.memory_space<vmem>>, vector<1x16xf32>,
    %get3A_1267 = vector.shape_cast %get3A_1266 : vector<1x16xf32> to vector<16xf32>
    %mul3A_1268 = arith.mulf %get3A_1262, %get3A_1267 : vector<16xf32>
    %get3A_1269 = arith.constant 43 : i32
    %get3A_1270 = arith.index_cast %get3A_1269 : i32 to index
    %get3A_1271 = arith.constant 16 : index
    %get3A_1272 = tpu.vector_load %arg9[%get3A_1270, %get3A_1271] {strides = array<i32>} : memref<64x128xf32, #tpu.memory_space<vmem>>, vector<1x16xf32>,
    %get3A_1273 = vector.shape_cast %get3A_1272 : vector<1x16xf32> to vector<16xf32>
    %get3A_1274 = arith.constant 43 : i32
    %get3A_1275 = arith.index_cast %get3A_1274 : i32 to index
    %get3A_1276 = arith.constant 0 : index
    %get3A_1277 = tpu.vector_load %arg11[%get3A_1275, %get3A_1276] {strides = array<i32>} : memref<64x128xf32, #tpu.memory_space<vmem>>, vector<1x16xf32>,
    %get3A_1278 = vector.shape_cast %get3A_1277 : vector<1x16xf32> to vector<16xf32>
    %mul3A_1279 = arith.mulf %get3A_1273, %get3A_1278 : vector<16xf32>
    %add3A_1280 = arith.addf %mul3A_1268, %mul3A_1279 : vector<16xf32>
    %swap3A_1281 = arith.constant 43 : i32
    %swap3A_1282 = arith.index_cast %swap3A_1281 : i32 to index
    %swap3A_1283 = arith.constant 0 : index
    %swap3A_1284 = tpu.vector_load %arg12[%swap3A_1282, %swap3A_1283] {strides = array<i32>} : memref<64x16xf32, #tpu.memory_space<vmem>>, vector<1x16xf32>,
    %swap3A_1285 = vector.shape_cast %swap3A_1284 : vector<1x16xf32> to vector<16xf32>
    %swap3A_1286 = vector.shape_cast %add3A_1280 : vector<16xf32> to vector<1x16xf32>
    tpu.vector_store %arg12[%swap3A_1282, %swap3A_1283], %swap3A_1286 {strides = array<i32>} : memref<64x16xf32, #tpu.memory_space<vmem>>, vector<1x16xf32>,
    %get3A_1287 = arith.constant 44 : i32
    %get3A_1288 = arith.index_cast %get3A_1287 : i32 to index
    %get3A_1289 = arith.constant 0 : index
    %get3A_1290 = tpu.vector_load %arg9[%get3A_1288, %get3A_1289] {strides = array<i32>} : memref<64x128xf32, #tpu.memory_space<vmem>>, vector<1x16xf32>,
    %get3A_1291 = vector.shape_cast %get3A_1290 : vector<1x16xf32> to vector<16xf32>
    %get3A_1292 = arith.constant 44 : i32
    %get3A_1293 = arith.index_cast %get3A_1292 : i32 to index
    %get3A_1294 = arith.constant 0 : index
    %get3A_1295 = tpu.vector_load %arg10[%get3A_1293, %get3A_1294] {strides = array<i32>} : memref<64x128xf32, #tpu.memory_space<vmem>>, vector<1x16xf32>,
    %get3A_1296 = vector.shape_cast %get3A_1295 : vector<1x16xf32> to vector<16xf32>
    %mul3A_1297 = arith.mulf %get3A_1291, %get3A_1296 : vector<16xf32>
    %get3A_1298 = arith.constant 44 : i32
    %get3A_1299 = arith.index_cast %get3A_1298 : i32 to index
    %get3A_1300 = arith.constant 16 : index
    %get3A_1301 = tpu.vector_load %arg9[%get3A_1299, %get3A_1300] {strides = array<i32>} : memref<64x128xf32, #tpu.memory_space<vmem>>, vector<1x16xf32>,
    %get3A_1302 = vector.shape_cast %get3A_1301 : vector<1x16xf32> to vector<16xf32>
    %get3A_1303 = arith.constant 44 : i32
    %get3A_1304 = arith.index_cast %get3A_1303 : i32 to index
    %get3A_1305 = arith.constant 0 : index
    %get3A_1306 = tpu.vector_load %arg11[%get3A_1304, %get3A_1305] {strides = array<i32>} : memref<64x128xf32, #tpu.memory_space<vmem>>, vector<1x16xf32>,
    %get3A_1307 = vector.shape_cast %get3A_1306 : vector<1x16xf32> to vector<16xf32>
    %mul3A_1308 = arith.mulf %get3A_1302, %get3A_1307 : vector<16xf32>
    %add3A_1309 = arith.addf %mul3A_1297, %mul3A_1308 : vector<16xf32>
    %swap3A_1310 = arith.constant 44 : i32
    %swap3A_1311 = arith.index_cast %swap3A_1310 : i32 to index
    %swap3A_1312 = arith.constant 0 : index
    %swap3A_1313 = tpu.vector_load %arg12[%swap3A_1311, %swap3A_1312] {strides = array<i32>} : memref<64x16xf32, #tpu.memory_space<vmem>>, vector<1x16xf32>,
    %swap3A_1314 = vector.shape_cast %swap3A_1313 : vector<1x16xf32> to vector<16xf32>
    %swap3A_1315 = vector.shape_cast %add3A_1309 : vector<16xf32> to vector<1x16xf32>
    tpu.vector_store %arg12[%swap3A_1311, %swap3A_1312], %swap3A_1315 {strides = array<i32>} : memref<64x16xf32, #tpu.memory_space<vmem>>, vector<1x16xf32>,
    %get3A_1316 = arith.constant 45 : i32
    %get3A_1317 = arith.index_cast %get3A_1316 : i32 to index
    %get3A_1318 = arith.constant 0 : index
    %get3A_1319 = tpu.vector_load %arg9[%get3A_1317, %get3A_1318] {strides = array<i32>} : memref<64x128xf32, #tpu.memory_space<vmem>>, vector<1x16xf32>,
    %get3A_1320 = vector.shape_cast %get3A_1319 : vector<1x16xf32> to vector<16xf32>
    %get3A_1321 = arith.constant 45 : i32
    %get3A_1322 = arith.index_cast %get3A_1321 : i32 to index
    %get3A_1323 = arith.constant 0 : index
    %get3A_1324 = tpu.vector_load %arg10[%get3A_1322, %get3A_1323] {strides = array<i32>} : memref<64x128xf32, #tpu.memory_space<vmem>>, vector<1x16xf32>,
    %get3A_1325 = vector.shape_cast %get3A_1324 : vector<1x16xf32> to vector<16xf32>
    %mul3A_1326 = arith.mulf %get3A_1320, %get3A_1325 : vector<16xf32>
    %get3A_1327 = arith.constant 45 : i32
    %get3A_1328 = arith.index_cast %get3A_1327 : i32 to index
    %get3A_1329 = arith.constant 16 : index
    %get3A_1330 = tpu.vector_load %arg9[%get3A_1328, %get3A_1329] {strides = array<i32>} : memref<64x128xf32, #tpu.memory_space<vmem>>, vector<1x16xf32>,
    %get3A_1331 = vector.shape_cast %get3A_1330 : vector<1x16xf32> to vector<16xf32>
    %get3A_1332 = arith.constant 45 : i32
    %get3A_1333 = arith.index_cast %get3A_1332 : i32 to index
    %get3A_1334 = arith.constant 0 : index
    %get3A_1335 = tpu.vector_load %arg11[%get3A_1333, %get3A_1334] {strides = array<i32>} : memref<64x128xf32, #tpu.memory_space<vmem>>, vector<1x16xf32>,
    %get3A_1336 = vector.shape_cast %get3A_1335 : vector<1x16xf32> to vector<16xf32>
    %mul3A_1337 = arith.mulf %get3A_1331, %get3A_1336 : vector<16xf32>
    %add3A_1338 = arith.addf %mul3A_1326, %mul3A_1337 : vector<16xf32>
    %swap3A_1339 = arith.constant 45 : i32
    %swap3A_1340 = arith.index_cast %swap3A_1339 : i32 to index
    %swap3A_1341 = arith.constant 0 : index
    %swap3A_1342 = tpu.vector_load %arg12[%swap3A_1340, %swap3A_1341] {strides = array<i32>} : memref<64x16xf32, #tpu.memory_space<vmem>>, vector<1x16xf32>,
    %swap3A_1343 = vector.shape_cast %swap3A_1342 : vector<1x16xf32> to vector<16xf32>
    %swap3A_1344 = vector.shape_cast %add3A_1338 : vector<16xf32> to vector<1x16xf32>
    tpu.vector_store %arg12[%swap3A_1340, %swap3A_1341], %swap3A_1344 {strides = array<i32>} : memref<64x16xf32, #tpu.memory_space<vmem>>, vector<1x16xf32>,
    %get3A_1345 = arith.constant 46 : i32
    %get3A_1346 = arith.index_cast %get3A_1345 : i32 to index
    %get3A_1347 = arith.constant 0 : index
    %get3A_1348 = tpu.vector_load %arg9[%get3A_1346, %get3A_1347] {strides = array<i32>} : memref<64x128xf32, #tpu.memory_space<vmem>>, vector<1x16xf32>,
    %get3A_1349 = vector.shape_cast %get3A_1348 : vector<1x16xf32> to vector<16xf32>
    %get3A_1350 = arith.constant 46 : i32
    %get3A_1351 = arith.index_cast %get3A_1350 : i32 to index
    %get3A_1352 = arith.constant 0 : index
    %get3A_1353 = tpu.vector_load %arg10[%get3A_1351, %get3A_1352] {strides = array<i32>} : memref<64x128xf32, #tpu.memory_space<vmem>>, vector<1x16xf32>,
    %get3A_1354 = vector.shape_cast %get3A_1353 : vector<1x16xf32> to vector<16xf32>
    %mul3A_1355 = arith.mulf %get3A_1349, %get3A_1354 : vector<16xf32>
    %get3A_1356 = arith.constant 46 : i32
    %get3A_1357 = arith.index_cast %get3A_1356 : i32 to index
    %get3A_1358 = arith.constant 16 : index
    %get3A_1359 = tpu.vector_load %arg9[%get3A_1357, %get3A_1358] {strides = array<i32>} : memref<64x128xf32, #tpu.memory_space<vmem>>, vector<1x16xf32>,
    %get3A_1360 = vector.shape_cast %get3A_1359 : vector<1x16xf32> to vector<16xf32>
    %get3A_1361 = arith.constant 46 : i32
    %get3A_1362 = arith.index_cast %get3A_1361 : i32 to index
    %get3A_1363 = arith.constant 0 : index
    %get3A_1364 = tpu.vector_load %arg11[%get3A_1362, %get3A_1363] {strides = array<i32>} : memref<64x128xf32, #tpu.memory_space<vmem>>, vector<1x16xf32>,
    %get3A_1365 = vector.shape_cast %get3A_1364 : vector<1x16xf32> to vector<16xf32>
    %mul3A_1366 = arith.mulf %get3A_1360, %get3A_1365 : vector<16xf32>
    %add3A_1367 = arith.addf %mul3A_1355, %mul3A_1366 : vector<16xf32>
    %swap3A_1368 = arith.constant 46 : i32
    %swap3A_1369 = arith.index_cast %swap3A_1368 : i32 to index
    %swap3A_1370 = arith.constant 0 : index
    %swap3A_1371 = tpu.vector_load %arg12[%swap3A_1369, %swap3A_1370] {strides = array<i32>} : memref<64x16xf32, #tpu.memory_space<vmem>>, vector<1x16xf32>,
    %swap3A_1372 = vector.shape_cast %swap3A_1371 : vector<1x16xf32> to vector<16xf32>
    %swap3A_1373 = vector.shape_cast %add3A_1367 : vector<16xf32> to vector<1x16xf32>
    tpu.vector_store %arg12[%swap3A_1369, %swap3A_1370], %swap3A_1373 {strides = array<i32>} : memref<64x16xf32, #tpu.memory_space<vmem>>, vector<1x16xf32>,
    %get3A_1374 = arith.constant 47 : i32
    %get3A_1375 = arith.index_cast %get3A_1374 : i32 to index
    %get3A_1376 = arith.constant 0 : index
    %get3A_1377 = tpu.vector_load %arg9[%get3A_1375, %get3A_1376] {strides = array<i32>} : memref<64x128xf32, #tpu.memory_space<vmem>>, vector<1x16xf32>,
    %get3A_1378 = vector.shape_cast %get3A_1377 : vector<1x16xf32> to vector<16xf32>
    %get3A_1379 = arith.constant 47 : i32
    %get3A_1380 = arith.index_cast %get3A_1379 : i32 to index
    %get3A_1381 = arith.constant 0 : index
    %get3A_1382 = tpu.vector_load %arg10[%get3A_1380, %get3A_1381] {strides = array<i32>} : memref<64x128xf32, #tpu.memory_space<vmem>>, vector<1x16xf32>,
    %get3A_1383 = vector.shape_cast %get3A_1382 : vector<1x16xf32> to vector<16xf32>
    %mul3A_1384 = arith.mulf %get3A_1378, %get3A_1383 : vector<16xf32>
    %get3A_1385 = arith.constant 47 : i32
    %get3A_1386 = arith.index_cast %get3A_1385 : i32 to index
    %get3A_1387 = arith.constant 16 : index
    %get3A_1388 = tpu.vector_load %arg9[%get3A_1386, %get3A_1387] {strides = array<i32>} : memref<64x128xf32, #tpu.memory_space<vmem>>, vector<1x16xf32>,
    %get3A_1389 = vector.shape_cast %get3A_1388 : vector<1x16xf32> to vector<16xf32>
    %get3A_1390 = arith.constant 47 : i32
    %get3A_1391 = arith.index_cast %get3A_1390 : i32 to index
    %get3A_1392 = arith.constant 0 : index
    %get3A_1393 = tpu.vector_load %arg11[%get3A_1391, %get3A_1392] {strides = array<i32>} : memref<64x128xf32, #tpu.memory_space<vmem>>, vector<1x16xf32>,
    %get3A_1394 = vector.shape_cast %get3A_1393 : vector<1x16xf32> to vector<16xf32>
    %mul3A_1395 = arith.mulf %get3A_1389, %get3A_1394 : vector<16xf32>
    %add3A_1396 = arith.addf %mul3A_1384, %mul3A_1395 : vector<16xf32>
    %swap3A_1397 = arith.constant 47 : i32
    %swap3A_1398 = arith.index_cast %swap3A_1397 : i32 to index
    %swap3A_1399 = arith.constant 0 : index
    %swap3A_1400 = tpu.vector_load %arg12[%swap3A_1398, %swap3A_1399] {strides = array<i32>} : memref<64x16xf32, #tpu.memory_space<vmem>>, vector<1x16xf32>,
    %swap3A_1401 = vector.shape_cast %swap3A_1400 : vector<1x16xf32> to vector<16xf32>
    %swap3A_1402 = vector.shape_cast %add3A_1396 : vector<16xf32> to vector<1x16xf32>
    tpu.vector_store %arg12[%swap3A_1398, %swap3A_1399], %swap3A_1402 {strides = array<i32>} : memref<64x16xf32, #tpu.memory_space<vmem>>, vector<1x16xf32>,
    %get3A_1403 = arith.constant 48 : i32
    %get3A_1404 = arith.index_cast %get3A_1403 : i32 to index
    %get3A_1405 = arith.constant 0 : index
    %get3A_1406 = tpu.vector_load %arg9[%get3A_1404, %get3A_1405] {strides = array<i32>} : memref<64x128xf32, #tpu.memory_space<vmem>>, vector<1x16xf32>,
    %get3A_1407 = vector.shape_cast %get3A_1406 : vector<1x16xf32> to vector<16xf32>
    %get3A_1408 = arith.constant 48 : i32
    %get3A_1409 = arith.index_cast %get3A_1408 : i32 to index
    %get3A_1410 = arith.constant 0 : index
    %get3A_1411 = tpu.vector_load %arg10[%get3A_1409, %get3A_1410] {strides = array<i32>} : memref<64x128xf32, #tpu.memory_space<vmem>>, vector<1x16xf32>,
    %get3A_1412 = vector.shape_cast %get3A_1411 : vector<1x16xf32> to vector<16xf32>
    %mul3A_1413 = arith.mulf %get3A_1407, %get3A_1412 : vector<16xf32>
    %get3A_1414 = arith.constant 48 : i32
    %get3A_1415 = arith.index_cast %get3A_1414 : i32 to index
    %get3A_1416 = arith.constant 16 : index
    %get3A_1417 = tpu.vector_load %arg9[%get3A_1415, %get3A_1416] {strides = array<i32>} : memref<64x128xf32, #tpu.memory_space<vmem>>, vector<1x16xf32>,
    %get3A_1418 = vector.shape_cast %get3A_1417 : vector<1x16xf32> to vector<16xf32>
    %get3A_1419 = arith.constant 48 : i32
    %get3A_1420 = arith.index_cast %get3A_1419 : i32 to index
    %get3A_1421 = arith.constant 0 : index
    %get3A_1422 = tpu.vector_load %arg11[%get3A_1420, %get3A_1421] {strides = array<i32>} : memref<64x128xf32, #tpu.memory_space<vmem>>, vector<1x16xf32>,
    %get3A_1423 = vector.shape_cast %get3A_1422 : vector<1x16xf32> to vector<16xf32>
    %mul3A_1424 = arith.mulf %get3A_1418, %get3A_1423 : vector<16xf32>
    %add3A_1425 = arith.addf %mul3A_1413, %mul3A_1424 : vector<16xf32>
    %swap3A_1426 = arith.constant 48 : i32
    %swap3A_1427 = arith.index_cast %swap3A_1426 : i32 to index
    %swap3A_1428 = arith.constant 0 : index
    %swap3A_1429 = tpu.vector_load %arg12[%swap3A_1427, %swap3A_1428] {strides = array<i32>} : memref<64x16xf32, #tpu.memory_space<vmem>>, vector<1x16xf32>,
    %swap3A_1430 = vector.shape_cast %swap3A_1429 : vector<1x16xf32> to vector<16xf32>
    %swap3A_1431 = vector.shape_cast %add3A_1425 : vector<16xf32> to vector<1x16xf32>
    tpu.vector_store %arg12[%swap3A_1427, %swap3A_1428], %swap3A_1431 {strides = array<i32>} : memref<64x16xf32, #tpu.memory_space<vmem>>, vector<1x16xf32>,
    %get3A_1432 = arith.constant 49 : i32
    %get3A_1433 = arith.index_cast %get3A_1432 : i32 to index
    %get3A_1434 = arith.constant 0 : index
    %get3A_1435 = tpu.vector_load %arg9[%get3A_1433, %get3A_1434] {strides = array<i32>} : memref<64x128xf32, #tpu.memory_space<vmem>>, vector<1x16xf32>,
    %get3A_1436 = vector.shape_cast %get3A_1435 : vector<1x16xf32> to vector<16xf32>
    %get3A_1437 = arith.constant 49 : i32
    %get3A_1438 = arith.index_cast %get3A_1437 : i32 to index
    %get3A_1439 = arith.constant 0 : index
    %get3A_1440 = tpu.vector_load %arg10[%get3A_1438, %get3A_1439] {strides = array<i32>} : memref<64x128xf32, #tpu.memory_space<vmem>>, vector<1x16xf32>,
    %get3A_1441 = vector.shape_cast %get3A_1440 : vector<1x16xf32> to vector<16xf32>
    %mul3A_1442 = arith.mulf %get3A_1436, %get3A_1441 : vector<16xf32>
    %get3A_1443 = arith.constant 49 : i32
    %get3A_1444 = arith.index_cast %get3A_1443 : i32 to index
    %get3A_1445 = arith.constant 16 : index
    %get3A_1446 = tpu.vector_load %arg9[%get3A_1444, %get3A_1445] {strides = array<i32>} : memref<64x128xf32, #tpu.memory_space<vmem>>, vector<1x16xf32>,
    %get3A_1447 = vector.shape_cast %get3A_1446 : vector<1x16xf32> to vector<16xf32>
    %get3A_1448 = arith.constant 49 : i32
    %get3A_1449 = arith.index_cast %get3A_1448 : i32 to index
    %get3A_1450 = arith.constant 0 : index
    %get3A_1451 = tpu.vector_load %arg11[%get3A_1449, %get3A_1450] {strides = array<i32>} : memref<64x128xf32, #tpu.memory_space<vmem>>, vector<1x16xf32>,
    %get3A_1452 = vector.shape_cast %get3A_1451 : vector<1x16xf32> to vector<16xf32>
    %mul3A_1453 = arith.mulf %get3A_1447, %get3A_1452 : vector<16xf32>
    %add3A_1454 = arith.addf %mul3A_1442, %mul3A_1453 : vector<16xf32>
    %swap3A_1455 = arith.constant 49 : i32
    %swap3A_1456 = arith.index_cast %swap3A_1455 : i32 to index
    %swap3A_1457 = arith.constant 0 : index
    %swap3A_1458 = tpu.vector_load %arg12[%swap3A_1456, %swap3A_1457] {strides = array<i32>} : memref<64x16xf32, #tpu.memory_space<vmem>>, vector<1x16xf32>,
    %swap3A_1459 = vector.shape_cast %swap3A_1458 : vector<1x16xf32> to vector<16xf32>
    %swap3A_1460 = vector.shape_cast %add3A_1454 : vector<16xf32> to vector<1x16xf32>
    tpu.vector_store %arg12[%swap3A_1456, %swap3A_1457], %swap3A_1460 {strides = array<i32>} : memref<64x16xf32, #tpu.memory_space<vmem>>, vector<1x16xf32>,
    %get3A_1461 = arith.constant 50 : i32
    %get3A_1462 = arith.index_cast %get3A_1461 : i32 to index
    %get3A_1463 = arith.constant 0 : index
    %get3A_1464 = tpu.vector_load %arg9[%get3A_1462, %get3A_1463] {strides = array<i32>} : memref<64x128xf32, #tpu.memory_space<vmem>>, vector<1x16xf32>,
    %get3A_1465 = vector.shape_cast %get3A_1464 : vector<1x16xf32> to vector<16xf32>
    %get3A_1466 = arith.constant 50 : i32
    %get3A_1467 = arith.index_cast %get3A_1466 : i32 to index
    %get3A_1468 = arith.constant 0 : index
    %get3A_1469 = tpu.vector_load %arg10[%get3A_1467, %get3A_1468] {strides = array<i32>} : memref<64x128xf32, #tpu.memory_space<vmem>>, vector<1x16xf32>,
    %get3A_1470 = vector.shape_cast %get3A_1469 : vector<1x16xf32> to vector<16xf32>
    %mul3A_1471 = arith.mulf %get3A_1465, %get3A_1470 : vector<16xf32>
    %get3A_1472 = arith.constant 50 : i32
    %get3A_1473 = arith.index_cast %get3A_1472 : i32 to index
    %get3A_1474 = arith.constant 16 : index
    %get3A_1475 = tpu.vector_load %arg9[%get3A_1473, %get3A_1474] {strides = array<i32>} : memref<64x128xf32, #tpu.memory_space<vmem>>, vector<1x16xf32>,
    %get3A_1476 = vector.shape_cast %get3A_1475 : vector<1x16xf32> to vector<16xf32>
    %get3A_1477 = arith.constant 50 : i32
    %get3A_1478 = arith.index_cast %get3A_1477 : i32 to index
    %get3A_1479 = arith.constant 0 : index
    %get3A_1480 = tpu.vector_load %arg11[%get3A_1478, %get3A_1479] {strides = array<i32>} : memref<64x128xf32, #tpu.memory_space<vmem>>, vector<1x16xf32>,
    %get3A_1481 = vector.shape_cast %get3A_1480 : vector<1x16xf32> to vector<16xf32>
    %mul3A_1482 = arith.mulf %get3A_1476, %get3A_1481 : vector<16xf32>
    %add3A_1483 = arith.addf %mul3A_1471, %mul3A_1482 : vector<16xf32>
    %swap3A_1484 = arith.constant 50 : i32
    %swap3A_1485 = arith.index_cast %swap3A_1484 : i32 to index
    %swap3A_1486 = arith.constant 0 : index
    %swap3A_1487 = tpu.vector_load %arg12[%swap3A_1485, %swap3A_1486] {strides = array<i32>} : memref<64x16xf32, #tpu.memory_space<vmem>>, vector<1x16xf32>,
    %swap3A_1488 = vector.shape_cast %swap3A_1487 : vector<1x16xf32> to vector<16xf32>
    %swap3A_1489 = vector.shape_cast %add3A_1483 : vector<16xf32> to vector<1x16xf32>
    tpu.vector_store %arg12[%swap3A_1485, %swap3A_1486], %swap3A_1489 {strides = array<i32>} : memref<64x16xf32, #tpu.memory_space<vmem>>, vector<1x16xf32>,
    %get3A_1490 = arith.constant 51 : i32
    %get3A_1491 = arith.index_cast %get3A_1490 : i32 to index
    %get3A_1492 = arith.constant 0 : index
    %get3A_1493 = tpu.vector_load %arg9[%get3A_1491, %get3A_1492] {strides = array<i32>} : memref<64x128xf32, #tpu.memory_space<vmem>>, vector<1x16xf32>,
    %get3A_1494 = vector.shape_cast %get3A_1493 : vector<1x16xf32> to vector<16xf32>
    %get3A_1495 = arith.constant 51 : i32
    %get3A_1496 = arith.index_cast %get3A_1495 : i32 to index
    %get3A_1497 = arith.constant 0 : index
    %get3A_1498 = tpu.vector_load %arg10[%get3A_1496, %get3A_1497] {strides = array<i32>} : memref<64x128xf32, #tpu.memory_space<vmem>>, vector<1x16xf32>,
    %get3A_1499 = vector.shape_cast %get3A_1498 : vector<1x16xf32> to vector<16xf32>
    %mul3A_1500 = arith.mulf %get3A_1494, %get3A_1499 : vector<16xf32>
    %get3A_1501 = arith.constant 51 : i32
    %get3A_1502 = arith.index_cast %get3A_1501 : i32 to index
    %get3A_1503 = arith.constant 16 : index
    %get3A_1504 = tpu.vector_load %arg9[%get3A_1502, %get3A_1503] {strides = array<i32>} : memref<64x128xf32, #tpu.memory_space<vmem>>, vector<1x16xf32>,
    %get3A_1505 = vector.shape_cast %get3A_1504 : vector<1x16xf32> to vector<16xf32>
    %get3A_1506 = arith.constant 51 : i32
    %get3A_1507 = arith.index_cast %get3A_1506 : i32 to index
    %get3A_1508 = arith.constant 0 : index
    %get3A_1509 = tpu.vector_load %arg11[%get3A_1507, %get3A_1508] {strides = array<i32>} : memref<64x128xf32, #tpu.memory_space<vmem>>, vector<1x16xf32>,
    %get3A_1510 = vector.shape_cast %get3A_1509 : vector<1x16xf32> to vector<16xf32>
    %mul3A_1511 = arith.mulf %get3A_1505, %get3A_1510 : vector<16xf32>
    %add3A_1512 = arith.addf %mul3A_1500, %mul3A_1511 : vector<16xf32>
    %swap3A_1513 = arith.constant 51 : i32
    %swap3A_1514 = arith.index_cast %swap3A_1513 : i32 to index
    %swap3A_1515 = arith.constant 0 : index
    %swap3A_1516 = tpu.vector_load %arg12[%swap3A_1514, %swap3A_1515] {strides = array<i32>} : memref<64x16xf32, #tpu.memory_space<vmem>>, vector<1x16xf32>,
    %swap3A_1517 = vector.shape_cast %swap3A_1516 : vector<1x16xf32> to vector<16xf32>
    %swap3A_1518 = vector.shape_cast %add3A_1512 : vector<16xf32> to vector<1x16xf32>
    tpu.vector_store %arg12[%swap3A_1514, %swap3A_1515], %swap3A_1518 {strides = array<i32>} : memref<64x16xf32, #tpu.memory_space<vmem>>, vector<1x16xf32>,
    %get3A_1519 = arith.constant 52 : i32
    %get3A_1520 = arith.index_cast %get3A_1519 : i32 to index
    %get3A_1521 = arith.constant 0 : index
    %get3A_1522 = tpu.vector_load %arg9[%get3A_1520, %get3A_1521] {strides = array<i32>} : memref<64x128xf32, #tpu.memory_space<vmem>>, vector<1x16xf32>,
    %get3A_1523 = vector.shape_cast %get3A_1522 : vector<1x16xf32> to vector<16xf32>
    %get3A_1524 = arith.constant 52 : i32
    %get3A_1525 = arith.index_cast %get3A_1524 : i32 to index
    %get3A_1526 = arith.constant 0 : index
    %get3A_1527 = tpu.vector_load %arg10[%get3A_1525, %get3A_1526] {strides = array<i32>} : memref<64x128xf32, #tpu.memory_space<vmem>>, vector<1x16xf32>,
    %get3A_1528 = vector.shape_cast %get3A_1527 : vector<1x16xf32> to vector<16xf32>
    %mul3A_1529 = arith.mulf %get3A_1523, %get3A_1528 : vector<16xf32>
    %get3A_1530 = arith.constant 52 : i32
    %get3A_1531 = arith.index_cast %get3A_1530 : i32 to index
    %get3A_1532 = arith.constant 16 : index
    %get3A_1533 = tpu.vector_load %arg9[%get3A_1531, %get3A_1532] {strides = array<i32>} : memref<64x128xf32, #tpu.memory_space<vmem>>, vector<1x16xf32>,
    %get3A_1534 = vector.shape_cast %get3A_1533 : vector<1x16xf32> to vector<16xf32>
    %get3A_1535 = arith.constant 52 : i32
    %get3A_1536 = arith.index_cast %get3A_1535 : i32 to index
    %get3A_1537 = arith.constant 0 : index
    %get3A_1538 = tpu.vector_load %arg11[%get3A_1536, %get3A_1537] {strides = array<i32>} : memref<64x128xf32, #tpu.memory_space<vmem>>, vector<1x16xf32>,
    %get3A_1539 = vector.shape_cast %get3A_1538 : vector<1x16xf32> to vector<16xf32>
    %mul3A_1540 = arith.mulf %get3A_1534, %get3A_1539 : vector<16xf32>
    %add3A_1541 = arith.addf %mul3A_1529, %mul3A_1540 : vector<16xf32>
    %swap3A_1542 = arith.constant 52 : i32
    %swap3A_1543 = arith.index_cast %swap3A_1542 : i32 to index
    %swap3A_1544 = arith.constant 0 : index
    %swap3A_1545 = tpu.vector_load %arg12[%swap3A_1543, %swap3A_1544] {strides = array<i32>} : memref<64x16xf32, #tpu.memory_space<vmem>>, vector<1x16xf32>,
    %swap3A_1546 = vector.shape_cast %swap3A_1545 : vector<1x16xf32> to vector<16xf32>
    %swap3A_1547 = vector.shape_cast %add3A_1541 : vector<16xf32> to vector<1x16xf32>
    tpu.vector_store %arg12[%swap3A_1543, %swap3A_1544], %swap3A_1547 {strides = array<i32>} : memref<64x16xf32, #tpu.memory_space<vmem>>, vector<1x16xf32>,
    %get3A_1548 = arith.constant 53 : i32
    %get3A_1549 = arith.index_cast %get3A_1548 : i32 to index
    %get3A_1550 = arith.constant 0 : index
    %get3A_1551 = tpu.vector_load %arg9[%get3A_1549, %get3A_1550] {strides = array<i32>} : memref<64x128xf32, #tpu.memory_space<vmem>>, vector<1x16xf32>,
    %get3A_1552 = vector.shape_cast %get3A_1551 : vector<1x16xf32> to vector<16xf32>
    %get3A_1553 = arith.constant 53 : i32
    %get3A_1554 = arith.index_cast %get3A_1553 : i32 to index
    %get3A_1555 = arith.constant 0 : index
    %get3A_1556 = tpu.vector_load %arg10[%get3A_1554, %get3A_1555] {strides = array<i32>} : memref<64x128xf32, #tpu.memory_space<vmem>>, vector<1x16xf32>,
    %get3A_1557 = vector.shape_cast %get3A_1556 : vector<1x16xf32> to vector<16xf32>
    %mul3A_1558 = arith.mulf %get3A_1552, %get3A_1557 : vector<16xf32>
    %get3A_1559 = arith.constant 53 : i32
    %get3A_1560 = arith.index_cast %get3A_1559 : i32 to index
    %get3A_1561 = arith.constant 16 : index
    %get3A_1562 = tpu.vector_load %arg9[%get3A_1560, %get3A_1561] {strides = array<i32>} : memref<64x128xf32, #tpu.memory_space<vmem>>, vector<1x16xf32>,
    %get3A_1563 = vector.shape_cast %get3A_1562 : vector<1x16xf32> to vector<16xf32>
    %get3A_1564 = arith.constant 53 : i32
    %get3A_1565 = arith.index_cast %get3A_1564 : i32 to index
    %get3A_1566 = arith.constant 0 : index
    %get3A_1567 = tpu.vector_load %arg11[%get3A_1565, %get3A_1566] {strides = array<i32>} : memref<64x128xf32, #tpu.memory_space<vmem>>, vector<1x16xf32>,
    %get3A_1568 = vector.shape_cast %get3A_1567 : vector<1x16xf32> to vector<16xf32>
    %mul3A_1569 = arith.mulf %get3A_1563, %get3A_1568 : vector<16xf32>
    %add3A_1570 = arith.addf %mul3A_1558, %mul3A_1569 : vector<16xf32>
    %swap3A_1571 = arith.constant 53 : i32
    %swap3A_1572 = arith.index_cast %swap3A_1571 : i32 to index
    %swap3A_1573 = arith.constant 0 : index
    %swap3A_1574 = tpu.vector_load %arg12[%swap3A_1572, %swap3A_1573] {strides = array<i32>} : memref<64x16xf32, #tpu.memory_space<vmem>>, vector<1x16xf32>,
    %swap3A_1575 = vector.shape_cast %swap3A_1574 : vector<1x16xf32> to vector<16xf32>
    %swap3A_1576 = vector.shape_cast %add3A_1570 : vector<16xf32> to vector<1x16xf32>
    tpu.vector_store %arg12[%swap3A_1572, %swap3A_1573], %swap3A_1576 {strides = array<i32>} : memref<64x16xf32, #tpu.memory_space<vmem>>, vector<1x16xf32>,
    %get3A_1577 = arith.constant 54 : i32
    %get3A_1578 = arith.index_cast %get3A_1577 : i32 to index
    %get3A_1579 = arith.constant 0 : index
    %get3A_1580 = tpu.vector_load %arg9[%get3A_1578, %get3A_1579] {strides = array<i32>} : memref<64x128xf32, #tpu.memory_space<vmem>>, vector<1x16xf32>,
    %get3A_1581 = vector.shape_cast %get3A_1580 : vector<1x16xf32> to vector<16xf32>
    %get3A_1582 = arith.constant 54 : i32
    %get3A_1583 = arith.index_cast %get3A_1582 : i32 to index
    %get3A_1584 = arith.constant 0 : index
    %get3A_1585 = tpu.vector_load %arg10[%get3A_1583, %get3A_1584] {strides = array<i32>} : memref<64x128xf32, #tpu.memory_space<vmem>>, vector<1x16xf32>,
    %get3A_1586 = vector.shape_cast %get3A_1585 : vector<1x16xf32> to vector<16xf32>
    %mul3A_1587 = arith.mulf %get3A_1581, %get3A_1586 : vector<16xf32>
    %get3A_1588 = arith.constant 54 : i32
    %get3A_1589 = arith.index_cast %get3A_1588 : i32 to index
    %get3A_1590 = arith.constant 16 : index
    %get3A_1591 = tpu.vector_load %arg9[%get3A_1589, %get3A_1590] {strides = array<i32>} : memref<64x128xf32, #tpu.memory_space<vmem>>, vector<1x16xf32>,
    %get3A_1592 = vector.shape_cast %get3A_1591 : vector<1x16xf32> to vector<16xf32>
    %get3A_1593 = arith.constant 54 : i32
    %get3A_1594 = arith.index_cast %get3A_1593 : i32 to index
    %get3A_1595 = arith.constant 0 : index
    %get3A_1596 = tpu.vector_load %arg11[%get3A_1594, %get3A_1595] {strides = array<i32>} : memref<64x128xf32, #tpu.memory_space<vmem>>, vector<1x16xf32>,
    %get3A_1597 = vector.shape_cast %get3A_1596 : vector<1x16xf32> to vector<16xf32>
    %mul3A_1598 = arith.mulf %get3A_1592, %get3A_1597 : vector<16xf32>
    %add3A_1599 = arith.addf %mul3A_1587, %mul3A_1598 : vector<16xf32>
    %swap3A_1600 = arith.constant 54 : i32
    %swap3A_1601 = arith.index_cast %swap3A_1600 : i32 to index
    %swap3A_1602 = arith.constant 0 : index
    %swap3A_1603 = tpu.vector_load %arg12[%swap3A_1601, %swap3A_1602] {strides = array<i32>} : memref<64x16xf32, #tpu.memory_space<vmem>>, vector<1x16xf32>,
    %swap3A_1604 = vector.shape_cast %swap3A_1603 : vector<1x16xf32> to vector<16xf32>
    %swap3A_1605 = vector.shape_cast %add3A_1599 : vector<16xf32> to vector<1x16xf32>
    tpu.vector_store %arg12[%swap3A_1601, %swap3A_1602], %swap3A_1605 {strides = array<i32>} : memref<64x16xf32, #tpu.memory_space<vmem>>, vector<1x16xf32>,
    %get3A_1606 = arith.constant 55 : i32
    %get3A_1607 = arith.index_cast %get3A_1606 : i32 to index
    %get3A_1608 = arith.constant 0 : index
    %get3A_1609 = tpu.vector_load %arg9[%get3A_1607, %get3A_1608] {strides = array<i32>} : memref<64x128xf32, #tpu.memory_space<vmem>>, vector<1x16xf32>,
    %get3A_1610 = vector.shape_cast %get3A_1609 : vector<1x16xf32> to vector<16xf32>
    %get3A_1611 = arith.constant 55 : i32
    %get3A_1612 = arith.index_cast %get3A_1611 : i32 to index
    %get3A_1613 = arith.constant 0 : index
    %get3A_1614 = tpu.vector_load %arg10[%get3A_1612, %get3A_1613] {strides = array<i32>} : memref<64x128xf32, #tpu.memory_space<vmem>>, vector<1x16xf32>,
    %get3A_1615 = vector.shape_cast %get3A_1614 : vector<1x16xf32> to vector<16xf32>
    %mul3A_1616 = arith.mulf %get3A_1610, %get3A_1615 : vector<16xf32>
    %get3A_1617 = arith.constant 55 : i32
    %get3A_1618 = arith.index_cast %get3A_1617 : i32 to index
    %get3A_1619 = arith.constant 16 : index
    %get3A_1620 = tpu.vector_load %arg9[%get3A_1618, %get3A_1619] {strides = array<i32>} : memref<64x128xf32, #tpu.memory_space<vmem>>, vector<1x16xf32>,
    %get3A_1621 = vector.shape_cast %get3A_1620 : vector<1x16xf32> to vector<16xf32>
    %get3A_1622 = arith.constant 55 : i32
    %get3A_1623 = arith.index_cast %get3A_1622 : i32 to index
    %get3A_1624 = arith.constant 0 : index
    %get3A_1625 = tpu.vector_load %arg11[%get3A_1623, %get3A_1624] {strides = array<i32>} : memref<64x128xf32, #tpu.memory_space<vmem>>, vector<1x16xf32>,
    %get3A_1626 = vector.shape_cast %get3A_1625 : vector<1x16xf32> to vector<16xf32>
    %mul3A_1627 = arith.mulf %get3A_1621, %get3A_1626 : vector<16xf32>
    %add3A_1628 = arith.addf %mul3A_1616, %mul3A_1627 : vector<16xf32>
    %swap3A_1629 = arith.constant 55 : i32
    %swap3A_1630 = arith.index_cast %swap3A_1629 : i32 to index
    %swap3A_1631 = arith.constant 0 : index
    %swap3A_1632 = tpu.vector_load %arg12[%swap3A_1630, %swap3A_1631] {strides = array<i32>} : memref<64x16xf32, #tpu.memory_space<vmem>>, vector<1x16xf32>,
    %swap3A_1633 = vector.shape_cast %swap3A_1632 : vector<1x16xf32> to vector<16xf32>
    %swap3A_1634 = vector.shape_cast %add3A_1628 : vector<16xf32> to vector<1x16xf32>
    tpu.vector_store %arg12[%swap3A_1630, %swap3A_1631], %swap3A_1634 {strides = array<i32>} : memref<64x16xf32, #tpu.memory_space<vmem>>, vector<1x16xf32>,
    %get3A_1635 = arith.constant 56 : i32
    %get3A_1636 = arith.index_cast %get3A_1635 : i32 to index
    %get3A_1637 = arith.constant 0 : index
    %get3A_1638 = tpu.vector_load %arg9[%get3A_1636, %get3A_1637] {strides = array<i32>} : memref<64x128xf32, #tpu.memory_space<vmem>>, vector<1x16xf32>,
    %get3A_1639 = vector.shape_cast %get3A_1638 : vector<1x16xf32> to vector<16xf32>
    %get3A_1640 = arith.constant 56 : i32
    %get3A_1641 = arith.index_cast %get3A_1640 : i32 to index
    %get3A_1642 = arith.constant 0 : index
    %get3A_1643 = tpu.vector_load %arg10[%get3A_1641, %get3A_1642] {strides = array<i32>} : memref<64x128xf32, #tpu.memory_space<vmem>>, vector<1x16xf32>,
    %get3A_1644 = vector.shape_cast %get3A_1643 : vector<1x16xf32> to vector<16xf32>
    %mul3A_1645 = arith.mulf %get3A_1639, %get3A_1644 : vector<16xf32>
    %get3A_1646 = arith.constant 56 : i32
    %get3A_1647 = arith.index_cast %get3A_1646 : i32 to index
    %get3A_1648 = arith.constant 16 : index
    %get3A_1649 = tpu.vector_load %arg9[%get3A_1647, %get3A_1648] {strides = array<i32>} : memref<64x128xf32, #tpu.memory_space<vmem>>, vector<1x16xf32>,
    %get3A_1650 = vector.shape_cast %get3A_1649 : vector<1x16xf32> to vector<16xf32>
    %get3A_1651 = arith.constant 56 : i32
    %get3A_1652 = arith.index_cast %get3A_1651 : i32 to index
    %get3A_1653 = arith.constant 0 : index
    %get3A_1654 = tpu.vector_load %arg11[%get3A_1652, %get3A_1653] {strides = array<i32>} : memref<64x128xf32, #tpu.memory_space<vmem>>, vector<1x16xf32>,
    %get3A_1655 = vector.shape_cast %get3A_1654 : vector<1x16xf32> to vector<16xf32>
    %mul3A_1656 = arith.mulf %get3A_1650, %get3A_1655 : vector<16xf32>
    %add3A_1657 = arith.addf %mul3A_1645, %mul3A_1656 : vector<16xf32>
    %swap3A_1658 = arith.constant 56 : i32
    %swap3A_1659 = arith.index_cast %swap3A_1658 : i32 to index
    %swap3A_1660 = arith.constant 0 : index
    %swap3A_1661 = tpu.vector_load %arg12[%swap3A_1659, %swap3A_1660] {strides = array<i32>} : memref<64x16xf32, #tpu.memory_space<vmem>>, vector<1x16xf32>,
    %swap3A_1662 = vector.shape_cast %swap3A_1661 : vector<1x16xf32> to vector<16xf32>
    %swap3A_1663 = vector.shape_cast %add3A_1657 : vector<16xf32> to vector<1x16xf32>
    tpu.vector_store %arg12[%swap3A_1659, %swap3A_1660], %swap3A_1663 {strides = array<i32>} : memref<64x16xf32, #tpu.memory_space<vmem>>, vector<1x16xf32>,
    %get3A_1664 = arith.constant 57 : i32
    %get3A_1665 = arith.index_cast %get3A_1664 : i32 to index
    %get3A_1666 = arith.constant 0 : index
    %get3A_1667 = tpu.vector_load %arg9[%get3A_1665, %get3A_1666] {strides = array<i32>} : memref<64x128xf32, #tpu.memory_space<vmem>>, vector<1x16xf32>,
    %get3A_1668 = vector.shape_cast %get3A_1667 : vector<1x16xf32> to vector<16xf32>
    %get3A_1669 = arith.constant 57 : i32
    %get3A_1670 = arith.index_cast %get3A_1669 : i32 to index
    %get3A_1671 = arith.constant 0 : index
    %get3A_1672 = tpu.vector_load %arg10[%get3A_1670, %get3A_1671] {strides = array<i32>} : memref<64x128xf32, #tpu.memory_space<vmem>>, vector<1x16xf32>,
    %get3A_1673 = vector.shape_cast %get3A_1672 : vector<1x16xf32> to vector<16xf32>
    %mul3A_1674 = arith.mulf %get3A_1668, %get3A_1673 : vector<16xf32>
    %get3A_1675 = arith.constant 57 : i32
    %get3A_1676 = arith.index_cast %get3A_1675 : i32 to index
    %get3A_1677 = arith.constant 16 : index
    %get3A_1678 = tpu.vector_load %arg9[%get3A_1676, %get3A_1677] {strides = array<i32>} : memref<64x128xf32, #tpu.memory_space<vmem>>, vector<1x16xf32>,
    %get3A_1679 = vector.shape_cast %get3A_1678 : vector<1x16xf32> to vector<16xf32>
    %get3A_1680 = arith.constant 57 : i32
    %get3A_1681 = arith.index_cast %get3A_1680 : i32 to index
    %get3A_1682 = arith.constant 0 : index
    %get3A_1683 = tpu.vector_load %arg11[%get3A_1681, %get3A_1682] {strides = array<i32>} : memref<64x128xf32, #tpu.memory_space<vmem>>, vector<1x16xf32>,
    %get3A_1684 = vector.shape_cast %get3A_1683 : vector<1x16xf32> to vector<16xf32>
    %mul3A_1685 = arith.mulf %get3A_1679, %get3A_1684 : vector<16xf32>
    %add3A_1686 = arith.addf %mul3A_1674, %mul3A_1685 : vector<16xf32>
    %swap3A_1687 = arith.constant 57 : i32
    %swap3A_1688 = arith.index_cast %swap3A_1687 : i32 to index
    %swap3A_1689 = arith.constant 0 : index
    %swap3A_1690 = tpu.vector_load %arg12[%swap3A_1688, %swap3A_1689] {strides = array<i32>} : memref<64x16xf32, #tpu.memory_space<vmem>>, vector<1x16xf32>,
    %swap3A_1691 = vector.shape_cast %swap3A_1690 : vector<1x16xf32> to vector<16xf32>
    %swap3A_1692 = vector.shape_cast %add3A_1686 : vector<16xf32> to vector<1x16xf32>
    tpu.vector_store %arg12[%swap3A_1688, %swap3A_1689], %swap3A_1692 {strides = array<i32>} : memref<64x16xf32, #tpu.memory_space<vmem>>, vector<1x16xf32>,
    %get3A_1693 = arith.constant 58 : i32
    %get3A_1694 = arith.index_cast %get3A_1693 : i32 to index
    %get3A_1695 = arith.constant 0 : index
    %get3A_1696 = tpu.vector_load %arg9[%get3A_1694, %get3A_1695] {strides = array<i32>} : memref<64x128xf32, #tpu.memory_space<vmem>>, vector<1x16xf32>,
    %get3A_1697 = vector.shape_cast %get3A_1696 : vector<1x16xf32> to vector<16xf32>
    %get3A_1698 = arith.constant 58 : i32
    %get3A_1699 = arith.index_cast %get3A_1698 : i32 to index
    %get3A_1700 = arith.constant 0 : index
    %get3A_1701 = tpu.vector_load %arg10[%get3A_1699, %get3A_1700] {strides = array<i32>} : memref<64x128xf32, #tpu.memory_space<vmem>>, vector<1x16xf32>,
    %get3A_1702 = vector.shape_cast %get3A_1701 : vector<1x16xf32> to vector<16xf32>
    %mul3A_1703 = arith.mulf %get3A_1697, %get3A_1702 : vector<16xf32>
    %get3A_1704 = arith.constant 58 : i32
    %get3A_1705 = arith.index_cast %get3A_1704 : i32 to index
    %get3A_1706 = arith.constant 16 : index
    %get3A_1707 = tpu.vector_load %arg9[%get3A_1705, %get3A_1706] {strides = array<i32>} : memref<64x128xf32, #tpu.memory_space<vmem>>, vector<1x16xf32>,
    %get3A_1708 = vector.shape_cast %get3A_1707 : vector<1x16xf32> to vector<16xf32>
    %get3A_1709 = arith.constant 58 : i32
    %get3A_1710 = arith.index_cast %get3A_1709 : i32 to index
    %get3A_1711 = arith.constant 0 : index
    %get3A_1712 = tpu.vector_load %arg11[%get3A_1710, %get3A_1711] {strides = array<i32>} : memref<64x128xf32, #tpu.memory_space<vmem>>, vector<1x16xf32>,
    %get3A_1713 = vector.shape_cast %get3A_1712 : vector<1x16xf32> to vector<16xf32>
    %mul3A_1714 = arith.mulf %get3A_1708, %get3A_1713 : vector<16xf32>
    %add3A_1715 = arith.addf %mul3A_1703, %mul3A_1714 : vector<16xf32>
    %swap3A_1716 = arith.constant 58 : i32
    %swap3A_1717 = arith.index_cast %swap3A_1716 : i32 to index
    %swap3A_1718 = arith.constant 0 : index
    %swap3A_1719 = tpu.vector_load %arg12[%swap3A_1717, %swap3A_1718] {strides = array<i32>} : memref<64x16xf32, #tpu.memory_space<vmem>>, vector<1x16xf32>,
    %swap3A_1720 = vector.shape_cast %swap3A_1719 : vector<1x16xf32> to vector<16xf32>
    %swap3A_1721 = vector.shape_cast %add3A_1715 : vector<16xf32> to vector<1x16xf32>
    tpu.vector_store %arg12[%swap3A_1717, %swap3A_1718], %swap3A_1721 {strides = array<i32>} : memref<64x16xf32, #tpu.memory_space<vmem>>, vector<1x16xf32>,
    %get3A_1722 = arith.constant 59 : i32
    %get3A_1723 = arith.index_cast %get3A_1722 : i32 to index
    %get3A_1724 = arith.constant 0 : index
    %get3A_1725 = tpu.vector_load %arg9[%get3A_1723, %get3A_1724] {strides = array<i32>} : memref<64x128xf32, #tpu.memory_space<vmem>>, vector<1x16xf32>,
    %get3A_1726 = vector.shape_cast %get3A_1725 : vector<1x16xf32> to vector<16xf32>
    %get3A_1727 = arith.constant 59 : i32
    %get3A_1728 = arith.index_cast %get3A_1727 : i32 to index
    %get3A_1729 = arith.constant 0 : index
    %get3A_1730 = tpu.vector_load %arg10[%get3A_1728, %get3A_1729] {strides = array<i32>} : memref<64x128xf32, #tpu.memory_space<vmem>>, vector<1x16xf32>,
    %get3A_1731 = vector.shape_cast %get3A_1730 : vector<1x16xf32> to vector<16xf32>
    %mul3A_1732 = arith.mulf %get3A_1726, %get3A_1731 : vector<16xf32>
    %get3A_1733 = arith.constant 59 : i32
    %get3A_1734 = arith.index_cast %get3A_1733 : i32 to index
    %get3A_1735 = arith.constant 16 : index
    %get3A_1736 = tpu.vector_load %arg9[%get3A_1734, %get3A_1735] {strides = array<i32>} : memref<64x128xf32, #tpu.memory_space<vmem>>, vector<1x16xf32>,
    %get3A_1737 = vector.shape_cast %get3A_1736 : vector<1x16xf32> to vector<16xf32>
    %get3A_1738 = arith.constant 59 : i32
    %get3A_1739 = arith.index_cast %get3A_1738 : i32 to index
    %get3A_1740 = arith.constant 0 : index
    %get3A_1741 = tpu.vector_load %arg11[%get3A_1739, %get3A_1740] {strides = array<i32>} : memref<64x128xf32, #tpu.memory_space<vmem>>, vector<1x16xf32>,
    %get3A_1742 = vector.shape_cast %get3A_1741 : vector<1x16xf32> to vector<16xf32>
    %mul3A_1743 = arith.mulf %get3A_1737, %get3A_1742 : vector<16xf32>
    %add3A_1744 = arith.addf %mul3A_1732, %mul3A_1743 : vector<16xf32>
    %swap3A_1745 = arith.constant 59 : i32
    %swap3A_1746 = arith.index_cast %swap3A_1745 : i32 to index
    %swap3A_1747 = arith.constant 0 : index
    %swap3A_1748 = tpu.vector_load %arg12[%swap3A_1746, %swap3A_1747] {strides = array<i32>} : memref<64x16xf32, #tpu.memory_space<vmem>>, vector<1x16xf32>,
    %swap3A_1749 = vector.shape_cast %swap3A_1748 : vector<1x16xf32> to vector<16xf32>
    %swap3A_1750 = vector.shape_cast %add3A_1744 : vector<16xf32> to vector<1x16xf32>
    tpu.vector_store %arg12[%swap3A_1746, %swap3A_1747], %swap3A_1750 {strides = array<i32>} : memref<64x16xf32, #tpu.memory_space<vmem>>, vector<1x16xf32>,
    %get3A_1751 = arith.constant 60 : i32
    %get3A_1752 = arith.index_cast %get3A_1751 : i32 to index
    %get3A_1753 = arith.constant 0 : index
    %get3A_1754 = tpu.vector_load %arg9[%get3A_1752, %get3A_1753] {strides = array<i32>} : memref<64x128xf32, #tpu.memory_space<vmem>>, vector<1x16xf32>,
    %get3A_1755 = vector.shape_cast %get3A_1754 : vector<1x16xf32> to vector<16xf32>
    %get3A_1756 = arith.constant 60 : i32
    %get3A_1757 = arith.index_cast %get3A_1756 : i32 to index
    %get3A_1758 = arith.constant 0 : index
    %get3A_1759 = tpu.vector_load %arg10[%get3A_1757, %get3A_1758] {strides = array<i32>} : memref<64x128xf32, #tpu.memory_space<vmem>>, vector<1x16xf32>,
    %get3A_1760 = vector.shape_cast %get3A_1759 : vector<1x16xf32> to vector<16xf32>
    %mul3A_1761 = arith.mulf %get3A_1755, %get3A_1760 : vector<16xf32>
    %get3A_1762 = arith.constant 60 : i32
    %get3A_1763 = arith.index_cast %get3A_1762 : i32 to index
    %get3A_1764 = arith.constant 16 : index
    %get3A_1765 = tpu.vector_load %arg9[%get3A_1763, %get3A_1764] {strides = array<i32>} : memref<64x128xf32, #tpu.memory_space<vmem>>, vector<1x16xf32>,
    %get3A_1766 = vector.shape_cast %get3A_1765 : vector<1x16xf32> to vector<16xf32>
    %get3A_1767 = arith.constant 60 : i32
    %get3A_1768 = arith.index_cast %get3A_1767 : i32 to index
    %get3A_1769 = arith.constant 0 : index
    %get3A_1770 = tpu.vector_load %arg11[%get3A_1768, %get3A_1769] {strides = array<i32>} : memref<64x128xf32, #tpu.memory_space<vmem>>, vector<1x16xf32>,
    %get3A_1771 = vector.shape_cast %get3A_1770 : vector<1x16xf32> to vector<16xf32>
    %mul3A_1772 = arith.mulf %get3A_1766, %get3A_1771 : vector<16xf32>
    %add3A_1773 = arith.addf %mul3A_1761, %mul3A_1772 : vector<16xf32>
    %swap3A_1774 = arith.constant 60 : i32
    %swap3A_1775 = arith.index_cast %swap3A_1774 : i32 to index
    %swap3A_1776 = arith.constant 0 : index
    %swap3A_1777 = tpu.vector_load %arg12[%swap3A_1775, %swap3A_1776] {strides = array<i32>} : memref<64x16xf32, #tpu.memory_space<vmem>>, vector<1x16xf32>,
    %swap3A_1778 = vector.shape_cast %swap3A_1777 : vector<1x16xf32> to vector<16xf32>
    %swap3A_1779 = vector.shape_cast %add3A_1773 : vector<16xf32> to vector<1x16xf32>
    tpu.vector_store %arg12[%swap3A_1775, %swap3A_1776], %swap3A_1779 {strides = array<i32>} : memref<64x16xf32, #tpu.memory_space<vmem>>, vector<1x16xf32>,
    %get3A_1780 = arith.constant 61 : i32
    %get3A_1781 = arith.index_cast %get3A_1780 : i32 to index
    %get3A_1782 = arith.constant 0 : index
    %get3A_1783 = tpu.vector_load %arg9[%get3A_1781, %get3A_1782] {strides = array<i32>} : memref<64x128xf32, #tpu.memory_space<vmem>>, vector<1x16xf32>,
    %get3A_1784 = vector.shape_cast %get3A_1783 : vector<1x16xf32> to vector<16xf32>
    %get3A_1785 = arith.constant 61 : i32
    %get3A_1786 = arith.index_cast %get3A_1785 : i32 to index
    %get3A_1787 = arith.constant 0 : index
    %get3A_1788 = tpu.vector_load %arg10[%get3A_1786, %get3A_1787] {strides = array<i32>} : memref<64x128xf32, #tpu.memory_space<vmem>>, vector<1x16xf32>,
    %get3A_1789 = vector.shape_cast %get3A_1788 : vector<1x16xf32> to vector<16xf32>
    %mul3A_1790 = arith.mulf %get3A_1784, %get3A_1789 : vector<16xf32>
    %get3A_1791 = arith.constant 61 : i32
    %get3A_1792 = arith.index_cast %get3A_1791 : i32 to index
    %get3A_1793 = arith.constant 16 : index
    %get3A_1794 = tpu.vector_load %arg9[%get3A_1792, %get3A_1793] {strides = array<i32>} : memref<64x128xf32, #tpu.memory_space<vmem>>, vector<1x16xf32>,
    %get3A_1795 = vector.shape_cast %get3A_1794 : vector<1x16xf32> to vector<16xf32>
    %get3A_1796 = arith.constant 61 : i32
    %get3A_1797 = arith.index_cast %get3A_1796 : i32 to index
    %get3A_1798 = arith.constant 0 : index
    %get3A_1799 = tpu.vector_load %arg11[%get3A_1797, %get3A_1798] {strides = array<i32>} : memref<64x128xf32, #tpu.memory_space<vmem>>, vector<1x16xf32>,
    %get3A_1800 = vector.shape_cast %get3A_1799 : vector<1x16xf32> to vector<16xf32>
    %mul3A_1801 = arith.mulf %get3A_1795, %get3A_1800 : vector<16xf32>
    %add3A_1802 = arith.addf %mul3A_1790, %mul3A_1801 : vector<16xf32>
    %swap3A_1803 = arith.constant 61 : i32
    %swap3A_1804 = arith.index_cast %swap3A_1803 : i32 to index
    %swap3A_1805 = arith.constant 0 : index
    %swap3A_1806 = tpu.vector_load %arg12[%swap3A_1804, %swap3A_1805] {strides = array<i32>} : memref<64x16xf32, #tpu.memory_space<vmem>>, vector<1x16xf32>,
    %swap3A_1807 = vector.shape_cast %swap3A_1806 : vector<1x16xf32> to vector<16xf32>
    %swap3A_1808 = vector.shape_cast %add3A_1802 : vector<16xf32> to vector<1x16xf32>
    tpu.vector_store %arg12[%swap3A_1804, %swap3A_1805], %swap3A_1808 {strides = array<i32>} : memref<64x16xf32, #tpu.memory_space<vmem>>, vector<1x16xf32>,
    %get3A_1809 = arith.constant 62 : i32
    %get3A_1810 = arith.index_cast %get3A_1809 : i32 to index
    %get3A_1811 = arith.constant 0 : index
    %get3A_1812 = tpu.vector_load %arg9[%get3A_1810, %get3A_1811] {strides = array<i32>} : memref<64x128xf32, #tpu.memory_space<vmem>>, vector<1x16xf32>,
    %get3A_1813 = vector.shape_cast %get3A_1812 : vector<1x16xf32> to vector<16xf32>
    %get3A_1814 = arith.constant 62 : i32
    %get3A_1815 = arith.index_cast %get3A_1814 : i32 to index
    %get3A_1816 = arith.constant 0 : index
    %get3A_1817 = tpu.vector_load %arg10[%get3A_1815, %get3A_1816] {strides = array<i32>} : memref<64x128xf32, #tpu.memory_space<vmem>>, vector<1x16xf32>,
    %get3A_1818 = vector.shape_cast %get3A_1817 : vector<1x16xf32> to vector<16xf32>
    %mul3A_1819 = arith.mulf %get3A_1813, %get3A_1818 : vector<16xf32>
    %get3A_1820 = arith.constant 62 : i32
    %get3A_1821 = arith.index_cast %get3A_1820 : i32 to index
    %get3A_1822 = arith.constant 16 : index
    %get3A_1823 = tpu.vector_load %arg9[%get3A_1821, %get3A_1822] {strides = array<i32>} : memref<64x128xf32, #tpu.memory_space<vmem>>, vector<1x16xf32>,
    %get3A_1824 = vector.shape_cast %get3A_1823 : vector<1x16xf32> to vector<16xf32>
    %get3A_1825 = arith.constant 62 : i32
    %get3A_1826 = arith.index_cast %get3A_1825 : i32 to index
    %get3A_1827 = arith.constant 0 : index
    %get3A_1828 = tpu.vector_load %arg11[%get3A_1826, %get3A_1827] {strides = array<i32>} : memref<64x128xf32, #tpu.memory_space<vmem>>, vector<1x16xf32>,
    %get3A_1829 = vector.shape_cast %get3A_1828 : vector<1x16xf32> to vector<16xf32>
    %mul3A_1830 = arith.mulf %get3A_1824, %get3A_1829 : vector<16xf32>
    %add3A_1831 = arith.addf %mul3A_1819, %mul3A_1830 : vector<16xf32>
    %swap3A_1832 = arith.constant 62 : i32
    %swap3A_1833 = arith.index_cast %swap3A_1832 : i32 to index
    %swap3A_1834 = arith.constant 0 : index
    %swap3A_1835 = tpu.vector_load %arg12[%swap3A_1833, %swap3A_1834] {strides = array<i32>} : memref<64x16xf32, #tpu.memory_space<vmem>>, vector<1x16xf32>,
    %swap3A_1836 = vector.shape_cast %swap3A_1835 : vector<1x16xf32> to vector<16xf32>
    %swap3A_1837 = vector.shape_cast %add3A_1831 : vector<16xf32> to vector<1x16xf32>
    tpu.vector_store %arg12[%swap3A_1833, %swap3A_1834], %swap3A_1837 {strides = array<i32>} : memref<64x16xf32, #tpu.memory_space<vmem>>, vector<1x16xf32>,
    %get3A_1838 = arith.constant 63 : i32
    %get3A_1839 = arith.index_cast %get3A_1838 : i32 to index
    %get3A_1840 = arith.constant 0 : index
    %get3A_1841 = tpu.vector_load %arg9[%get3A_1839, %get3A_1840] {strides = array<i32>} : memref<64x128xf32, #tpu.memory_space<vmem>>, vector<1x16xf32>,
    %get3A_1842 = vector.shape_cast %get3A_1841 : vector<1x16xf32> to vector<16xf32>
    %get3A_1843 = arith.constant 63 : i32
    %get3A_1844 = arith.index_cast %get3A_1843 : i32 to index
    %get3A_1845 = arith.constant 0 : index
    %get3A_1846 = tpu.vector_load %arg10[%get3A_1844, %get3A_1845] {strides = array<i32>} : memref<64x128xf32, #tpu.memory_space<vmem>>, vector<1x16xf32>,
    %get3A_1847 = vector.shape_cast %get3A_1846 : vector<1x16xf32> to vector<16xf32>
    %mul3A_1848 = arith.mulf %get3A_1842, %get3A_1847 : vector<16xf32>
    %get3A_1849 = arith.constant 63 : i32
    %get3A_1850 = arith.index_cast %get3A_1849 : i32 to index
    %get3A_1851 = arith.constant 16 : index
    %get3A_1852 = tpu.vector_load %arg9[%get3A_1850, %get3A_1851] {strides = array<i32>} : memref<64x128xf32, #tpu.memory_space<vmem>>, vector<1x16xf32>,
    %get3A_1853 = vector.shape_cast %get3A_1852 : vector<1x16xf32> to vector<16xf32>
    %get3A_1854 = arith.constant 63 : i32
    %get3A_1855 = arith.index_cast %get3A_1854 : i32 to index
    %get3A_1856 = arith.constant 0 : index
    %get3A_1857 = tpu.vector_load %arg11[%get3A_1855, %get3A_1856] {strides = array<i32>} : memref<64x128xf32, #tpu.memory_space<vmem>>, vector<1x16xf32>,
    %get3A_1858 = vector.shape_cast %get3A_1857 : vector<1x16xf32> to vector<16xf32>
    %mul3A_1859 = arith.mulf %get3A_1853, %get3A_1858 : vector<16xf32>
    %add3A_1860 = arith.addf %mul3A_1848, %mul3A_1859 : vector<16xf32>
    %swap3A_1861 = arith.constant 63 : i32
    %swap3A_1862 = arith.index_cast %swap3A_1861 : i32 to index
    %swap3A_1863 = arith.constant 0 : index
    %swap3A_1864 = tpu.vector_load %arg12[%swap3A_1862, %swap3A_1863] {strides = array<i32>} : memref<64x16xf32, #tpu.memory_space<vmem>>, vector<1x16xf32>,
    %swap3A_1865 = vector.shape_cast %swap3A_1864 : vector<1x16xf32> to vector<16xf32>
    %swap3A_1866 = vector.shape_cast %add3A_1860 : vector<16xf32> to vector<1x16xf32>
    tpu.vector_store %arg12[%swap3A_1862, %swap3A_1863], %swap3A_1866 {strides = array<i32>} : memref<64x16xf32, #tpu.memory_space<vmem>>, vector<1x16xf32>,
    "tpu.region"() ({
      %run_scoped3A = tpu.sem_alloc : memref<!tpu.dma_semaphore, #tpu.memory_space<semaphore_mem>>
      %dma_start3A_1867 = arith.constant 0 : i32
      %dma_start3A_1868 = tpu.memref_slice %arg6[%mul3A_2, %dma_start3A_1867] : memref<2048x16xf32, #tpu.memory_space<hbm>> -> memref<64x16xf32, #tpu.memory_space<hbm>>
      %dma_start3A_1869 = arith.constant 0 : i32
      %dma_start3A_1870 = tpu.memref_slice %arg6[%mul3A_2, %dma_start3A_1869] : memref<2048x16xf32, #tpu.memory_space<hbm>> -> memref<64x16xf32, #tpu.memory_space<hbm>>
      tpu.enqueue_dma source(%arg12 : memref<64x16xf32, #tpu.memory_space<vmem>>) target(%dma_start3A_1870 : memref<64x16xf32, #tpu.memory_space<hbm>>) target_semaphore(%run_scoped3A : memref<!tpu.dma_semaphore, #tpu.memory_space<semaphore_mem>>)
      %dma_wait3A_1871 = arith.constant 0 : i32
      %dma_wait3A_1872 = tpu.memref_slice %arg6[%mul3A_2, %dma_wait3A_1871] : memref<2048x16xf32, #tpu.memory_space<hbm>> -> memref<64x16xf32, #tpu.memory_space<hbm>>
      %dma_wait3A_1873 = arith.constant 0 : i32
      %dma_wait3A_1874 = tpu.memref_slice %arg6[%mul3A_2, %dma_wait3A_1873] : memref<2048x16xf32, #tpu.memory_space<hbm>> -> memref<64x16xf32, #tpu.memory_space<hbm>>
      tpu.wait_dma2 semaphore(%run_scoped3A : memref<!tpu.dma_semaphore, #tpu.memory_space<semaphore_mem>>) src(%arg12 : memref<64x16xf32, #tpu.memory_space<vmem>>) dst(%dma_wait3A_1874 : memref<64x16xf32, #tpu.memory_space<hbm>>)
      tpu.yield
    }) : () -> ()
    return
  }
}

module attributes {stable_mosaic.version = 14 : i64} {
  func.func @_expert_kernel(%arg0: i32, %arg1: memref<40xi32, #tpu.memory_space<smem>>, %arg2: memref<1024x1024xf32, #tpu.memory_space<vmem>>, %arg3: memref<8x1024x512xf32, #tpu.memory_space<vmem>>, %arg4: memref<8x512xf32, #tpu.memory_space<vmem>>, %arg5: memref<8x512x256xf32, #tpu.memory_space<vmem>>, %arg6: memref<8x256xf32, #tpu.memory_space<vmem>>, %arg7: memref<8x256x10xf32, #tpu.memory_space<vmem>>, %arg8: memref<8x10xf32, #tpu.memory_space<vmem>>, %arg9: memref<1024x128xf32, #tpu.memory_space<vmem>>) attributes {dimension_semantics = [#tpu.dimension_semantics<arbitrary>], iteration_bounds = array<i64: 5>, scalar_prefetch = 1 : i64, scratch_operands = 0 : i64, tpu.core_type = #tpu.core_type<tc>, window_params = [{transform_indices = @transform_0, window_bounds = array<i64: 1024, 1024>}, {pipeline_mode = #tpu.pipeline_mode<synchronous>, transform_indices = @transform_1, window_bounds = array<i64: 8, 1024, 512>}, {pipeline_mode = #tpu.pipeline_mode<synchronous>, transform_indices = @transform_2, window_bounds = array<i64: 8, 512>}, {pipeline_mode = #tpu.pipeline_mode<synchronous>, transform_indices = @transform_3, window_bounds = array<i64: 8, 512, 256>}, {pipeline_mode = #tpu.pipeline_mode<synchronous>, transform_indices = @transform_4, window_bounds = array<i64: 8, 256>}, {pipeline_mode = #tpu.pipeline_mode<synchronous>, transform_indices = @transform_5, window_bounds = array<i64: 8, 256, 10>}, {pipeline_mode = #tpu.pipeline_mode<synchronous>, transform_indices = @transform_6, window_bounds = array<i64: 8, 10>}, {transform_indices = @transform_7, window_bounds = array<i64: 1024, 128>}]} {
    %get3A = arith.constant 0 : index
    %get3A_0 = arith.constant 0 : index
    %get3A_1 = vector.load %arg2[%get3A, %get3A_0] : memref<1024x1024xf32, #tpu.memory_space<vmem>>, vector<1024x1024xf32>
    %mul3A = arith.constant 8 : i32
    %mul3A_2 = arith.muli %arg0, %mul3A : i32
    %add3A = arith.constant 0 : i32
    %add3A_3 = arith.addi %mul3A_2, %add3A : i32
    %get3A_4 = arith.index_cast %add3A_3 : i32 to index
    %get3A_5 = memref.load %arg1[%get3A_4] : memref<40xi32, #tpu.memory_space<smem>>
    %slice3A = vector.extract_strided_slice %get3A_1 {offsets = [0, 0], sizes = [128, 1024], strides = [1, 1]} : vector<1024x1024xf32> to vector<128x1024xf32>
    %get3A_6 = arith.index_cast %get3A_5 : i32 to index
    %get3A_7 = arith.constant 0 : index
    %get3A_8 = arith.constant 0 : index
    %get3A_9 = vector.load %arg3[%get3A_6, %get3A_7, %get3A_8] : memref<8x1024x512xf32, #tpu.memory_space<vmem>>, vector<1x1024x512xf32>
    %get3A_10 = vector.shape_cast %get3A_9 : vector<1x1024x512xf32> to vector<1024x512xf32>
    %dot_general3A = arith.constant dense<0.000000e+00> : vector<128x512xf32>
    %dot_general3A_11 = tpu.matmul %slice3A, %get3A_10, %dot_general3A {dimension_numbers = #tpu.dot_dimension_numbers<[1], [0], [0], [1], [0, 0, 1, 1], [], []>, transpose_lhs_hint = false} : vector<128x1024xf32>, vector<1024x512xf32>, vector<128x512xf32> -> vector<128x512xf32>
    %get3A_12 = arith.index_cast %get3A_5 : i32 to index
    %get3A_13 = arith.constant 0 : index
    %get3A_14 = vector.load %arg4[%get3A_12, %get3A_13] : memref<8x512xf32, #tpu.memory_space<vmem>>, vector<1x512xf32>
    %add3A_15 = vector.broadcast %get3A_14 : vector<1x512xf32> to vector<128x512xf32>
    %add3A_16 = arith.addf %dot_general3A_11, %add3A_15 : vector<128x512xf32>
    %max3A = arith.constant 0.000000e+00 : f32
    %max3A_17 = vector.broadcast %max3A : f32 to vector<128x512xf32>
    %max3A_18 = arith.maximumf %add3A_16, %max3A_17 : vector<128x512xf32>
    %get3A_19 = arith.index_cast %get3A_5 : i32 to index
    %get3A_20 = arith.constant 0 : index
    %get3A_21 = arith.constant 0 : index
    %get3A_22 = vector.load %arg5[%get3A_19, %get3A_20, %get3A_21] : memref<8x512x256xf32, #tpu.memory_space<vmem>>, vector<1x512x256xf32>
    %get3A_23 = vector.shape_cast %get3A_22 : vector<1x512x256xf32> to vector<512x256xf32>
    %dot_general3A_24 = arith.constant dense<0.000000e+00> : vector<128x256xf32>
    %dot_general3A_25 = tpu.matmul %max3A_18, %get3A_23, %dot_general3A_24 {dimension_numbers = #tpu.dot_dimension_numbers<[1], [0], [0], [1], [0, 0, 1, 1], [], []>, transpose_lhs_hint = false} : vector<128x512xf32>, vector<512x256xf32>, vector<128x256xf32> -> vector<128x256xf32>
    %get3A_26 = arith.index_cast %get3A_5 : i32 to index
    %get3A_27 = arith.constant 0 : index
    %get3A_28 = vector.load %arg6[%get3A_26, %get3A_27] : memref<8x256xf32, #tpu.memory_space<vmem>>, vector<1x256xf32>
    %add3A_29 = vector.broadcast %get3A_28 : vector<1x256xf32> to vector<128x256xf32>
    %add3A_30 = arith.addf %dot_general3A_25, %add3A_29 : vector<128x256xf32>
    %max3A_31 = arith.constant 0.000000e+00 : f32
    %max3A_32 = vector.broadcast %max3A_31 : f32 to vector<128x256xf32>
    %max3A_33 = arith.maximumf %add3A_30, %max3A_32 : vector<128x256xf32>
    %get3A_34 = arith.index_cast %get3A_5 : i32 to index
    %get3A_35 = arith.constant 0 : index
    %get3A_36 = arith.constant 0 : index
    %get3A_37 = vector.load %arg7[%get3A_34, %get3A_35, %get3A_36] : memref<8x256x10xf32, #tpu.memory_space<vmem>>, vector<1x256x10xf32>
    %get3A_38 = vector.shape_cast %get3A_37 : vector<1x256x10xf32> to vector<256x10xf32>
    %dot_general3A_39 = arith.constant dense<0.000000e+00> : vector<128x10xf32>
    %dot_general3A_40 = tpu.matmul %max3A_33, %get3A_38, %dot_general3A_39 {dimension_numbers = #tpu.dot_dimension_numbers<[1], [0], [0], [1], [0, 0, 1, 1], [], []>, transpose_lhs_hint = false} : vector<128x256xf32>, vector<256x10xf32>, vector<128x10xf32> -> vector<128x10xf32>
    %get3A_41 = arith.index_cast %get3A_5 : i32 to index
    %get3A_42 = arith.constant 0 : index
    %get3A_43 = vector.load %arg8[%get3A_41, %get3A_42] : memref<8x10xf32, #tpu.memory_space<vmem>>, vector<1x10xf32>
    %add3A_44 = vector.broadcast %get3A_43 : vector<1x10xf32> to vector<128x10xf32>
    %add3A_45 = arith.addf %dot_general3A_40, %add3A_44 : vector<128x10xf32>
    %swap3A = arith.constant 0 : index
    %swap3A_46 = arith.constant 0 : index
    %swap3A_47 = vector.load %arg9[%swap3A, %swap3A_46] : memref<1024x128xf32, #tpu.memory_space<vmem>>, vector<128x10xf32>
    tpu.vector_store %arg9[%swap3A, %swap3A_46], %add3A_45 {strides = array<i32>} : memref<1024x128xf32, #tpu.memory_space<vmem>>, vector<128x10xf32>,
    %mul3A_48 = arith.constant 8 : i32
    %mul3A_49 = arith.muli %arg0, %mul3A_48 : i32
    %add3A_50 = arith.constant 1 : i32
    %add3A_51 = arith.addi %mul3A_49, %add3A_50 : i32
    %get3A_52 = arith.index_cast %add3A_51 : i32 to index
    %get3A_53 = memref.load %arg1[%get3A_52] : memref<40xi32, #tpu.memory_space<smem>>
    %slice3A_54 = vector.extract_strided_slice %get3A_1 {offsets = [128, 0], sizes = [128, 1024], strides = [1, 1]} : vector<1024x1024xf32> to vector<128x1024xf32>
    %get3A_55 = arith.index_cast %get3A_53 : i32 to index
    %get3A_56 = arith.constant 0 : index
    %get3A_57 = arith.constant 0 : index
    %get3A_58 = vector.load %arg3[%get3A_55, %get3A_56, %get3A_57] : memref<8x1024x512xf32, #tpu.memory_space<vmem>>, vector<1x1024x512xf32>
    %get3A_59 = vector.shape_cast %get3A_58 : vector<1x1024x512xf32> to vector<1024x512xf32>
    %dot_general3A_60 = arith.constant dense<0.000000e+00> : vector<128x512xf32>
    %dot_general3A_61 = tpu.matmul %slice3A_54, %get3A_59, %dot_general3A_60 {dimension_numbers = #tpu.dot_dimension_numbers<[1], [0], [0], [1], [0, 0, 1, 1], [], []>, transpose_lhs_hint = false} : vector<128x1024xf32>, vector<1024x512xf32>, vector<128x512xf32> -> vector<128x512xf32>
    %get3A_62 = arith.index_cast %get3A_53 : i32 to index
    %get3A_63 = arith.constant 0 : index
    %get3A_64 = vector.load %arg4[%get3A_62, %get3A_63] : memref<8x512xf32, #tpu.memory_space<vmem>>, vector<1x512xf32>
    %add3A_65 = vector.broadcast %get3A_64 : vector<1x512xf32> to vector<128x512xf32>
    %add3A_66 = arith.addf %dot_general3A_61, %add3A_65 : vector<128x512xf32>
    %max3A_67 = arith.constant 0.000000e+00 : f32
    %max3A_68 = vector.broadcast %max3A_67 : f32 to vector<128x512xf32>
    %max3A_69 = arith.maximumf %add3A_66, %max3A_68 : vector<128x512xf32>
    %get3A_70 = arith.index_cast %get3A_53 : i32 to index
    %get3A_71 = arith.constant 0 : index
    %get3A_72 = arith.constant 0 : index
    %get3A_73 = vector.load %arg5[%get3A_70, %get3A_71, %get3A_72] : memref<8x512x256xf32, #tpu.memory_space<vmem>>, vector<1x512x256xf32>
    %get3A_74 = vector.shape_cast %get3A_73 : vector<1x512x256xf32> to vector<512x256xf32>
    %dot_general3A_75 = arith.constant dense<0.000000e+00> : vector<128x256xf32>
    %dot_general3A_76 = tpu.matmul %max3A_69, %get3A_74, %dot_general3A_75 {dimension_numbers = #tpu.dot_dimension_numbers<[1], [0], [0], [1], [0, 0, 1, 1], [], []>, transpose_lhs_hint = false} : vector<128x512xf32>, vector<512x256xf32>, vector<128x256xf32> -> vector<128x256xf32>
    %get3A_77 = arith.index_cast %get3A_53 : i32 to index
    %get3A_78 = arith.constant 0 : index
    %get3A_79 = vector.load %arg6[%get3A_77, %get3A_78] : memref<8x256xf32, #tpu.memory_space<vmem>>, vector<1x256xf32>
    %add3A_80 = vector.broadcast %get3A_79 : vector<1x256xf32> to vector<128x256xf32>
    %add3A_81 = arith.addf %dot_general3A_76, %add3A_80 : vector<128x256xf32>
    %max3A_82 = arith.constant 0.000000e+00 : f32
    %max3A_83 = vector.broadcast %max3A_82 : f32 to vector<128x256xf32>
    %max3A_84 = arith.maximumf %add3A_81, %max3A_83 : vector<128x256xf32>
    %get3A_85 = arith.index_cast %get3A_53 : i32 to index
    %get3A_86 = arith.constant 0 : index
    %get3A_87 = arith.constant 0 : index
    %get3A_88 = vector.load %arg7[%get3A_85, %get3A_86, %get3A_87] : memref<8x256x10xf32, #tpu.memory_space<vmem>>, vector<1x256x10xf32>
    %get3A_89 = vector.shape_cast %get3A_88 : vector<1x256x10xf32> to vector<256x10xf32>
    %dot_general3A_90 = arith.constant dense<0.000000e+00> : vector<128x10xf32>
    %dot_general3A_91 = tpu.matmul %max3A_84, %get3A_89, %dot_general3A_90 {dimension_numbers = #tpu.dot_dimension_numbers<[1], [0], [0], [1], [0, 0, 1, 1], [], []>, transpose_lhs_hint = false} : vector<128x256xf32>, vector<256x10xf32>, vector<128x10xf32> -> vector<128x10xf32>
    %get3A_92 = arith.index_cast %get3A_53 : i32 to index
    %get3A_93 = arith.constant 0 : index
    %get3A_94 = vector.load %arg8[%get3A_92, %get3A_93] : memref<8x10xf32, #tpu.memory_space<vmem>>, vector<1x10xf32>
    %add3A_95 = vector.broadcast %get3A_94 : vector<1x10xf32> to vector<128x10xf32>
    %add3A_96 = arith.addf %dot_general3A_91, %add3A_95 : vector<128x10xf32>
    %swap3A_97 = arith.constant 128 : index
    %swap3A_98 = arith.constant 0 : index
    %swap3A_99 = vector.load %arg9[%swap3A_97, %swap3A_98] : memref<1024x128xf32, #tpu.memory_space<vmem>>, vector<128x10xf32>
    tpu.vector_store %arg9[%swap3A_97, %swap3A_98], %add3A_96 {strides = array<i32>} : memref<1024x128xf32, #tpu.memory_space<vmem>>, vector<128x10xf32>,
    %mul3A_100 = arith.constant 8 : i32
    %mul3A_101 = arith.muli %arg0, %mul3A_100 : i32
    %add3A_102 = arith.constant 2 : i32
    %add3A_103 = arith.addi %mul3A_101, %add3A_102 : i32
    %get3A_104 = arith.index_cast %add3A_103 : i32 to index
    %get3A_105 = memref.load %arg1[%get3A_104] : memref<40xi32, #tpu.memory_space<smem>>
    %slice3A_106 = vector.extract_strided_slice %get3A_1 {offsets = [256, 0], sizes = [128, 1024], strides = [1, 1]} : vector<1024x1024xf32> to vector<128x1024xf32>
    %get3A_107 = arith.index_cast %get3A_105 : i32 to index
    %get3A_108 = arith.constant 0 : index
    %get3A_109 = arith.constant 0 : index
    %get3A_110 = vector.load %arg3[%get3A_107, %get3A_108, %get3A_109] : memref<8x1024x512xf32, #tpu.memory_space<vmem>>, vector<1x1024x512xf32>
    %get3A_111 = vector.shape_cast %get3A_110 : vector<1x1024x512xf32> to vector<1024x512xf32>
    %dot_general3A_112 = arith.constant dense<0.000000e+00> : vector<128x512xf32>
    %dot_general3A_113 = tpu.matmul %slice3A_106, %get3A_111, %dot_general3A_112 {dimension_numbers = #tpu.dot_dimension_numbers<[1], [0], [0], [1], [0, 0, 1, 1], [], []>, transpose_lhs_hint = false} : vector<128x1024xf32>, vector<1024x512xf32>, vector<128x512xf32> -> vector<128x512xf32>
    %get3A_114 = arith.index_cast %get3A_105 : i32 to index
    %get3A_115 = arith.constant 0 : index
    %get3A_116 = vector.load %arg4[%get3A_114, %get3A_115] : memref<8x512xf32, #tpu.memory_space<vmem>>, vector<1x512xf32>
    %add3A_117 = vector.broadcast %get3A_116 : vector<1x512xf32> to vector<128x512xf32>
    %add3A_118 = arith.addf %dot_general3A_113, %add3A_117 : vector<128x512xf32>
    %max3A_119 = arith.constant 0.000000e+00 : f32
    %max3A_120 = vector.broadcast %max3A_119 : f32 to vector<128x512xf32>
    %max3A_121 = arith.maximumf %add3A_118, %max3A_120 : vector<128x512xf32>
    %get3A_122 = arith.index_cast %get3A_105 : i32 to index
    %get3A_123 = arith.constant 0 : index
    %get3A_124 = arith.constant 0 : index
    %get3A_125 = vector.load %arg5[%get3A_122, %get3A_123, %get3A_124] : memref<8x512x256xf32, #tpu.memory_space<vmem>>, vector<1x512x256xf32>
    %get3A_126 = vector.shape_cast %get3A_125 : vector<1x512x256xf32> to vector<512x256xf32>
    %dot_general3A_127 = arith.constant dense<0.000000e+00> : vector<128x256xf32>
    %dot_general3A_128 = tpu.matmul %max3A_121, %get3A_126, %dot_general3A_127 {dimension_numbers = #tpu.dot_dimension_numbers<[1], [0], [0], [1], [0, 0, 1, 1], [], []>, transpose_lhs_hint = false} : vector<128x512xf32>, vector<512x256xf32>, vector<128x256xf32> -> vector<128x256xf32>
    %get3A_129 = arith.index_cast %get3A_105 : i32 to index
    %get3A_130 = arith.constant 0 : index
    %get3A_131 = vector.load %arg6[%get3A_129, %get3A_130] : memref<8x256xf32, #tpu.memory_space<vmem>>, vector<1x256xf32>
    %add3A_132 = vector.broadcast %get3A_131 : vector<1x256xf32> to vector<128x256xf32>
    %add3A_133 = arith.addf %dot_general3A_128, %add3A_132 : vector<128x256xf32>
    %max3A_134 = arith.constant 0.000000e+00 : f32
    %max3A_135 = vector.broadcast %max3A_134 : f32 to vector<128x256xf32>
    %max3A_136 = arith.maximumf %add3A_133, %max3A_135 : vector<128x256xf32>
    %get3A_137 = arith.index_cast %get3A_105 : i32 to index
    %get3A_138 = arith.constant 0 : index
    %get3A_139 = arith.constant 0 : index
    %get3A_140 = vector.load %arg7[%get3A_137, %get3A_138, %get3A_139] : memref<8x256x10xf32, #tpu.memory_space<vmem>>, vector<1x256x10xf32>
    %get3A_141 = vector.shape_cast %get3A_140 : vector<1x256x10xf32> to vector<256x10xf32>
    %dot_general3A_142 = arith.constant dense<0.000000e+00> : vector<128x10xf32>
    %dot_general3A_143 = tpu.matmul %max3A_136, %get3A_141, %dot_general3A_142 {dimension_numbers = #tpu.dot_dimension_numbers<[1], [0], [0], [1], [0, 0, 1, 1], [], []>, transpose_lhs_hint = false} : vector<128x256xf32>, vector<256x10xf32>, vector<128x10xf32> -> vector<128x10xf32>
    %get3A_144 = arith.index_cast %get3A_105 : i32 to index
    %get3A_145 = arith.constant 0 : index
    %get3A_146 = vector.load %arg8[%get3A_144, %get3A_145] : memref<8x10xf32, #tpu.memory_space<vmem>>, vector<1x10xf32>
    %add3A_147 = vector.broadcast %get3A_146 : vector<1x10xf32> to vector<128x10xf32>
    %add3A_148 = arith.addf %dot_general3A_143, %add3A_147 : vector<128x10xf32>
    %swap3A_149 = arith.constant 256 : index
    %swap3A_150 = arith.constant 0 : index
    %swap3A_151 = vector.load %arg9[%swap3A_149, %swap3A_150] : memref<1024x128xf32, #tpu.memory_space<vmem>>, vector<128x10xf32>
    tpu.vector_store %arg9[%swap3A_149, %swap3A_150], %add3A_148 {strides = array<i32>} : memref<1024x128xf32, #tpu.memory_space<vmem>>, vector<128x10xf32>,
    %mul3A_152 = arith.constant 8 : i32
    %mul3A_153 = arith.muli %arg0, %mul3A_152 : i32
    %add3A_154 = arith.constant 3 : i32
    %add3A_155 = arith.addi %mul3A_153, %add3A_154 : i32
    %get3A_156 = arith.index_cast %add3A_155 : i32 to index
    %get3A_157 = memref.load %arg1[%get3A_156] : memref<40xi32, #tpu.memory_space<smem>>
    %slice3A_158 = vector.extract_strided_slice %get3A_1 {offsets = [384, 0], sizes = [128, 1024], strides = [1, 1]} : vector<1024x1024xf32> to vector<128x1024xf32>
    %get3A_159 = arith.index_cast %get3A_157 : i32 to index
    %get3A_160 = arith.constant 0 : index
    %get3A_161 = arith.constant 0 : index
    %get3A_162 = vector.load %arg3[%get3A_159, %get3A_160, %get3A_161] : memref<8x1024x512xf32, #tpu.memory_space<vmem>>, vector<1x1024x512xf32>
    %get3A_163 = vector.shape_cast %get3A_162 : vector<1x1024x512xf32> to vector<1024x512xf32>
    %dot_general3A_164 = arith.constant dense<0.000000e+00> : vector<128x512xf32>
    %dot_general3A_165 = tpu.matmul %slice3A_158, %get3A_163, %dot_general3A_164 {dimension_numbers = #tpu.dot_dimension_numbers<[1], [0], [0], [1], [0, 0, 1, 1], [], []>, transpose_lhs_hint = false} : vector<128x1024xf32>, vector<1024x512xf32>, vector<128x512xf32> -> vector<128x512xf32>
    %get3A_166 = arith.index_cast %get3A_157 : i32 to index
    %get3A_167 = arith.constant 0 : index
    %get3A_168 = vector.load %arg4[%get3A_166, %get3A_167] : memref<8x512xf32, #tpu.memory_space<vmem>>, vector<1x512xf32>
    %add3A_169 = vector.broadcast %get3A_168 : vector<1x512xf32> to vector<128x512xf32>
    %add3A_170 = arith.addf %dot_general3A_165, %add3A_169 : vector<128x512xf32>
    %max3A_171 = arith.constant 0.000000e+00 : f32
    %max3A_172 = vector.broadcast %max3A_171 : f32 to vector<128x512xf32>
    %max3A_173 = arith.maximumf %add3A_170, %max3A_172 : vector<128x512xf32>
    %get3A_174 = arith.index_cast %get3A_157 : i32 to index
    %get3A_175 = arith.constant 0 : index
    %get3A_176 = arith.constant 0 : index
    %get3A_177 = vector.load %arg5[%get3A_174, %get3A_175, %get3A_176] : memref<8x512x256xf32, #tpu.memory_space<vmem>>, vector<1x512x256xf32>
    %get3A_178 = vector.shape_cast %get3A_177 : vector<1x512x256xf32> to vector<512x256xf32>
    %dot_general3A_179 = arith.constant dense<0.000000e+00> : vector<128x256xf32>
    %dot_general3A_180 = tpu.matmul %max3A_173, %get3A_178, %dot_general3A_179 {dimension_numbers = #tpu.dot_dimension_numbers<[1], [0], [0], [1], [0, 0, 1, 1], [], []>, transpose_lhs_hint = false} : vector<128x512xf32>, vector<512x256xf32>, vector<128x256xf32> -> vector<128x256xf32>
    %get3A_181 = arith.index_cast %get3A_157 : i32 to index
    %get3A_182 = arith.constant 0 : index
    %get3A_183 = vector.load %arg6[%get3A_181, %get3A_182] : memref<8x256xf32, #tpu.memory_space<vmem>>, vector<1x256xf32>
    %add3A_184 = vector.broadcast %get3A_183 : vector<1x256xf32> to vector<128x256xf32>
    %add3A_185 = arith.addf %dot_general3A_180, %add3A_184 : vector<128x256xf32>
    %max3A_186 = arith.constant 0.000000e+00 : f32
    %max3A_187 = vector.broadcast %max3A_186 : f32 to vector<128x256xf32>
    %max3A_188 = arith.maximumf %add3A_185, %max3A_187 : vector<128x256xf32>
    %get3A_189 = arith.index_cast %get3A_157 : i32 to index
    %get3A_190 = arith.constant 0 : index
    %get3A_191 = arith.constant 0 : index
    %get3A_192 = vector.load %arg7[%get3A_189, %get3A_190, %get3A_191] : memref<8x256x10xf32, #tpu.memory_space<vmem>>, vector<1x256x10xf32>
    %get3A_193 = vector.shape_cast %get3A_192 : vector<1x256x10xf32> to vector<256x10xf32>
    %dot_general3A_194 = arith.constant dense<0.000000e+00> : vector<128x10xf32>
    %dot_general3A_195 = tpu.matmul %max3A_188, %get3A_193, %dot_general3A_194 {dimension_numbers = #tpu.dot_dimension_numbers<[1], [0], [0], [1], [0, 0, 1, 1], [], []>, transpose_lhs_hint = false} : vector<128x256xf32>, vector<256x10xf32>, vector<128x10xf32> -> vector<128x10xf32>
    %get3A_196 = arith.index_cast %get3A_157 : i32 to index
    %get3A_197 = arith.constant 0 : index
    %get3A_198 = vector.load %arg8[%get3A_196, %get3A_197] : memref<8x10xf32, #tpu.memory_space<vmem>>, vector<1x10xf32>
    %add3A_199 = vector.broadcast %get3A_198 : vector<1x10xf32> to vector<128x10xf32>
    %add3A_200 = arith.addf %dot_general3A_195, %add3A_199 : vector<128x10xf32>
    %swap3A_201 = arith.constant 384 : index
    %swap3A_202 = arith.constant 0 : index
    %swap3A_203 = vector.load %arg9[%swap3A_201, %swap3A_202] : memref<1024x128xf32, #tpu.memory_space<vmem>>, vector<128x10xf32>
    tpu.vector_store %arg9[%swap3A_201, %swap3A_202], %add3A_200 {strides = array<i32>} : memref<1024x128xf32, #tpu.memory_space<vmem>>, vector<128x10xf32>,
    %mul3A_204 = arith.constant 8 : i32
    %mul3A_205 = arith.muli %arg0, %mul3A_204 : i32
    %add3A_206 = arith.constant 4 : i32
    %add3A_207 = arith.addi %mul3A_205, %add3A_206 : i32
    %get3A_208 = arith.index_cast %add3A_207 : i32 to index
    %get3A_209 = memref.load %arg1[%get3A_208] : memref<40xi32, #tpu.memory_space<smem>>
    %slice3A_210 = vector.extract_strided_slice %get3A_1 {offsets = [512, 0], sizes = [128, 1024], strides = [1, 1]} : vector<1024x1024xf32> to vector<128x1024xf32>
    %get3A_211 = arith.index_cast %get3A_209 : i32 to index
    %get3A_212 = arith.constant 0 : index
    %get3A_213 = arith.constant 0 : index
    %get3A_214 = vector.load %arg3[%get3A_211, %get3A_212, %get3A_213] : memref<8x1024x512xf32, #tpu.memory_space<vmem>>, vector<1x1024x512xf32>
    %get3A_215 = vector.shape_cast %get3A_214 : vector<1x1024x512xf32> to vector<1024x512xf32>
    %dot_general3A_216 = arith.constant dense<0.000000e+00> : vector<128x512xf32>
    %dot_general3A_217 = tpu.matmul %slice3A_210, %get3A_215, %dot_general3A_216 {dimension_numbers = #tpu.dot_dimension_numbers<[1], [0], [0], [1], [0, 0, 1, 1], [], []>, transpose_lhs_hint = false} : vector<128x1024xf32>, vector<1024x512xf32>, vector<128x512xf32> -> vector<128x512xf32>
    %get3A_218 = arith.index_cast %get3A_209 : i32 to index
    %get3A_219 = arith.constant 0 : index
    %get3A_220 = vector.load %arg4[%get3A_218, %get3A_219] : memref<8x512xf32, #tpu.memory_space<vmem>>, vector<1x512xf32>
    %add3A_221 = vector.broadcast %get3A_220 : vector<1x512xf32> to vector<128x512xf32>
    %add3A_222 = arith.addf %dot_general3A_217, %add3A_221 : vector<128x512xf32>
    %max3A_223 = arith.constant 0.000000e+00 : f32
    %max3A_224 = vector.broadcast %max3A_223 : f32 to vector<128x512xf32>
    %max3A_225 = arith.maximumf %add3A_222, %max3A_224 : vector<128x512xf32>
    %get3A_226 = arith.index_cast %get3A_209 : i32 to index
    %get3A_227 = arith.constant 0 : index
    %get3A_228 = arith.constant 0 : index
    %get3A_229 = vector.load %arg5[%get3A_226, %get3A_227, %get3A_228] : memref<8x512x256xf32, #tpu.memory_space<vmem>>, vector<1x512x256xf32>
    %get3A_230 = vector.shape_cast %get3A_229 : vector<1x512x256xf32> to vector<512x256xf32>
    %dot_general3A_231 = arith.constant dense<0.000000e+00> : vector<128x256xf32>
    %dot_general3A_232 = tpu.matmul %max3A_225, %get3A_230, %dot_general3A_231 {dimension_numbers = #tpu.dot_dimension_numbers<[1], [0], [0], [1], [0, 0, 1, 1], [], []>, transpose_lhs_hint = false} : vector<128x512xf32>, vector<512x256xf32>, vector<128x256xf32> -> vector<128x256xf32>
    %get3A_233 = arith.index_cast %get3A_209 : i32 to index
    %get3A_234 = arith.constant 0 : index
    %get3A_235 = vector.load %arg6[%get3A_233, %get3A_234] : memref<8x256xf32, #tpu.memory_space<vmem>>, vector<1x256xf32>
    %add3A_236 = vector.broadcast %get3A_235 : vector<1x256xf32> to vector<128x256xf32>
    %add3A_237 = arith.addf %dot_general3A_232, %add3A_236 : vector<128x256xf32>
    %max3A_238 = arith.constant 0.000000e+00 : f32
    %max3A_239 = vector.broadcast %max3A_238 : f32 to vector<128x256xf32>
    %max3A_240 = arith.maximumf %add3A_237, %max3A_239 : vector<128x256xf32>
    %get3A_241 = arith.index_cast %get3A_209 : i32 to index
    %get3A_242 = arith.constant 0 : index
    %get3A_243 = arith.constant 0 : index
    %get3A_244 = vector.load %arg7[%get3A_241, %get3A_242, %get3A_243] : memref<8x256x10xf32, #tpu.memory_space<vmem>>, vector<1x256x10xf32>
    %get3A_245 = vector.shape_cast %get3A_244 : vector<1x256x10xf32> to vector<256x10xf32>
    %dot_general3A_246 = arith.constant dense<0.000000e+00> : vector<128x10xf32>
    %dot_general3A_247 = tpu.matmul %max3A_240, %get3A_245, %dot_general3A_246 {dimension_numbers = #tpu.dot_dimension_numbers<[1], [0], [0], [1], [0, 0, 1, 1], [], []>, transpose_lhs_hint = false} : vector<128x256xf32>, vector<256x10xf32>, vector<128x10xf32> -> vector<128x10xf32>
    %get3A_248 = arith.index_cast %get3A_209 : i32 to index
    %get3A_249 = arith.constant 0 : index
    %get3A_250 = vector.load %arg8[%get3A_248, %get3A_249] : memref<8x10xf32, #tpu.memory_space<vmem>>, vector<1x10xf32>
    %add3A_251 = vector.broadcast %get3A_250 : vector<1x10xf32> to vector<128x10xf32>
    %add3A_252 = arith.addf %dot_general3A_247, %add3A_251 : vector<128x10xf32>
    %swap3A_253 = arith.constant 512 : index
    %swap3A_254 = arith.constant 0 : index
    %swap3A_255 = vector.load %arg9[%swap3A_253, %swap3A_254] : memref<1024x128xf32, #tpu.memory_space<vmem>>, vector<128x10xf32>
    tpu.vector_store %arg9[%swap3A_253, %swap3A_254], %add3A_252 {strides = array<i32>} : memref<1024x128xf32, #tpu.memory_space<vmem>>, vector<128x10xf32>,
    %mul3A_256 = arith.constant 8 : i32
    %mul3A_257 = arith.muli %arg0, %mul3A_256 : i32
    %add3A_258 = arith.constant 5 : i32
    %add3A_259 = arith.addi %mul3A_257, %add3A_258 : i32
    %get3A_260 = arith.index_cast %add3A_259 : i32 to index
    %get3A_261 = memref.load %arg1[%get3A_260] : memref<40xi32, #tpu.memory_space<smem>>
    %slice3A_262 = vector.extract_strided_slice %get3A_1 {offsets = [640, 0], sizes = [128, 1024], strides = [1, 1]} : vector<1024x1024xf32> to vector<128x1024xf32>
    %get3A_263 = arith.index_cast %get3A_261 : i32 to index
    %get3A_264 = arith.constant 0 : index
    %get3A_265 = arith.constant 0 : index
    %get3A_266 = vector.load %arg3[%get3A_263, %get3A_264, %get3A_265] : memref<8x1024x512xf32, #tpu.memory_space<vmem>>, vector<1x1024x512xf32>
    %get3A_267 = vector.shape_cast %get3A_266 : vector<1x1024x512xf32> to vector<1024x512xf32>
    %dot_general3A_268 = arith.constant dense<0.000000e+00> : vector<128x512xf32>
    %dot_general3A_269 = tpu.matmul %slice3A_262, %get3A_267, %dot_general3A_268 {dimension_numbers = #tpu.dot_dimension_numbers<[1], [0], [0], [1], [0, 0, 1, 1], [], []>, transpose_lhs_hint = false} : vector<128x1024xf32>, vector<1024x512xf32>, vector<128x512xf32> -> vector<128x512xf32>
    %get3A_270 = arith.index_cast %get3A_261 : i32 to index
    %get3A_271 = arith.constant 0 : index
    %get3A_272 = vector.load %arg4[%get3A_270, %get3A_271] : memref<8x512xf32, #tpu.memory_space<vmem>>, vector<1x512xf32>
    %add3A_273 = vector.broadcast %get3A_272 : vector<1x512xf32> to vector<128x512xf32>
    %add3A_274 = arith.addf %dot_general3A_269, %add3A_273 : vector<128x512xf32>
    %max3A_275 = arith.constant 0.000000e+00 : f32
    %max3A_276 = vector.broadcast %max3A_275 : f32 to vector<128x512xf32>
    %max3A_277 = arith.maximumf %add3A_274, %max3A_276 : vector<128x512xf32>
    %get3A_278 = arith.index_cast %get3A_261 : i32 to index
    %get3A_279 = arith.constant 0 : index
    %get3A_280 = arith.constant 0 : index
    %get3A_281 = vector.load %arg5[%get3A_278, %get3A_279, %get3A_280] : memref<8x512x256xf32, #tpu.memory_space<vmem>>, vector<1x512x256xf32>
    %get3A_282 = vector.shape_cast %get3A_281 : vector<1x512x256xf32> to vector<512x256xf32>
    %dot_general3A_283 = arith.constant dense<0.000000e+00> : vector<128x256xf32>
    %dot_general3A_284 = tpu.matmul %max3A_277, %get3A_282, %dot_general3A_283 {dimension_numbers = #tpu.dot_dimension_numbers<[1], [0], [0], [1], [0, 0, 1, 1], [], []>, transpose_lhs_hint = false} : vector<128x512xf32>, vector<512x256xf32>, vector<128x256xf32> -> vector<128x256xf32>
    %get3A_285 = arith.index_cast %get3A_261 : i32 to index
    %get3A_286 = arith.constant 0 : index
    %get3A_287 = vector.load %arg6[%get3A_285, %get3A_286] : memref<8x256xf32, #tpu.memory_space<vmem>>, vector<1x256xf32>
    %add3A_288 = vector.broadcast %get3A_287 : vector<1x256xf32> to vector<128x256xf32>
    %add3A_289 = arith.addf %dot_general3A_284, %add3A_288 : vector<128x256xf32>
    %max3A_290 = arith.constant 0.000000e+00 : f32
    %max3A_291 = vector.broadcast %max3A_290 : f32 to vector<128x256xf32>
    %max3A_292 = arith.maximumf %add3A_289, %max3A_291 : vector<128x256xf32>
    %get3A_293 = arith.index_cast %get3A_261 : i32 to index
    %get3A_294 = arith.constant 0 : index
    %get3A_295 = arith.constant 0 : index
    %get3A_296 = vector.load %arg7[%get3A_293, %get3A_294, %get3A_295] : memref<8x256x10xf32, #tpu.memory_space<vmem>>, vector<1x256x10xf32>
    %get3A_297 = vector.shape_cast %get3A_296 : vector<1x256x10xf32> to vector<256x10xf32>
    %dot_general3A_298 = arith.constant dense<0.000000e+00> : vector<128x10xf32>
    %dot_general3A_299 = tpu.matmul %max3A_292, %get3A_297, %dot_general3A_298 {dimension_numbers = #tpu.dot_dimension_numbers<[1], [0], [0], [1], [0, 0, 1, 1], [], []>, transpose_lhs_hint = false} : vector<128x256xf32>, vector<256x10xf32>, vector<128x10xf32> -> vector<128x10xf32>
    %get3A_300 = arith.index_cast %get3A_261 : i32 to index
    %get3A_301 = arith.constant 0 : index
    %get3A_302 = vector.load %arg8[%get3A_300, %get3A_301] : memref<8x10xf32, #tpu.memory_space<vmem>>, vector<1x10xf32>
    %add3A_303 = vector.broadcast %get3A_302 : vector<1x10xf32> to vector<128x10xf32>
    %add3A_304 = arith.addf %dot_general3A_299, %add3A_303 : vector<128x10xf32>
    %swap3A_305 = arith.constant 640 : index
    %swap3A_306 = arith.constant 0 : index
    %swap3A_307 = vector.load %arg9[%swap3A_305, %swap3A_306] : memref<1024x128xf32, #tpu.memory_space<vmem>>, vector<128x10xf32>
    tpu.vector_store %arg9[%swap3A_305, %swap3A_306], %add3A_304 {strides = array<i32>} : memref<1024x128xf32, #tpu.memory_space<vmem>>, vector<128x10xf32>,
    %mul3A_308 = arith.constant 8 : i32
    %mul3A_309 = arith.muli %arg0, %mul3A_308 : i32
    %add3A_310 = arith.constant 6 : i32
    %add3A_311 = arith.addi %mul3A_309, %add3A_310 : i32
    %get3A_312 = arith.index_cast %add3A_311 : i32 to index
    %get3A_313 = memref.load %arg1[%get3A_312] : memref<40xi32, #tpu.memory_space<smem>>
    %slice3A_314 = vector.extract_strided_slice %get3A_1 {offsets = [768, 0], sizes = [128, 1024], strides = [1, 1]} : vector<1024x1024xf32> to vector<128x1024xf32>
    %get3A_315 = arith.index_cast %get3A_313 : i32 to index
    %get3A_316 = arith.constant 0 : index
    %get3A_317 = arith.constant 0 : index
    %get3A_318 = vector.load %arg3[%get3A_315, %get3A_316, %get3A_317] : memref<8x1024x512xf32, #tpu.memory_space<vmem>>, vector<1x1024x512xf32>
    %get3A_319 = vector.shape_cast %get3A_318 : vector<1x1024x512xf32> to vector<1024x512xf32>
    %dot_general3A_320 = arith.constant dense<0.000000e+00> : vector<128x512xf32>
    %dot_general3A_321 = tpu.matmul %slice3A_314, %get3A_319, %dot_general3A_320 {dimension_numbers = #tpu.dot_dimension_numbers<[1], [0], [0], [1], [0, 0, 1, 1], [], []>, transpose_lhs_hint = false} : vector<128x1024xf32>, vector<1024x512xf32>, vector<128x512xf32> -> vector<128x512xf32>
    %get3A_322 = arith.index_cast %get3A_313 : i32 to index
    %get3A_323 = arith.constant 0 : index
    %get3A_324 = vector.load %arg4[%get3A_322, %get3A_323] : memref<8x512xf32, #tpu.memory_space<vmem>>, vector<1x512xf32>
    %add3A_325 = vector.broadcast %get3A_324 : vector<1x512xf32> to vector<128x512xf32>
    %add3A_326 = arith.addf %dot_general3A_321, %add3A_325 : vector<128x512xf32>
    %max3A_327 = arith.constant 0.000000e+00 : f32
    %max3A_328 = vector.broadcast %max3A_327 : f32 to vector<128x512xf32>
    %max3A_329 = arith.maximumf %add3A_326, %max3A_328 : vector<128x512xf32>
    %get3A_330 = arith.index_cast %get3A_313 : i32 to index
    %get3A_331 = arith.constant 0 : index
    %get3A_332 = arith.constant 0 : index
    %get3A_333 = vector.load %arg5[%get3A_330, %get3A_331, %get3A_332] : memref<8x512x256xf32, #tpu.memory_space<vmem>>, vector<1x512x256xf32>
    %get3A_334 = vector.shape_cast %get3A_333 : vector<1x512x256xf32> to vector<512x256xf32>
    %dot_general3A_335 = arith.constant dense<0.000000e+00> : vector<128x256xf32>
    %dot_general3A_336 = tpu.matmul %max3A_329, %get3A_334, %dot_general3A_335 {dimension_numbers = #tpu.dot_dimension_numbers<[1], [0], [0], [1], [0, 0, 1, 1], [], []>, transpose_lhs_hint = false} : vector<128x512xf32>, vector<512x256xf32>, vector<128x256xf32> -> vector<128x256xf32>
    %get3A_337 = arith.index_cast %get3A_313 : i32 to index
    %get3A_338 = arith.constant 0 : index
    %get3A_339 = vector.load %arg6[%get3A_337, %get3A_338] : memref<8x256xf32, #tpu.memory_space<vmem>>, vector<1x256xf32>
    %add3A_340 = vector.broadcast %get3A_339 : vector<1x256xf32> to vector<128x256xf32>
    %add3A_341 = arith.addf %dot_general3A_336, %add3A_340 : vector<128x256xf32>
    %max3A_342 = arith.constant 0.000000e+00 : f32
    %max3A_343 = vector.broadcast %max3A_342 : f32 to vector<128x256xf32>
    %max3A_344 = arith.maximumf %add3A_341, %max3A_343 : vector<128x256xf32>
    %get3A_345 = arith.index_cast %get3A_313 : i32 to index
    %get3A_346 = arith.constant 0 : index
    %get3A_347 = arith.constant 0 : index
    %get3A_348 = vector.load %arg7[%get3A_345, %get3A_346, %get3A_347] : memref<8x256x10xf32, #tpu.memory_space<vmem>>, vector<1x256x10xf32>
    %get3A_349 = vector.shape_cast %get3A_348 : vector<1x256x10xf32> to vector<256x10xf32>
    %dot_general3A_350 = arith.constant dense<0.000000e+00> : vector<128x10xf32>
    %dot_general3A_351 = tpu.matmul %max3A_344, %get3A_349, %dot_general3A_350 {dimension_numbers = #tpu.dot_dimension_numbers<[1], [0], [0], [1], [0, 0, 1, 1], [], []>, transpose_lhs_hint = false} : vector<128x256xf32>, vector<256x10xf32>, vector<128x10xf32> -> vector<128x10xf32>
    %get3A_352 = arith.index_cast %get3A_313 : i32 to index
    %get3A_353 = arith.constant 0 : index
    %get3A_354 = vector.load %arg8[%get3A_352, %get3A_353] : memref<8x10xf32, #tpu.memory_space<vmem>>, vector<1x10xf32>
    %add3A_355 = vector.broadcast %get3A_354 : vector<1x10xf32> to vector<128x10xf32>
    %add3A_356 = arith.addf %dot_general3A_351, %add3A_355 : vector<128x10xf32>
    %swap3A_357 = arith.constant 768 : index
    %swap3A_358 = arith.constant 0 : index
    %swap3A_359 = vector.load %arg9[%swap3A_357, %swap3A_358] : memref<1024x128xf32, #tpu.memory_space<vmem>>, vector<128x10xf32>
    tpu.vector_store %arg9[%swap3A_357, %swap3A_358], %add3A_356 {strides = array<i32>} : memref<1024x128xf32, #tpu.memory_space<vmem>>, vector<128x10xf32>,
    %mul3A_360 = arith.constant 8 : i32
    %mul3A_361 = arith.muli %arg0, %mul3A_360 : i32
    %add3A_362 = arith.constant 7 : i32
    %add3A_363 = arith.addi %mul3A_361, %add3A_362 : i32
    %get3A_364 = arith.index_cast %add3A_363 : i32 to index
    %get3A_365 = memref.load %arg1[%get3A_364] : memref<40xi32, #tpu.memory_space<smem>>
    %slice3A_366 = vector.extract_strided_slice %get3A_1 {offsets = [896, 0], sizes = [128, 1024], strides = [1, 1]} : vector<1024x1024xf32> to vector<128x1024xf32>
    %get3A_367 = arith.index_cast %get3A_365 : i32 to index
    %get3A_368 = arith.constant 0 : index
    %get3A_369 = arith.constant 0 : index
    %get3A_370 = vector.load %arg3[%get3A_367, %get3A_368, %get3A_369] : memref<8x1024x512xf32, #tpu.memory_space<vmem>>, vector<1x1024x512xf32>
    %get3A_371 = vector.shape_cast %get3A_370 : vector<1x1024x512xf32> to vector<1024x512xf32>
    %dot_general3A_372 = arith.constant dense<0.000000e+00> : vector<128x512xf32>
    %dot_general3A_373 = tpu.matmul %slice3A_366, %get3A_371, %dot_general3A_372 {dimension_numbers = #tpu.dot_dimension_numbers<[1], [0], [0], [1], [0, 0, 1, 1], [], []>, transpose_lhs_hint = false} : vector<128x1024xf32>, vector<1024x512xf32>, vector<128x512xf32> -> vector<128x512xf32>
    %get3A_374 = arith.index_cast %get3A_365 : i32 to index
    %get3A_375 = arith.constant 0 : index
    %get3A_376 = vector.load %arg4[%get3A_374, %get3A_375] : memref<8x512xf32, #tpu.memory_space<vmem>>, vector<1x512xf32>
    %add3A_377 = vector.broadcast %get3A_376 : vector<1x512xf32> to vector<128x512xf32>
    %add3A_378 = arith.addf %dot_general3A_373, %add3A_377 : vector<128x512xf32>
    %max3A_379 = arith.constant 0.000000e+00 : f32
    %max3A_380 = vector.broadcast %max3A_379 : f32 to vector<128x512xf32>
    %max3A_381 = arith.maximumf %add3A_378, %max3A_380 : vector<128x512xf32>
    %get3A_382 = arith.index_cast %get3A_365 : i32 to index
    %get3A_383 = arith.constant 0 : index
    %get3A_384 = arith.constant 0 : index
    %get3A_385 = vector.load %arg5[%get3A_382, %get3A_383, %get3A_384] : memref<8x512x256xf32, #tpu.memory_space<vmem>>, vector<1x512x256xf32>
    %get3A_386 = vector.shape_cast %get3A_385 : vector<1x512x256xf32> to vector<512x256xf32>
    %dot_general3A_387 = arith.constant dense<0.000000e+00> : vector<128x256xf32>
    %dot_general3A_388 = tpu.matmul %max3A_381, %get3A_386, %dot_general3A_387 {dimension_numbers = #tpu.dot_dimension_numbers<[1], [0], [0], [1], [0, 0, 1, 1], [], []>, transpose_lhs_hint = false} : vector<128x512xf32>, vector<512x256xf32>, vector<128x256xf32> -> vector<128x256xf32>
    %get3A_389 = arith.index_cast %get3A_365 : i32 to index
    %get3A_390 = arith.constant 0 : index
    %get3A_391 = vector.load %arg6[%get3A_389, %get3A_390] : memref<8x256xf32, #tpu.memory_space<vmem>>, vector<1x256xf32>
    %add3A_392 = vector.broadcast %get3A_391 : vector<1x256xf32> to vector<128x256xf32>
    %add3A_393 = arith.addf %dot_general3A_388, %add3A_392 : vector<128x256xf32>
    %max3A_394 = arith.constant 0.000000e+00 : f32
    %max3A_395 = vector.broadcast %max3A_394 : f32 to vector<128x256xf32>
    %max3A_396 = arith.maximumf %add3A_393, %max3A_395 : vector<128x256xf32>
    %get3A_397 = arith.index_cast %get3A_365 : i32 to index
    %get3A_398 = arith.constant 0 : index
    %get3A_399 = arith.constant 0 : index
    %get3A_400 = vector.load %arg7[%get3A_397, %get3A_398, %get3A_399] : memref<8x256x10xf32, #tpu.memory_space<vmem>>, vector<1x256x10xf32>
    %get3A_401 = vector.shape_cast %get3A_400 : vector<1x256x10xf32> to vector<256x10xf32>
    %dot_general3A_402 = arith.constant dense<0.000000e+00> : vector<128x10xf32>
    %dot_general3A_403 = tpu.matmul %max3A_396, %get3A_401, %dot_general3A_402 {dimension_numbers = #tpu.dot_dimension_numbers<[1], [0], [0], [1], [0, 0, 1, 1], [], []>, transpose_lhs_hint = false} : vector<128x256xf32>, vector<256x10xf32>, vector<128x10xf32> -> vector<128x10xf32>
    %get3A_404 = arith.index_cast %get3A_365 : i32 to index
    %get3A_405 = arith.constant 0 : index
    %get3A_406 = vector.load %arg8[%get3A_404, %get3A_405] : memref<8x10xf32, #tpu.memory_space<vmem>>, vector<1x10xf32>
    %add3A_407 = vector.broadcast %get3A_406 : vector<1x10xf32> to vector<128x10xf32>
    %add3A_408 = arith.addf %dot_general3A_403, %add3A_407 : vector<128x10xf32>
    %swap3A_409 = arith.constant 896 : index
    %swap3A_410 = arith.constant 0 : index
    %swap3A_411 = vector.load %arg9[%swap3A_409, %swap3A_410] : memref<1024x128xf32, #tpu.memory_space<vmem>>, vector<128x10xf32>
    tpu.vector_store %arg9[%swap3A_409, %swap3A_410], %add3A_408 {strides = array<i32>} : memref<1024x128xf32, #tpu.memory_space<vmem>>, vector<128x10xf32>,
    return
  }
  func.func @transform_0(%arg0: i32, %arg1: memref<40xi32, #tpu.memory_space<smem>>) -> (i32, i32) {
    %c0_i32 = arith.constant 0 : i32
    %c0_i32_0 = arith.constant 0 : i32
    return %arg0, %c0_i32 : i32, i32
  }
  func.func @transform_1(%arg0: i32, %arg1: memref<40xi32, #tpu.memory_space<smem>>) -> (i32, i32, i32) {
    %c0_i32 = arith.constant 0 : i32
    %c0_i32_0 = arith.constant 0 : i32
    %c0_i32_1 = arith.constant 0 : i32
    %c0_i32_2 = arith.constant 0 : i32
    return %c0_i32, %c0_i32_0, %c0_i32_1 : i32, i32, i32
  }
  func.func @transform_2(%arg0: i32, %arg1: memref<40xi32, #tpu.memory_space<smem>>) -> (i32, i32) {
    %c0_i32 = arith.constant 0 : i32
    %c0_i32_0 = arith.constant 0 : i32
    %c0_i32_1 = arith.constant 0 : i32
    return %c0_i32, %c0_i32_0 : i32, i32
  }
  func.func @transform_3(%arg0: i32, %arg1: memref<40xi32, #tpu.memory_space<smem>>) -> (i32, i32, i32) {
    %c0_i32 = arith.constant 0 : i32
    %c0_i32_0 = arith.constant 0 : i32
    %c0_i32_1 = arith.constant 0 : i32
    %c0_i32_2 = arith.constant 0 : i32
    return %c0_i32, %c0_i32_0, %c0_i32_1 : i32, i32, i32
  }
  func.func @transform_4(%arg0: i32, %arg1: memref<40xi32, #tpu.memory_space<smem>>) -> (i32, i32) {
    %c0_i32 = arith.constant 0 : i32
    %c0_i32_0 = arith.constant 0 : i32
    %c0_i32_1 = arith.constant 0 : i32
    return %c0_i32, %c0_i32_0 : i32, i32
  }
  func.func @transform_5(%arg0: i32, %arg1: memref<40xi32, #tpu.memory_space<smem>>) -> (i32, i32, i32) {
    %c0_i32 = arith.constant 0 : i32
    %c0_i32_0 = arith.constant 0 : i32
    %c0_i32_1 = arith.constant 0 : i32
    %c0_i32_2 = arith.constant 0 : i32
    return %c0_i32, %c0_i32_0, %c0_i32_1 : i32, i32, i32
  }
  func.func @transform_6(%arg0: i32, %arg1: memref<40xi32, #tpu.memory_space<smem>>) -> (i32, i32) {
    %c0_i32 = arith.constant 0 : i32
    %c0_i32_0 = arith.constant 0 : i32
    %c0_i32_1 = arith.constant 0 : i32
    return %c0_i32, %c0_i32_0 : i32, i32
  }
  func.func @transform_7(%arg0: i32, %arg1: memref<40xi32, #tpu.memory_space<smem>>) -> (i32, i32) {
    %c0_i32 = arith.constant 0 : i32
    %c0_i32_0 = arith.constant 0 : i32
    return %arg0, %c0_i32 : i32, i32
  }
}

module attributes {stable_mosaic.version = 14 : i64} {
  func.func @_router_kernel(%arg0: i32, %arg1: memref<2048x1024xf32, #tpu.memory_space<vmem>>, %arg2: memref<1024x8xf32, #tpu.memory_space<vmem>>, %arg3: memref<1x8xf32, #tpu.memory_space<vmem>>, %arg4: memref<2048xi32, #tpu.memory_space<vmem>>, %arg5: memref<2048xi32, #tpu.memory_space<vmem>>, %arg6: memref<2048x128xf32, #tpu.memory_space<vmem>>, %arg7: memref<40xi32, #tpu.memory_space<vmem>>) attributes {dimension_semantics = [#tpu.dimension_semantics<arbitrary>], iteration_bounds = array<i64: 1>, scalar_prefetch = 0 : i64, scratch_operands = 0 : i64, tpu.core_type = #tpu.core_type<tc>, window_params = [{pipeline_mode = #tpu.pipeline_mode<synchronous>, transform_indices = @transform_0, window_bounds = array<i64: 2048, 1024>}, {pipeline_mode = #tpu.pipeline_mode<synchronous>, transform_indices = @transform_1, window_bounds = array<i64: 1024, 8>}, {pipeline_mode = #tpu.pipeline_mode<synchronous>, transform_indices = @transform_2, window_bounds = array<i64: 1, 8>}, {pipeline_mode = #tpu.pipeline_mode<synchronous>, transform_indices = @transform_3, window_bounds = array<i64: 2048>}, {pipeline_mode = #tpu.pipeline_mode<synchronous>, transform_indices = @transform_4, window_bounds = array<i64: 2048>}, {pipeline_mode = #tpu.pipeline_mode<synchronous>, transform_indices = @transform_5, window_bounds = array<i64: 2048, 128>}, {pipeline_mode = #tpu.pipeline_mode<synchronous>, transform_indices = @transform_6, window_bounds = array<i64: 40>}]} {
    %get3A = arith.constant 0 : index
    %get3A_0 = arith.constant 0 : index
    %get3A_1 = vector.load %arg1[%get3A, %get3A_0] : memref<2048x1024xf32, #tpu.memory_space<vmem>>, vector<2048x1024xf32>
    %get3A_2 = arith.constant 0 : index
    %get3A_3 = arith.constant 0 : index
    %get3A_4 = vector.load %arg2[%get3A_2, %get3A_3] : memref<1024x8xf32, #tpu.memory_space<vmem>>, vector<1024x8xf32>
    %dot_general3A = arith.constant dense<0.000000e+00> : vector<2048x8xf32>
    %dot_general3A_5 = tpu.matmul %get3A_1, %get3A_4, %dot_general3A {dimension_numbers = #tpu.dot_dimension_numbers<[1], [0], [0], [1], [0, 0, 1, 1], [], []>, transpose_lhs_hint = false} : vector<2048x1024xf32>, vector<1024x8xf32>, vector<2048x8xf32> -> vector<2048x8xf32>
    %get3A_6 = arith.constant 0 : index
    %get3A_7 = arith.constant 0 : index
    %get3A_8 = vector.load %arg3[%get3A_6, %get3A_7] : memref<1x8xf32, #tpu.memory_space<vmem>>, vector<1x8xf32>
    %add3A = vector.broadcast %get3A_8 : vector<1x8xf32> to vector<2048x8xf32>
    %add3A_9 = arith.addf %dot_general3A_5, %add3A : vector<2048x8xf32>
    %reduce_max3A = arith.constant dense<0xFF800000> : vector<2048xf32>
    %reduce_max3A_10 = vector.multi_reduction <maximumf>, %add3A_9, %reduce_max3A [1] : vector<2048x8xf32> to vector<2048xf32>
    %broadcast_in_dim3A = vector.shape_cast %reduce_max3A_10 : vector<2048xf32> to vector<2048x1xf32>
    %sub3A = vector.broadcast %broadcast_in_dim3A : vector<2048x1xf32> to vector<2048x8xf32>
    %sub3A_11 = arith.subf %add3A_9, %sub3A : vector<2048x8xf32>
    %exp3A = math.exp %sub3A_11 : vector<2048x8xf32>
    %reduce_sum3A = arith.constant dense<0.000000e+00> : vector<2048xf32>
    %reduce_sum3A_12 = vector.multi_reduction <add>, %exp3A, %reduce_sum3A [1] : vector<2048x8xf32> to vector<2048xf32>
    %broadcast_in_dim3A_13 = vector.shape_cast %reduce_sum3A_12 : vector<2048xf32> to vector<2048x1xf32>
    %div3A = vector.broadcast %broadcast_in_dim3A_13 : vector<2048x1xf32> to vector<2048x8xf32>
    %div3A_14 = arith.divf %exp3A, %div3A : vector<2048x8xf32>
    %argmax3A = tpu.reduce_index %div3A_14 {axis = 1 : i32, kind = #tpu.reduction_kind<arg_max>} : vector<2048x8xf32> -> vector<2048xi32>
    %iota3A = tpu.iota {dimensions = array<i32: 1>} : vector<2048x8xi32>
    %broadcast_in_dim3A_15 = vector.shape_cast %argmax3A : vector<2048xi32> to vector<2048x1xi32>
    %eq3A = vector.broadcast %broadcast_in_dim3A_15 : vector<2048x1xi32> to vector<2048x8xi32>
    %eq3A_16 = arith.cmpi eq, %iota3A, %eq3A : vector<2048x8xi32>
    %jit3A = arith.constant 0xFF800000 : f32
    %broadcast_in_dim3A_17 = vector.broadcast %jit3A : f32 to vector<2048x8xf32>
    %select_n3A = arith.select %eq3A_16, %broadcast_in_dim3A_17, %div3A_14 : vector<2048x8xi1>, vector<2048x8xf32>
    %argmax3A_18 = tpu.reduce_index %select_n3A {axis = 1 : i32, kind = #tpu.reduction_kind<arg_max>} : vector<2048x8xf32> -> vector<2048xi32>
    %broadcast_in_dim3A_19 = vector.shape_cast %argmax3A_18 : vector<2048xi32> to vector<2048x1xi32>
    %eq3A_20 = vector.broadcast %broadcast_in_dim3A_19 : vector<2048x1xi32> to vector<2048x8xi32>
    %eq3A_21 = arith.cmpi eq, %iota3A, %eq3A_20 : vector<2048x8xi32>
    %reduce_max3A_22 = arith.constant dense<0xFF800000> : vector<2048xf32>
    %reduce_max3A_23 = vector.multi_reduction <maximumf>, %div3A_14, %reduce_max3A_22 [1] : vector<2048x8xf32> to vector<2048xf32>
    %reduce_max3A_24 = arith.constant dense<0xFF800000> : vector<2048xf32>
    %reduce_max3A_25 = vector.multi_reduction <maximumf>, %select_n3A, %reduce_max3A_24 [1] : vector<2048x8xf32> to vector<2048xf32>
    %add3A_26 = arith.addf %reduce_max3A_23, %reduce_max3A_25 : vector<2048xf32>
    %div3A_27 = arith.divf %reduce_max3A_23, %add3A_26 : vector<2048xf32>
    %div3A_28 = arith.divf %reduce_max3A_25, %add3A_26 : vector<2048xf32>
    %convert_element_type3A = arith.extui %eq3A_16 : vector<2048x8xi1> to vector<2048x8xi32>
    %convert_element_type3A_29 = arith.sitofp %convert_element_type3A : vector<2048x8xi32> to vector<2048x8xf32>
    %convert_element_type3A_30 = arith.extui %eq3A_21 : vector<2048x8xi1> to vector<2048x8xi32>
    %convert_element_type3A_31 = arith.sitofp %convert_element_type3A_30 : vector<2048x8xi32> to vector<2048x8xf32>
    %add3A_32 = arith.addf %convert_element_type3A_29, %convert_element_type3A_31 : vector<2048x8xf32>
    %iota3A_33 = tpu.iota {dimensions = array<i32: 0>} : vector<256x256xi32>
    %iota3A_34 = tpu.iota {dimensions = array<i32: 1>} : vector<256x256xi32>
    %gt3A = arith.cmpi sgt, %iota3A_33, %iota3A_34 : vector<256x256xi32>
    %convert_element_type3A_35 = arith.extui %gt3A : vector<256x256xi1> to vector<256x256xi32>
    %convert_element_type3A_36 = arith.sitofp %convert_element_type3A_35 : vector<256x256xi32> to vector<256x256xf32>
    %broadcast_in_dim3A_37 = arith.constant 0.000000e+00 : f32
    %broadcast_in_dim3A_38 = vector.broadcast %broadcast_in_dim3A_37 : f32 to vector<1x8xf32>
    %slice3A = vector.extract_strided_slice %add3A_32 {offsets = [0, 0], sizes = [256, 8], strides = [1, 1]} : vector<2048x8xf32> to vector<256x8xf32>
    %dot_general3A_39 = arith.constant dense<0.000000e+00> : vector<256x8xf32>
    %dot_general3A_40 = tpu.matmul %convert_element_type3A_36, %slice3A, %dot_general3A_39 {dimension_numbers = #tpu.dot_dimension_numbers<[1], [0], [0], [1], [0, 0, 1, 1], [], []>, transpose_lhs_hint = false} : vector<256x256xf32>, vector<256x8xf32>, vector<256x8xf32> -> vector<256x8xf32>
    %add3A_41 = vector.broadcast %broadcast_in_dim3A_38 : vector<1x8xf32> to vector<256x8xf32>
    %add3A_42 = arith.addf %dot_general3A_40, %add3A_41 : vector<256x8xf32>
    %reduce_sum3A_43 = arith.constant dense<0.000000e+00> : vector<8xf32>
    %reduce_sum3A_44 = vector.multi_reduction <add>, %slice3A, %reduce_sum3A_43 [0] : vector<256x8xf32> to vector<8xf32>
    %broadcast_in_dim3A_45 = vector.shape_cast %reduce_sum3A_44 : vector<8xf32> to vector<1x8xf32>
    %add3A_46 = arith.addf %broadcast_in_dim3A_38, %broadcast_in_dim3A_45 : vector<1x8xf32>
    %slice3A_47 = vector.extract_strided_slice %add3A_32 {offsets = [256, 0], sizes = [256, 8], strides = [1, 1]} : vector<2048x8xf32> to vector<256x8xf32>
    %dot_general3A_48 = arith.constant dense<0.000000e+00> : vector<256x8xf32>
    %dot_general3A_49 = tpu.matmul %convert_element_type3A_36, %slice3A_47, %dot_general3A_48 {dimension_numbers = #tpu.dot_dimension_numbers<[1], [0], [0], [1], [0, 0, 1, 1], [], []>, transpose_lhs_hint = false} : vector<256x256xf32>, vector<256x8xf32>, vector<256x8xf32> -> vector<256x8xf32>
    %add3A_50 = vector.broadcast %add3A_46 : vector<1x8xf32> to vector<256x8xf32>
    %add3A_51 = arith.addf %dot_general3A_49, %add3A_50 : vector<256x8xf32>
    %reduce_sum3A_52 = arith.constant dense<0.000000e+00> : vector<8xf32>
    %reduce_sum3A_53 = vector.multi_reduction <add>, %slice3A_47, %reduce_sum3A_52 [0] : vector<256x8xf32> to vector<8xf32>
    %broadcast_in_dim3A_54 = vector.shape_cast %reduce_sum3A_53 : vector<8xf32> to vector<1x8xf32>
    %add3A_55 = arith.addf %add3A_46, %broadcast_in_dim3A_54 : vector<1x8xf32>
    %slice3A_56 = vector.extract_strided_slice %add3A_32 {offsets = [512, 0], sizes = [256, 8], strides = [1, 1]} : vector<2048x8xf32> to vector<256x8xf32>
    %dot_general3A_57 = arith.constant dense<0.000000e+00> : vector<256x8xf32>
    %dot_general3A_58 = tpu.matmul %convert_element_type3A_36, %slice3A_56, %dot_general3A_57 {dimension_numbers = #tpu.dot_dimension_numbers<[1], [0], [0], [1], [0, 0, 1, 1], [], []>, transpose_lhs_hint = false} : vector<256x256xf32>, vector<256x8xf32>, vector<256x8xf32> -> vector<256x8xf32>
    %add3A_59 = vector.broadcast %add3A_55 : vector<1x8xf32> to vector<256x8xf32>
    %add3A_60 = arith.addf %dot_general3A_58, %add3A_59 : vector<256x8xf32>
    %reduce_sum3A_61 = arith.constant dense<0.000000e+00> : vector<8xf32>
    %reduce_sum3A_62 = vector.multi_reduction <add>, %slice3A_56, %reduce_sum3A_61 [0] : vector<256x8xf32> to vector<8xf32>
    %broadcast_in_dim3A_63 = vector.shape_cast %reduce_sum3A_62 : vector<8xf32> to vector<1x8xf32>
    %add3A_64 = arith.addf %add3A_55, %broadcast_in_dim3A_63 : vector<1x8xf32>
    %slice3A_65 = vector.extract_strided_slice %add3A_32 {offsets = [768, 0], sizes = [256, 8], strides = [1, 1]} : vector<2048x8xf32> to vector<256x8xf32>
    %dot_general3A_66 = arith.constant dense<0.000000e+00> : vector<256x8xf32>
    %dot_general3A_67 = tpu.matmul %convert_element_type3A_36, %slice3A_65, %dot_general3A_66 {dimension_numbers = #tpu.dot_dimension_numbers<[1], [0], [0], [1], [0, 0, 1, 1], [], []>, transpose_lhs_hint = false} : vector<256x256xf32>, vector<256x8xf32>, vector<256x8xf32> -> vector<256x8xf32>
    %add3A_68 = vector.broadcast %add3A_64 : vector<1x8xf32> to vector<256x8xf32>
    %add3A_69 = arith.addf %dot_general3A_67, %add3A_68 : vector<256x8xf32>
    %reduce_sum3A_70 = arith.constant dense<0.000000e+00> : vector<8xf32>
    %reduce_sum3A_71 = vector.multi_reduction <add>, %slice3A_65, %reduce_sum3A_70 [0] : vector<256x8xf32> to vector<8xf32>
    %broadcast_in_dim3A_72 = vector.shape_cast %reduce_sum3A_71 : vector<8xf32> to vector<1x8xf32>
    %add3A_73 = arith.addf %add3A_64, %broadcast_in_dim3A_72 : vector<1x8xf32>
    %slice3A_74 = vector.extract_strided_slice %add3A_32 {offsets = [1024, 0], sizes = [256, 8], strides = [1, 1]} : vector<2048x8xf32> to vector<256x8xf32>
    %dot_general3A_75 = arith.constant dense<0.000000e+00> : vector<256x8xf32>
    %dot_general3A_76 = tpu.matmul %convert_element_type3A_36, %slice3A_74, %dot_general3A_75 {dimension_numbers = #tpu.dot_dimension_numbers<[1], [0], [0], [1], [0, 0, 1, 1], [], []>, transpose_lhs_hint = false} : vector<256x256xf32>, vector<256x8xf32>, vector<256x8xf32> -> vector<256x8xf32>
    %add3A_77 = vector.broadcast %add3A_73 : vector<1x8xf32> to vector<256x8xf32>
    %add3A_78 = arith.addf %dot_general3A_76, %add3A_77 : vector<256x8xf32>
    %reduce_sum3A_79 = arith.constant dense<0.000000e+00> : vector<8xf32>
    %reduce_sum3A_80 = vector.multi_reduction <add>, %slice3A_74, %reduce_sum3A_79 [0] : vector<256x8xf32> to vector<8xf32>
    %broadcast_in_dim3A_81 = vector.shape_cast %reduce_sum3A_80 : vector<8xf32> to vector<1x8xf32>
    %add3A_82 = arith.addf %add3A_73, %broadcast_in_dim3A_81 : vector<1x8xf32>
    %slice3A_83 = vector.extract_strided_slice %add3A_32 {offsets = [1280, 0], sizes = [256, 8], strides = [1, 1]} : vector<2048x8xf32> to vector<256x8xf32>
    %dot_general3A_84 = arith.constant dense<0.000000e+00> : vector<256x8xf32>
    %dot_general3A_85 = tpu.matmul %convert_element_type3A_36, %slice3A_83, %dot_general3A_84 {dimension_numbers = #tpu.dot_dimension_numbers<[1], [0], [0], [1], [0, 0, 1, 1], [], []>, transpose_lhs_hint = false} : vector<256x256xf32>, vector<256x8xf32>, vector<256x8xf32> -> vector<256x8xf32>
    %add3A_86 = vector.broadcast %add3A_82 : vector<1x8xf32> to vector<256x8xf32>
    %add3A_87 = arith.addf %dot_general3A_85, %add3A_86 : vector<256x8xf32>
    %reduce_sum3A_88 = arith.constant dense<0.000000e+00> : vector<8xf32>
    %reduce_sum3A_89 = vector.multi_reduction <add>, %slice3A_83, %reduce_sum3A_88 [0] : vector<256x8xf32> to vector<8xf32>
    %broadcast_in_dim3A_90 = vector.shape_cast %reduce_sum3A_89 : vector<8xf32> to vector<1x8xf32>
    %add3A_91 = arith.addf %add3A_82, %broadcast_in_dim3A_90 : vector<1x8xf32>
    %slice3A_92 = vector.extract_strided_slice %add3A_32 {offsets = [1536, 0], sizes = [256, 8], strides = [1, 1]} : vector<2048x8xf32> to vector<256x8xf32>
    %dot_general3A_93 = arith.constant dense<0.000000e+00> : vector<256x8xf32>
    %dot_general3A_94 = tpu.matmul %convert_element_type3A_36, %slice3A_92, %dot_general3A_93 {dimension_numbers = #tpu.dot_dimension_numbers<[1], [0], [0], [1], [0, 0, 1, 1], [], []>, transpose_lhs_hint = false} : vector<256x256xf32>, vector<256x8xf32>, vector<256x8xf32> -> vector<256x8xf32>
    %add3A_95 = vector.broadcast %add3A_91 : vector<1x8xf32> to vector<256x8xf32>
    %add3A_96 = arith.addf %dot_general3A_94, %add3A_95 : vector<256x8xf32>
    %reduce_sum3A_97 = arith.constant dense<0.000000e+00> : vector<8xf32>
    %reduce_sum3A_98 = vector.multi_reduction <add>, %slice3A_92, %reduce_sum3A_97 [0] : vector<256x8xf32> to vector<8xf32>
    %broadcast_in_dim3A_99 = vector.shape_cast %reduce_sum3A_98 : vector<8xf32> to vector<1x8xf32>
    %add3A_100 = arith.addf %add3A_91, %broadcast_in_dim3A_99 : vector<1x8xf32>
    %slice3A_101 = vector.extract_strided_slice %add3A_32 {offsets = [1792, 0], sizes = [256, 8], strides = [1, 1]} : vector<2048x8xf32> to vector<256x8xf32>
    %dot_general3A_102 = arith.constant dense<0.000000e+00> : vector<256x8xf32>
    %dot_general3A_103 = tpu.matmul %convert_element_type3A_36, %slice3A_101, %dot_general3A_102 {dimension_numbers = #tpu.dot_dimension_numbers<[1], [0], [0], [1], [0, 0, 1, 1], [], []>, transpose_lhs_hint = false} : vector<256x256xf32>, vector<256x8xf32>, vector<256x8xf32> -> vector<256x8xf32>
    %add3A_104 = vector.broadcast %add3A_100 : vector<1x8xf32> to vector<256x8xf32>
    %add3A_105 = arith.addf %dot_general3A_103, %add3A_104 : vector<256x8xf32>
    %reduce_sum3A_106 = arith.constant dense<0.000000e+00> : vector<8xf32>
    %reduce_sum3A_107 = vector.multi_reduction <add>, %slice3A_101, %reduce_sum3A_106 [0] : vector<256x8xf32> to vector<8xf32>
    %broadcast_in_dim3A_108 = vector.shape_cast %reduce_sum3A_107 : vector<8xf32> to vector<1x8xf32>
    %add3A_109 = arith.addf %add3A_100, %broadcast_in_dim3A_108 : vector<1x8xf32>
    %concatenate3A = tpu.concatenate %add3A_42, %add3A_51, %add3A_60, %add3A_69, %add3A_78, %add3A_87, %add3A_96, %add3A_105 in 0 : vector<256x8xf32>, vector<256x8xf32>, vector<256x8xf32>, vector<256x8xf32>, vector<256x8xf32>, vector<256x8xf32>, vector<256x8xf32>, vector<256x8xf32> -> vector<2048x8xf32>
    %add3A_110 = arith.constant 1.270000e+02 : f32
    %add3A_111 = vector.broadcast %add3A_110 : f32 to vector<1x8xf32>
    %add3A_112 = arith.addf %add3A_109, %add3A_111 : vector<1x8xf32>
    %mul3A = arith.constant 7.812500e-03 : f32
    %mul3A_113 = vector.broadcast %mul3A : f32 to vector<1x8xf32>
    %mul3A_114 = arith.mulf %add3A_112, %mul3A_113 : vector<1x8xf32>
    %floor3A = math.floor %mul3A_114 : vector<1x8xf32>
    %iota3A_115 = tpu.iota {dimensions = array<i32: 0>} : vector<8x8xi32>
    %iota3A_116 = tpu.iota {dimensions = array<i32: 1>} : vector<8x8xi32>
    %le3A = arith.cmpi sle, %iota3A_115, %iota3A_116 : vector<8x8xi32>
    %convert_element_type3A_117 = arith.extui %le3A : vector<8x8xi1> to vector<8x8xi32>
    %convert_element_type3A_118 = arith.sitofp %convert_element_type3A_117 : vector<8x8xi32> to vector<8x8xf32>
    %dot_general3A_119 = arith.constant dense<0.000000e+00> : vector<1x8xf32>
    %dot_general3A_120 = tpu.matmul %floor3A, %convert_element_type3A_118, %dot_general3A_119 {dimension_numbers = #tpu.dot_dimension_numbers<[1], [0], [0], [1], [0, 0, 1, 1], [], []>, transpose_lhs_hint = false} : vector<1x8xf32>, vector<8x8xf32>, vector<1x8xf32> -> vector<1x8xf32>
    %sub3A_121 = arith.subf %dot_general3A_120, %floor3A : vector<1x8xf32>
    %mul3A_122 = arith.constant 1.280000e+02 : f32
    %mul3A_123 = vector.broadcast %mul3A_122 : f32 to vector<1x8xf32>
    %mul3A_124 = arith.mulf %sub3A_121, %mul3A_123 : vector<1x8xf32>
    %add3A_125 = vector.broadcast %mul3A_124 : vector<1x8xf32> to vector<2048x8xf32>
    %add3A_126 = arith.addf %add3A_125, %concatenate3A : vector<2048x8xf32>
    %broadcast_in_dim3A_127 = arith.constant 1.000000e+00 : f32
    %broadcast_in_dim3A_128 = vector.broadcast %broadcast_in_dim3A_127 : f32 to vector<8xf32>
    %mul3A_129 = arith.mulf %convert_element_type3A_29, %add3A_126 : vector<2048x8xf32>
    %dot_general3A_130 = arith.constant dense<0.000000e+00> : vector<2048xf32>
    %dot_general3A_131 = tpu.matmul %mul3A_129, %broadcast_in_dim3A_128, %dot_general3A_130 {dimension_numbers = #tpu.dot_dimension_numbers<[1], [0], [0], [], [0, 0], [], []>, transpose_lhs_hint = false} : vector<2048x8xf32>, vector<8xf32>, vector<2048xf32> -> vector<2048xf32>
    %mul3A_132 = arith.mulf %convert_element_type3A_31, %add3A_126 : vector<2048x8xf32>
    %dot_general3A_133 = arith.constant dense<0.000000e+00> : vector<2048xf32>
    %dot_general3A_134 = tpu.matmul %mul3A_132, %broadcast_in_dim3A_128, %dot_general3A_133 {dimension_numbers = #tpu.dot_dimension_numbers<[1], [0], [0], [], [0, 0], [], []>, transpose_lhs_hint = false} : vector<2048x8xf32>, vector<8xf32>, vector<2048xf32> -> vector<2048xf32>
    %convert_element_type3A_135 = arith.fptosi %dot_general3A_131 : vector<2048xf32> to vector<2048xi32>
    %swap3A = arith.constant 0 : index
    %swap3A_136 = vector.load %arg4[%swap3A] : memref<2048xi32, #tpu.memory_space<vmem>>, vector<2048xi32>
    tpu.vector_store %arg4[%swap3A], %convert_element_type3A_135 {strides = array<i32>} : memref<2048xi32, #tpu.memory_space<vmem>>, vector<2048xi32>,
    %convert_element_type3A_137 = arith.fptosi %dot_general3A_134 : vector<2048xf32> to vector<2048xi32>
    %swap3A_138 = arith.constant 0 : index
    %swap3A_139 = vector.load %arg5[%swap3A_138] : memref<2048xi32, #tpu.memory_space<vmem>>, vector<2048xi32>
    tpu.vector_store %arg5[%swap3A_138], %convert_element_type3A_137 {strides = array<i32>} : memref<2048xi32, #tpu.memory_space<vmem>>, vector<2048xi32>,
    %iota3A_140 = tpu.iota {dimensions = array<i32: 1>} : vector<2048x128xi32>
    %lt3A = arith.constant 16 : i32
    %lt3A_141 = vector.broadcast %lt3A : i32 to vector<2048x128xi32>
    %lt3A_142 = arith.cmpi slt, %iota3A_140, %lt3A_141 : vector<2048x128xi32>
    %broadcast_in_dim3A_143 = vector.shape_cast %div3A_27 : vector<2048xf32> to vector<2048x1xf32>
    %broadcast_in_dim3A_144 = vector.shape_cast %div3A_28 : vector<2048xf32> to vector<2048x1xf32>
    %broadcast_in_dim3A_145 = vector.shape_cast %broadcast_in_dim3A_143 : vector<2048x1xf32> to vector<2048x1xf32>
    %broadcast_in_dim3A_146 = vector.broadcast %broadcast_in_dim3A_145 : vector<2048x1xf32> to vector<2048x128xf32>
    %broadcast_in_dim3A_147 = vector.shape_cast %broadcast_in_dim3A_144 : vector<2048x1xf32> to vector<2048x1xf32>
    %broadcast_in_dim3A_148 = vector.broadcast %broadcast_in_dim3A_147 : vector<2048x1xf32> to vector<2048x128xf32>
    %select_n3A_149 = arith.select %lt3A_142, %broadcast_in_dim3A_146, %broadcast_in_dim3A_148 : vector<2048x128xi1>, vector<2048x128xf32>
    %swap3A_150 = arith.constant 0 : index
    %swap3A_151 = arith.constant 0 : index
    %swap3A_152 = vector.load %arg6[%swap3A_150, %swap3A_151] : memref<2048x128xf32, #tpu.memory_space<vmem>>, vector<2048x128xf32>
    tpu.vector_store %arg6[%swap3A_150, %swap3A_151], %select_n3A_149 {strides = array<i32>} : memref<2048x128xf32, #tpu.memory_space<vmem>>, vector<2048x128xf32>,
    %iota3A_153 = tpu.iota {dimensions = array<i32: 0>} : vector<40x8xi32>
    %convert_element_type3A_154 = arith.sitofp %iota3A_153 : vector<40x8xi32> to vector<40x8xf32>
    %ge3A = vector.broadcast %dot_general3A_120 : vector<1x8xf32> to vector<40x8xf32>
    %ge3A_155 = arith.cmpf oge, %convert_element_type3A_154, %ge3A : vector<40x8xf32>
    %convert_element_type3A_156 = arith.extui %ge3A_155 : vector<40x8xi1> to vector<40x8xi32>
    %convert_element_type3A_157 = arith.sitofp %convert_element_type3A_156 : vector<40x8xi32> to vector<40x8xf32>
    %reduce_sum3A_158 = arith.constant dense<0.000000e+00> : vector<40xf32>
    %reduce_sum3A_159 = vector.multi_reduction <add>, %convert_element_type3A_157, %reduce_sum3A_158 [1] : vector<40x8xf32> to vector<40xf32>
    %min3A = arith.constant 7.000000e+00 : f32
    %min3A_160 = vector.broadcast %min3A : f32 to vector<40xf32>
    %min3A_161 = arith.minimumf %reduce_sum3A_159, %min3A_160 : vector<40xf32>
    %convert_element_type3A_162 = arith.fptosi %min3A_161 : vector<40xf32> to vector<40xi32>
    %swap3A_163 = arith.constant 0 : index
    %swap3A_164 = vector.load %arg7[%swap3A_163] : memref<40xi32, #tpu.memory_space<vmem>>, vector<40xi32>
    tpu.vector_store %arg7[%swap3A_163], %convert_element_type3A_162 {strides = array<i32>} : memref<40xi32, #tpu.memory_space<vmem>>, vector<40xi32>,
    return
  }
  func.func @transform_0(%arg0: i32) -> (i32, i32) {
    %c0_i32 = arith.constant 0 : i32
    %c0_i32_0 = arith.constant 0 : i32
    %c0_i32_1 = arith.constant 0 : i32
    return %c0_i32, %c0_i32_0 : i32, i32
  }
  func.func @transform_1(%arg0: i32) -> (i32, i32) {
    %c0_i32 = arith.constant 0 : i32
    %c0_i32_0 = arith.constant 0 : i32
    %c0_i32_1 = arith.constant 0 : i32
    return %c0_i32, %c0_i32_0 : i32, i32
  }
  func.func @transform_2(%arg0: i32) -> (i32, i32) {
    %c0_i32 = arith.constant 0 : i32
    %c0_i32_0 = arith.constant 0 : i32
    %c0_i32_1 = arith.constant 0 : i32
    return %c0_i32, %c0_i32_0 : i32, i32
  }
  func.func @transform_3(%arg0: i32) -> i32 {
    %c0_i32 = arith.constant 0 : i32
    %c0_i32_0 = arith.constant 0 : i32
    return %c0_i32 : i32
  }
  func.func @transform_4(%arg0: i32) -> i32 {
    %c0_i32 = arith.constant 0 : i32
    %c0_i32_0 = arith.constant 0 : i32
    return %c0_i32 : i32
  }
  func.func @transform_5(%arg0: i32) -> (i32, i32) {
    %c0_i32 = arith.constant 0 : i32
    %c0_i32_0 = arith.constant 0 : i32
    %c0_i32_1 = arith.constant 0 : i32
    return %c0_i32, %c0_i32_0 : i32, i32
  }
  func.func @transform_6(%arg0: i32) -> i32 {
    %c0_i32 = arith.constant 0 : i32
    %c0_i32_0 = arith.constant 0 : i32
    return %c0_i32 : i32
  }
}

</mosaic_0001>

<sc_bundles>
// kernel: kernel.6.cloned.1.call-start
scs
__scs_entry_jumppad:
0x0: {  	(pc) =	sbr.rel $0x88, $3  }
0x1: {  	(tag) =	ssettag $0x0;
	lr =	simm.s32 $0x1  }
0x2: {  	[smem:$0x3F98] =	sst lr;
	_ =	strace $0xD0000000  }
0x3: {  	_ = 	snop  }
0x4: {  	_ = 	snop  }
0x5: {  	_ = 	snop  }
0x6: {  	_ = 	snop  }
0x7: {  	_ = 	snop  }
__scs_overlays_trampoline_lowered:
0x8: {  	[smem:$0x3FA7] =	sst s0  }
0x9: {  	[smem:$0x3FA8] =	sst s1  }
0xa: {  	[smem:$0x3FA9] =	sst s2  }
0xb: {  	[smem:$0x3FAA] =	sst s3  }
0xc: {  	[smem:$0x3FAB] =	sst s4  }
0xd: {  	[smem:$0x3FAC] =	sst s5  }
0xe: {  	[smem:$0x3FAD] =	sst s6  }
0xf: {  	[smem:$0x3FAE] =	sst s7  }
0x10: {  	[smem:$0x3FAF] =	sst s8  }
0x11: {  	[smem:$0x3FB0] =	sst s9;
	s0 =	simm.s32 @!p0 $0x0  }
0x12: {  	s1 =	sld [smem:$0x3F96];
	s0 =	simm.s32 @p0 $0x1  }
0x13: {  	[smem:$0x3FB1] =	sst s0;
	s0 =	simm.s32 @!p1 $0x0  }
0x14: {  	s2 =	sld [smem:$0x3F95];
	s0 =	simm.s32 @p1 $0x1  }
0x15: {  	[smem:$0x3FB2] =	sst s0;
	s0 =	simm.s32 @!p2 $0x0  }
0x16: {  	s3 =	sld [smem:$0x3FDB];
	s0 =	simm.s32 @p2 $0x1  }
0x17: {  	s4 =	simm.s32 $0x1BF5;
	[smem:$0x3FB4] =	sst s0  }
0x18: {  	s0 =	sld [smem:$0x3F97];
	_ =	swait.ge [sflag:s4], $0x0  }
0x19: {  	s7 =	sld [smem:$0x3F98]  }
0x1a: {  	s8 =	sadd.s32 $0xFFFFE003, lr  }
0x1b: {  	s9 =	sadd.s32 $0xFFFFFEF7, lr;
	s5 =	simm.s32 $0xFFFFFFFF;
	p2 =	slt.u32 s8, $0xFFFFF086  }
0x1c: {  	p1 =	slt.u32 s9, $0xF7A;
	s5 =	simm.s32 @!p2 $0x0  }
0x1d: {  	s5 =	simm.s32 @p1 $0x1;
	p0 =	seq.s32 s7, s2  }
0x1e: {  	s7 =	smul.u32 @!p0 $0xF7A, s2;
	p2 =	seq.s32 @!p0 s5, $0x0  }
0x1f: {  	s9 =	smul.u32 $0xF7A, s1;
	s8 =	simm.s32 @!p0 $0x1BF5;
	p2 =	por !p2, p0  }
0x20: {  	[sflag:s8] =	ssyncset.s32 @!p0 $0xFFFFF086;
	s6 =	sadd.s32 @!p0 s3, s7;
	s7 =	simm.s32 @!p0 $0x108  }
0x21: {  	s3 =	sadd.s32 s3, s9;
	s6 =	sadd.s32 @!p0 $0x88, s6;
	s7 =	simm.s32 @p2 $0x1082  }
0x22: {  	[simem:s7], [sflag:s8] =	dma.local @!p0 [hbm:s6], $0xF7A  }
0x23: {  	s9 =	sor.u32 $0xD0000000, s2;
	s6 =	simm.s32 $0x108;
	_ =	swait.ge @!p0 [sflag:s8], $0x0  }
0x24: {  	s3 =	sadd.s32 $0x88, s3;
	s6 =	simm.s32 @!p1 $0x1082;
	[sflag:s4] =	ssyncset.s32 $0xFFFFF086  }
0x25: {  	[simem:s6], [sflag:s4] =	dma.local [hbm:s3], $0xF7A  }
0x26: {  	[smem:$0x3F98] =	sst s1;
	(tag) =	ssettag s2;
	_ =	strace s9  }
0x27: {  	s1 =	sld [smem:$0x3FA8]  }
0x28: {  	s2 =	sld [smem:$0x3FA9]  }
0x29: {  	s4 =	sld [smem:$0x3FAB]  }
0x2a: {  	p0 =	seq.s32 s5, $0x0;
	s5 =	sld [smem:$0x3FAC]  }
0x2b: {  	s6 =	sld [smem:$0x3FAD]  }
0x2c: {  	s7 =	sld [smem:$0x3FAE]  }
0x2d: {  	s3 =	simm.s32 $0x108;
	s8 =	sld [smem:$0x3FAF]  }
0x2e: {  	s3 =	simm.s32 @!p0 $0x1082;
	s9 =	sld [smem:$0x3FB0]  }
0x2f: {  	lr =	sadd.s32 s0, s3;
	s0 =	sld [smem:$0x3FA7]  }
0x30: {  	s3 =	sld [smem:$0x3FAA]  }
0x31: {  	[smem:$0x3FB3] =	sst s10  }
0x32: {  	s10 =	sld [smem:$0x3FB1];
	_ =	sdelay $0x3  }
0x33: {  	p0 =	seq.s32 s10, $0x1;
	s10 =	sld [smem:$0x3FB3];
	_ =	sdelay $0x3  }
0x34: {  	[smem:$0x3FB3] =	sst s10  }
0x35: {  	s10 =	sld [smem:$0x3FB2];
	_ =	sdelay $0x3  }
0x36: {  	p1 =	seq.s32 s10, $0x1;
	s10 =	sld [smem:$0x3FB3];
	_ =	sdelay $0x3  }
0x37: {  	[smem:$0x3FB3] =	sst s10  }
0x38: {  	s10 =	sld [smem:$0x3FB4]  }
0x39: {  	_ = 	snop;
	(pc) =	sbr.ind lr, $3  }
0x3a: {  	_ = 	snop  }
0x3b: {  	_ = 	snop  }
0x3c: {  	p2 =	seq.s32 s10, $0x1;
	s10 =	sld [smem:$0x3FB3]  }
0x3d: {  	_ =	shalt  }
0x3e: {  	_ =	shalt  }
0x3f: {  	_ =	shalt  }
0x40: {  	_ =	shalt  }
0x41: {  	_ =	shalt  }
0x42: {  	_ =	shalt  }
0x43: {  	_ =	shalt  }
0x44: {  	_ =	shalt  }
0x45: {  	_ =	shalt  }
0x46: {  	_ =	shalt  }
0x47: {  	_ =	shalt  }
0x48: {  	_ =	shalt  }
0x49: {  	_ =	shalt  }
0x4a: {  	_ =	shalt  }
0x4b: {  	_ =	shalt  }
0x4c: {  	_ =	shalt  }
0x4d: {  	_ =	shalt  }
0x4e: {  	_ =	shalt  }
0x4f: {  	_ =	shalt  }
0x50: {  	_ =	shalt  }
0x51: {  	_ =	shalt  }
0x52: {  	_ =	shalt  }
0x53: {  	_ =	shalt  }
0x54: {  	_ =	shalt  }
0x55: {  	_ =	shalt  }
0x56: {  	_ =	shalt  }
0x57: {  	_ =	shalt  }
0x58: {  	_ =	shalt  }
0x59: {  	_ =	shalt  }
0x5a: {  	_ =	shalt  }
0x5b: {  	_ =	shalt  }
0x5c: {  	_ =	shalt  }
0x5d: {  	_ =	shalt  }
0x5e: {  	_ =	shalt  }
0x5f: {  	_ =	shalt  }
0x60: {  	_ =	shalt  }
0x61: {  	_ =	shalt  }
0x62: {  	_ =	shalt  }
0x63: {  	_ =	shalt  }
0x64: {  	_ =	shalt  }
0x65: {  	_ =	shalt  }
0x66: {  	_ =	shalt  }
0x67: {  	_ =	shalt  }
0x68: {  	_ =	shalt  }
0x69: {  	_ =	shalt  }
0x6a: {  	_ =	shalt  }
0x6b: {  	_ =	shalt  }
0x6c: {  	_ =	shalt  }
0x6d: {  	_ =	shalt  }
0x6e: {  	_ =	shalt  }
0x6f: {  	_ =	shalt  }
0x70: {  	_ =	shalt  }
0x71: {  	_ =	shalt  }
0x72: {  	_ =	shalt  }
0x73: {  	_ =	shalt  }
0x74: {  	_ =	shalt  }
0x75: {  	_ =	shalt  }
0x76: {  	_ =	shalt  }
0x77: {  	_ =	shalt  }
0x78: {  	_ =	shalt  }
0x79: {  	_ =	shalt  }
0x7a: {  	_ =	shalt  }
0x7b: {  	_ =	shalt  }
0x7c: {  	_ =	shalt  }
0x7d: {  	_ =	shalt  }
0x7e: {  	_ =	shalt  }
0x7f: {  	_ =	shalt  }
0x80: {  	_ =	shalt  }
0x81: {  	_ =	shalt  }
0x82: {  	_ =	shalt  }
0x83: {  	_ =	shalt  }
0x84: {  	_ =	shalt  }
0x85: {  	_ =	shalt  }
0x86: {  	_ =	shalt  }
0x87: {  	_ =	shalt  }
.Lfunc_end0:
.L_simem_size_0:
called_computation_lowered:
.L_overlay_start_0:
0x88: {  	s2 =	sld [smem:$0x3FD9]  }
0x89: {  	s3 =	sld [smem:$0x3FFE];
	_ =	sdelay $0x1  }
0x8a: {  	s1 =	srdreg.scid  }
0x8b: {  	s0 =	sand.u32 $0x1, s1  }
0x8c: {  	s17 =	sshll.u32 s0, $0xA;
	s2 =	sadd.s32 s3, s2  }
0x8d: {  	s2 =	sadd.s32 s2, s17  }
0x8e: {  	[smem:$0x3FBF] =	sst s2  }
0x8f: {  	_ = 	snop  }
0x90: {  	s2 =	sld [smem:$0x3FC9]  }
0x91: {  	s18 =	sld [smem:$0x3FD0];
	(tm) =	ssettm $0x1  }
0x92: {  	s4 =	sld [smem:$0x3FFB];
	_ =	sdelay $0x3  }
0x93: {  	_ =	strace s4  }
0x94: {  	s4 =	sld [smem:$0x3FFC];
	_ =	sdelay $0x3  }
0x95: {  	_ =	strace s4  }
0x96: {  	s4 =	sld [smem:$0x3FFD];
	_ =	sdelay $0x3  }
0x97: {  	_ =	strace s4  }
0x98: {  	_ =	strace $0x8FFFFFFF  }
0x99: {  	s19 =	sld [smem:$0x3FDB];
	_ =	sdelay $0x1  }
0x9a: {  	s5 =	simm.s32 $_scs_section_size  }
0x9b: {  	s6 =	simm.s32 $_size__tile_overlayer_lowered;
	s7 =	simm.s32 $_tile_overlayer_lowered  }
0x9c: {  	s22 =	simm.s32 $0x1BFF;
	s21 =	sshll.u32 s7, $0x1;
	s4 =	sadd.s32 s5, s19  }
0x9d: {  	s8 =	simm.s32 $0x0;
	s20 =	sshll.u32 s6, $0x1;
	s6 =	sadd.s32 s21, s4  }
0x9e: {  	[timem:s8], [sflag:s22] =	dma.local [hbm:s6], s20  }
0x9f: {  	_ =	swait.ge [sflag:s22], s20  }
0xa0: {  	s5 =	ssub.s32 $0x0, s20;
	[sflag:s22] =	ssyncset.done $0x0  }
0xa1: {  	[sflag:s22] =	ssyncadd.s32 s5;
	_ =	sdelay $0x1  }
0xa2: {  	s23 =	simm.s32 $0x1B8B  }
0xa3: {  	_ =	swait.ge [sflag:s23], $0x1  }
0xa4: {  	[sflag:s23] =	ssyncset.done $0x0  }
0xa5: {  	s25 =	simm.s32 $0x1B8E;
	s24 =	sld [smem:$0x3FFE];
	[sflag:s23] =	ssyncadd.s32 $0xFFFFFFFF  }
0xa6: {  	s26 =	simm.s32 $execute0_lowered;
	[smem:$0x3FD2] =	sst s25  }
0xa7: {  	s6 =	sshll.u32 s26, $0x1;
	_ =	strace $0x80000046;
	[dreg:$0x1] =	wrdreg $0xFFFFFFFF  }
0xa8: {  	s28 =	simm.s32 $_size_execute0_lowered;
	s4 =	sadd.s32 s4, s6;
	[dreg:$0x0] =	wrdreg $0x0  }
0xa9: {  	s6 =	sshll.u32 s28, $0x1;
	[dreg:$0x2] =	wrdreg s4  }
0xaa: {  	[dreg:$0x3] =	wrdreg s6  }
0xab: {  	[dreg:$0x4] =	wrdreg $0xC0  }
0xac: {  	_ =	task [dreg:s8], $0x5FFFF  }
0xad: {  	[dreg:$0x1] =	wrdreg $0xFFFFFFFF  }
0xae: {  	[dreg:$0x0] =	wrdreg $0x60  }
0xaf: {  	[dreg:$0x2] =	wrdreg s2  }
0xb0: {  	[dreg:$0x3] =	wrdreg s18  }
0xb1: {  	[dreg:$0x4] =	wrdreg s24  }
0xb2: {  	[dreg:$0x5] =	wrdreg $0x9  }
0xb3: {  	_ =	task.clear_ibuf [dreg:s8], $0x6FFFF;
	_ =	strace $0x90000046  }
0xb4: {  	s29 =	simm.s32 $0x9;
	_ =	strace $0x80000048  }
0xb5: {  	_ =	swait.ge [sflag:s29], $0x1  }
0xb6: {  	[sflag:s29] =	ssyncadd.s32 $0xFFFFFFFF  }
0xb7: {  	_ =	strace $0x90000048  }
0xb8: {  	_ =	sfence  }
0xb9: {  	s30 =	sld [smem:$0x0];
	_ =	sdelay $0x2  }
0xba: {  	s31 =	sshll.u32 s1, $0xD;
	s1 =	sshrl.u32 s1, $0x2  }
0xbb: {  	s3 =	sand.u32 $0x4000, s31;
	s1 =	sadd.s32 s1, s30  }
0xbc: {  	s0 =	sor.u32 s3, s0;
	s1 =	sshll.u32 s1, $0x11  }
0xbd: {  	s0 =	sor.u32 s1, s0  }
0xbe: {  	s0 =	sadd.s32 $0x8F2B, s0  }
0xbf: {  	[sflag:s0] =	ssyncadd.remote.s32 $0x1  }
0xc0: {  	_ =	sfence.sel $0xFFFF  }
0xc1: {  	[dreg:$0x0] =	wrdreg $0xFFFFFFFF;
	(pc) =	sbr.abs _section_cstart, $3  }
0xc2: {  	[dreg:$0x1] =	wrdreg $0xFFFFFFFF  }
0xc3: {  	_ =	task.clear_ibuf [dreg:s8], $0x2FFFF;
	_ =	strace $0x9FFFFFFF  }
0xc4: {  	(tm) =	ssettm $0x7FFFFFFF  }
0xc5: {  	_ =	shalt  }
tec
execute0_lowered:
.L_overlay_start_1:
0x0: {  	(tag) =	ssettag $0x1  }
0x1: {  	s0 =	rddreg [dreg:$0x0]  }
0x2: {  	s1 =	srdreg.scid;
	s4 =	rddreg [dreg:$0x1]  }
0x3: {  	s2 =	stileid.u32;
	s6 =	rddreg [dreg:$0x2];
	s26 =	simm.s32 $0x80  }
0x4: {  	s18 =	simm.s32 $0x1;
	s21 =	simm.s32 $0x1900;
	s22 =	simm.s32 $0x2100  }
0x5: {  	s23 =	simm.s32 $0x2900;
	s28 =	simm.s32 $0x4900;
	s29 =	simm.s32 $0x5100  }
0x6: {  	s30 =	simm.s32 $0x5900;
	s31 =	simm.s32 $0x6100;
	s10 =	simm.s32 $0x7900  }
0x7: {  	s11 =	simm.s32 $0x8100;
	s12 =	simm.s32 $0x8900;
	s13 =	simm.s32 $0x9100  }
0x8: {  	s14 =	simm.s32 $0x9900;
	s15 =	simm.s32 $0xA100;
	s16 =	simm.s32 $0xA900  }
0x9: {  	s1 =	sand.u32 $0x1, s1;
	s3 =	sshll.u32 s2, $0x7;
	s2 =	simm.s32 $0x0  }
0xa: {  	s17 =	simm.s32 $0xB100;
	s5 =	sshll.u32 s1, $0x6;
	[smem:$0x7FF] =	sst s2  }
0xb: {  	s1 =	ssub.s32 $0x2, s1;
	s5 =	sor.u32 s5, s3;
	_ =	strace $0x80000047  }
0xc: {  	s3 =	sadd.s32 $0xA200, s6;
	s25 =	sshrl.u32 s1, $0x1;
	[dreg:$0x7] =	wrdreg s26  }
0xd: {  	s26 =	simm.s32 $0x4100;
	s7 =	sshrl.u32 s5, $0x3;
	s5 =	sshll.u32 s5, $0x7  }
0xe: {  	s1 =	ssub.s32 s1, s25;
	s25 =	simm.s32 $0x3900;
	s8 =	sadd.s32 s7, s6  }
0xf: {  	s4 =	sadd.s32 s4, s7;
	s0 =	sadd.s32 s0, s5;
	s5 =	sadd.s32 $0xA400, s6  }
0x10: {  	v2 =	vlaneseq.u32;
	s7 =	smax.u32 s1, $0x1;
	[dreg:$0x4] =	wrdreg s4;
	s24 =	sadd.s32 $0x2000, s8  }
0x11: {  	vm0 =	vmmov $0xffff;
	v1 =	vshrl.u32 v2, $0x3;
	[dreg:$0x6] =	wrdreg s0;
	s4 =	sadd.s32 $0xA300, s6;
	s6 =	sadd.s32 $0xA500, s6  }
0x12: {  	v0 =	vand.u32 $0x7, v2;
	v2 =	vor.u32 $0x8, v2;
	v1 =	vmul.u32 $0x8, v1;
	s8 =	simm.s32 $0x2;
	[dreg:$0x5] =	wrdreg s24;
	s24 =	simm.s32 $0x3100  }
.LBB2_1:
0x13: {  	s19 =	rddreg [dreg:$0x4]  }
0x14: {  	[tilespmem:s2], [sflag:$0x2] =	stream.linear.gather [hbm4b:s19+s2], $0x40, $0x38;
	[tilespmem:$0x10100] =	vst v63  }
0x15: {  	_ =	swait.ge [sflag:s8], $0x40  }
0x16: {  	s1 =	rddreg [dreg:$0x5];
	[sflag:s8] =	ssyncset.done $0x0  }
0x17: {  	s20 =	rddreg [dreg:$0x7];
	[sflag:s8] =	ssyncadd.s32 $0xFFFFFFC0  }
0x18: {  	[tilespmem:s20], [sflag:$0x2] =	stream.linear.gather [hbm4b:s1+s2], $0x40, $0x38;
	[tilespmem:$0x10100] =	vst v63  }
0x19: {  	_ =	swait.ge [sflag:s8], $0x40  }
0x1a: {  	[sflag:s8] =	ssyncset.done $0x0  }
0x1b: {  	s0 =	simm.s32 $0x100;
	s9 =	rddreg [dreg:$0x6];
	[sflag:s8] =	ssyncadd.s32 $0xFFFFFFC0  }
0x1c: {  	[tilespmem:s0], [sflag:$0x2] =	stream.linear.gather [hbm4b:s9+s2], $0x10000, $0x38;
	[tilespmem:$0x10100] =	vst v63  }
0x1d: {  	_ =	swait.ge [sflag:s8], $0x10000  }
0x1e: {  	[sflag:s8] =	ssyncset.done $0x0  }
0x1f: {  	[sflag:s8] =	ssyncadd.s32 $0xFFFF0000  }
0x20: {  	v3 =	vld [tilespmem:$0x0];
	_ =	sdelay $0x4  }
0x21: {  	v4 =	vshll.u32 v3, $0x3  }
0x22: {  	v3 =	vand.u32 $0x7, v3;
	v4 =	vand.u32 $0xFFFFFFC0, v4  }
0x23: {  	v3 =	vor.u32 v3, v4  }
0x24: {  	v4 =	vperm.xlane v3, v0;
	_ =	sdelay $0x1  }
0x25: {  	v4 =	vadd.s32 v1, v4;
	_ =	sdelay $0x4  }
0x26: {  	[hbm4b:s3+s2] =	stream.indirect_vreg.scatter [tilespmem:s0], [sflag:$0x1], $0x80, v4, vm0, $0xb8;
	[tilespmem:$0x10100] =	vst v63  }
0x27: {  	s19 =	simm.s32 $0x900;
	v3 =	vperm.xlane v3, v2  }
0x28: {  	[hbm4b:s4+s2] =	stream.indirect_vreg.scatter [tilespmem:s19], [sflag:$0x1], $0x80, v4, vm0, $0xb8;
	[tilespmem:$0x10100] =	vst v63  }
0x29: {  	s20 =	simm.s32 $0x1100;
	v3 =	vadd.s32 v1, v3  }
0x2a: {  	[hbm4b:s5+s2] =	stream.indirect_vreg.scatter [tilespmem:s20], [sflag:$0x1], $0x80, v4, vm0, $0xb8;
	[tilespmem:$0x10100] =	vst v63  }
0x2b: {  	_ = 	snop  }
0x2c: {  	[hbm4b:s6+s2] =	stream.indirect_vreg.scatter [tilespmem:s21], [sflag:$0x1], $0x80, v4, vm0, $0xb8;
	[tilespmem:$0x10100] =	vst v63  }
0x2d: {  	_ = 	snop  }
0x2e: {  	[hbm4b:s3+s2] =	stream.indirect_vreg.scatter [tilespmem:s22], [sflag:$0x1], $0x80, v3, vm0, $0xb8;
	[tilespmem:$0x10100] =	vst v63  }
0x2f: {  	_ = 	snop  }
0x30: {  	[hbm4b:s4+s2] =	stream.indirect_vreg.scatter [tilespmem:s23], [sflag:$0x1], $0x80, v3, vm0, $0xb8;
	[tilespmem:$0x10100] =	vst v63  }
0x31: {  	_ = 	snop  }
0x32: {  	[hbm4b:s5+s2] =	stream.indirect_vreg.scatter [tilespmem:s24], [sflag:$0x1], $0x80, v3, vm0, $0xb8;
	[tilespmem:$0x10100] =	vst v63  }
0x33: {  	_ = 	snop  }
0x34: {  	[hbm4b:s6+s2] =	stream.indirect_vreg.scatter [tilespmem:s25], [sflag:$0x1], $0x80, v3, vm0, $0xb8;
	[tilespmem:$0x10100] =	vst v63  }
0x35: {  	v3 =	vld [tilespmem:$0x10];
	_ =	sdelay $0x4  }
0x36: {  	v57 =	vshll.u32 v3, $0x3  }
0x37: {  	v3 =	vand.u32 $0x7, v3;
	v4 =	vand.u32 $0xFFFFFFC0, v57  }
0x38: {  	v3 =	vor.u32 v3, v4  }
0x39: {  	v4 =	vperm.xlane v3, v0;
	_ =	sdelay $0x1  }
0x3a: {  	v4 =	vadd.s32 v1, v4;
	_ =	sdelay $0x4  }
0x3b: {  	[hbm4b:s3+s2] =	stream.indirect_vreg.scatter [tilespmem:s26], [sflag:$0x1], $0x80, v4, vm0, $0xb8;
	[tilespmem:$0x10100] =	vst v63  }
0x3c: {  	v3 =	vperm.xlane v3, v2  }
0x3d: {  	[hbm4b:s4+s2] =	stream.indirect_vreg.scatter [tilespmem:s28], [sflag:$0x1], $0x80, v4, vm0, $0xb8;
	[tilespmem:$0x10100] =	vst v63  }
0x3e: {  	v3 =	vadd.s32 v1, v3  }
0x3f: {  	[hbm4b:s5+s2] =	stream.indirect_vreg.scatter [tilespmem:s29], [sflag:$0x1], $0x80, v4, vm0, $0xb8;
	[tilespmem:$0x10100] =	vst v63  }
0x40: {  	_ = 	snop  }
0x41: {  	[hbm4b:s6+s2] =	stream.indirect_vreg.scatter [tilespmem:s30], [sflag:$0x1], $0x80, v4, vm0, $0xb8;
	[tilespmem:$0x10100] =	vst v63  }
0x42: {  	_ = 	snop  }
0x43: {  	[hbm4b:s3+s2] =	stream.indirect_vreg.scatter [tilespmem:s31], [sflag:$0x1], $0x80, v3, vm0, $0xb8;
	[tilespmem:$0x10100] =	vst v63  }
0x44: {  	s1 =	simm.s32 $0x6900  }
0x45: {  	[hbm4b:s4+s2] =	stream.indirect_vreg.scatter [tilespmem:s1], [sflag:$0x1], $0x80, v3, vm0, $0xb8;
	[tilespmem:$0x10100] =	vst v63  }
0x46: {  	s9 =	simm.s32 $0x7100  }
0x47: {  	[hbm4b:s5+s2] =	stream.indirect_vreg.scatter [tilespmem:s9], [sflag:$0x1], $0x80, v3, vm0, $0xb8;
	[tilespmem:$0x10100] =	vst v63  }
0x48: {  	_ = 	snop  }
0x49: {  	[hbm4b:s6+s2] =	stream.indirect_vreg.scatter [tilespmem:s10], [sflag:$0x1], $0x80, v3, vm0, $0xb8;
	[tilespmem:$0x10100] =	vst v63  }
0x4a: {  	v3 =	vld [tilespmem:$0x20];
	_ =	sdelay $0x4  }
0x4b: {  	v58 =	vshll.u32 v3, $0x3  }
0x4c: {  	v3 =	vand.u32 $0x7, v3;
	v4 =	vand.u32 $0xFFFFFFC0, v58  }
0x4d: {  	v3 =	vor.u32 v3, v4  }
0x4e: {  	v4 =	vperm.xlane v3, v0;
	_ =	sdelay $0x1  }
0x4f: {  	v4 =	vadd.s32 v1, v4;
	_ =	sdelay $0x4  }
0x50: {  	[hbm4b:s3+s2] =	stream.indirect_vreg.scatter [tilespmem:s11], [sflag:$0x1], $0x80, v4, vm0, $0xb8;
	[tilespmem:$0x10100] =	vst v63  }
0x51: {  	v3 =	vperm.xlane v3, v2  }
0x52: {  	[hbm4b:s4+s2] =	stream.indirect_vreg.scatter [tilespmem:s12], [sflag:$0x1], $0x80, v4, vm0, $0xb8;
	[tilespmem:$0x10100] =	vst v63  }
0x53: {  	v3 =	vadd.s32 v1, v3  }
0x54: {  	[hbm4b:s5+s2] =	stream.indirect_vreg.scatter [tilespmem:s13], [sflag:$0x1], $0x80, v4, vm0, $0xb8;
	[tilespmem:$0x10100] =	vst v63  }
0x55: {  	_ = 	snop  }
0x56: {  	[hbm4b:s6+s2] =	stream.indirect_vreg.scatter [tilespmem:s14], [sflag:$0x1], $0x80, v4, vm0, $0xb8;
	[tilespmem:$0x10100] =	vst v63  }
0x57: {  	_ = 	snop  }
0x58: {  	[hbm4b:s3+s2] =	stream.indirect_vreg.scatter [tilespmem:s15], [sflag:$0x1], $0x80, v3, vm0, $0xb8;
	[tilespmem:$0x10100] =	vst v63  }
0x59: {  	_ = 	snop  }
0x5a: {  	[hbm4b:s4+s2] =	stream.indirect_vreg.scatter [tilespmem:s16], [sflag:$0x1], $0x80, v3, vm0, $0xb8;
	[tilespmem:$0x10100] =	vst v63  }
0x5b: {  	_ = 	snop  }
0x5c: {  	[hbm4b:s5+s2] =	stream.indirect_vreg.scatter [tilespmem:s17], [sflag:$0x1], $0x80, v3, vm0, $0xb8;
	[tilespmem:$0x10100] =	vst v63  }
0x5d: {  	s9 =	simm.s32 $0xB900  }
0x5e: {  	[hbm4b:s6+s2] =	stream.indirect_vreg.scatter [tilespmem:s9], [sflag:$0x1], $0x80, v3, vm0, $0xb8;
	[tilespmem:$0x10100] =	vst v63  }
0x5f: {  	v3 =	vld [tilespmem:$0x30];
	_ =	sdelay $0x4  }
0x60: {  	v59 =	vshll.u32 v3, $0x3  }
0x61: {  	v3 =	vand.u32 $0x7, v3;
	v4 =	vand.u32 $0xFFFFFFC0, v59  }
0x62: {  	v3 =	vor.u32 v3, v4  }
0x63: {  	v4 =	vperm.xlane v3, v0;
	_ =	sdelay $0x1  }
0x64: {  	v4 =	vadd.s32 v1, v4;
	_ =	sdelay $0x3  }
0x65: {  	s1 =	simm.s32 $0xC100  }
0x66: {  	[hbm4b:s3+s2] =	stream.indirect_vreg.scatter [tilespmem:s1], [sflag:$0x1], $0x80, v4, vm0, $0xb8;
	[tilespmem:$0x10100] =	vst v63  }
0x67: {  	v3 =	vperm.xlane v3, v2;
	s1 =	simm.s32 $0xC900  }
0x68: {  	[hbm4b:s4+s2] =	stream.indirect_vreg.scatter [tilespmem:s1], [sflag:$0x1], $0x80, v4, vm0, $0xb8;
	[tilespmem:$0x10100] =	vst v63  }
0x69: {  	v3 =	vadd.s32 v1, v3;
	s1 =	simm.s32 $0xD100  }
0x6a: {  	[hbm4b:s5+s2] =	stream.indirect_vreg.scatter [tilespmem:s1], [sflag:$0x1], $0x80, v4, vm0, $0xb8;
	[tilespmem:$0x10100] =	vst v63  }
0x6b: {  	s1 =	simm.s32 $0xD900  }
0x6c: {  	[hbm4b:s6+s2] =	stream.indirect_vreg.scatter [tilespmem:s1], [sflag:$0x1], $0x80, v4, vm0, $0xb8;
	[tilespmem:$0x10100] =	vst v63  }
0x6d: {  	s1 =	simm.s32 $0xE100  }
0x6e: {  	[hbm4b:s3+s2] =	stream.indirect_vreg.scatter [tilespmem:s1], [sflag:$0x1], $0x80, v3, vm0, $0xb8;
	[tilespmem:$0x10100] =	vst v63  }
0x6f: {  	s1 =	simm.s32 $0xE900  }
0x70: {  	[hbm4b:s4+s2] =	stream.indirect_vreg.scatter [tilespmem:s1], [sflag:$0x1], $0x80, v3, vm0, $0xb8;
	[tilespmem:$0x10100] =	vst v63  }
0x71: {  	s1 =	simm.s32 $0xF100  }
0x72: {  	[hbm4b:s5+s2] =	stream.indirect_vreg.scatter [tilespmem:s1], [sflag:$0x1], $0x80, v3, vm0, $0xb8;
	[tilespmem:$0x10100] =	vst v63  }
0x73: {  	s1 =	simm.s32 $0xF900  }
0x74: {  	[hbm4b:s6+s2] =	stream.indirect_vreg.scatter [tilespmem:s1], [sflag:$0x1], $0x80, v3, vm0, $0xb8;
	[tilespmem:$0x10100] =	vst v63  }
0x75: {  	_ =	swait.ge [sflag:s18], $0x10000  }
0x76: {  	[sflag:s18] =	ssyncset.done $0x0  }
0x77: {  	[sflag:s18] =	ssyncadd.s32 $0xFFFF0000  }
0x78: {  	v3 =	vld [tilespmem:$0x80];
	_ =	sdelay $0x4  }
0x79: {  	v60 =	vshll.u32 v3, $0x3  }
0x7a: {  	v3 =	vand.u32 $0x7, v3;
	v4 =	vand.u32 $0xFFFFFFC0, v60  }
0x7b: {  	v3 =	vor.u32 v3, v4  }
0x7c: {  	v4 =	vperm.xlane v3, v0;
	_ =	sdelay $0x1  }
0x7d: {  	v4 =	vadd.s32 v1, v4;
	_ =	sdelay $0x4  }
0x7e: {  	[hbm4b:s3+s2] =	stream.indirect_vreg.scatter [tilespmem:s0], [sflag:$0x1], $0x80, v4, vm0, $0xb8;
	[tilespmem:$0x10100] =	vst v63  }
0x7f: {  	v3 =	vperm.xlane v3, v2  }
0x80: {  	[hbm4b:s4+s2] =	stream.indirect_vreg.scatter [tilespmem:s19], [sflag:$0x1], $0x80, v4, vm0, $0xb8;
	[tilespmem:$0x10100] =	vst v63  }
0x81: {  	v3 =	vadd.s32 v1, v3  }
0x82: {  	[hbm4b:s5+s2] =	stream.indirect_vreg.scatter [tilespmem:s20], [sflag:$0x1], $0x80, v4, vm0, $0xb8;
	[tilespmem:$0x10100] =	vst v63  }
0x83: {  	_ = 	snop  }
0x84: {  	[hbm4b:s6+s2] =	stream.indirect_vreg.scatter [tilespmem:s21], [sflag:$0x1], $0x80, v4, vm0, $0xb8;
	[tilespmem:$0x10100] =	vst v63  }
0x85: {  	_ = 	snop  }
0x86: {  	[hbm4b:s3+s2] =	stream.indirect_vreg.scatter [tilespmem:s22], [sflag:$0x1], $0x80, v3, vm0, $0xb8;
	[tilespmem:$0x10100] =	vst v63  }
0x87: {  	_ = 	snop  }
0x88: {  	[hbm4b:s4+s2] =	stream.indirect_vreg.scatter [tilespmem:s23], [sflag:$0x1], $0x80, v3, vm0, $0xb8;
	[tilespmem:$0x10100] =	vst v63  }
0x89: {  	_ = 	snop  }
0x8a: {  	[hbm4b:s5+s2] =	stream.indirect_vreg.scatter [tilespmem:s24], [sflag:$0x1], $0x80, v3, vm0, $0xb8;
	[tilespmem:$0x10100] =	vst v63  }
0x8b: {  	_ = 	snop  }
0x8c: {  	[hbm4b:s6+s2] =	stream.indirect_vreg.scatter [tilespmem:s25], [sflag:$0x1], $0x80, v3, vm0, $0xb8;
	[tilespmem:$0x10100] =	vst v63  }
0x8d: {  	v3 =	vld [tilespmem:$0x90];
	_ =	sdelay $0x4  }
0x8e: {  	v61 =	vshll.u32 v3, $0x3  }
0x8f: {  	v3 =	vand.u32 $0x7, v3;
	v4 =	vand.u32 $0xFFFFFFC0, v61  }
0x90: {  	v3 =	vor.u32 v3, v4  }
0x91: {  	v4 =	vperm.xlane v3, v0;
	_ =	sdelay $0x1  }
0x92: {  	v4 =	vadd.s32 v1, v4;
	_ =	sdelay $0x4  }
0x93: {  	[hbm4b:s3+s2] =	stream.indirect_vreg.scatter [tilespmem:s26], [sflag:$0x1], $0x80, v4, vm0, $0xb8;
	[tilespmem:$0x10100] =	vst v63  }
0x94: {  	v3 =	vperm.xlane v3, v2  }
0x95: {  	[hbm4b:s4+s2] =	stream.indirect_vreg.scatter [tilespmem:s28], [sflag:$0x1], $0x80, v4, vm0, $0xb8;
	[tilespmem:$0x10100] =	vst v63  }
0x96: {  	v3 =	vadd.s32 v1, v3  }
0x97: {  	[hbm4b:s5+s2] =	stream.indirect_vreg.scatter [tilespmem:s29], [sflag:$0x1], $0x80, v4, vm0, $0xb8;
	[tilespmem:$0x10100] =	vst v63  }
0x98: {  	_ = 	snop  }
0x99: {  	[hbm4b:s6+s2] =	stream.indirect_vreg.scatter [tilespmem:s30], [sflag:$0x1], $0x80, v4, vm0, $0xb8;
	[tilespmem:$0x10100] =	vst v63  }
0x9a: {  	_ = 	snop  }
0x9b: {  	[hbm4b:s3+s2] =	stream.indirect_vreg.scatter [tilespmem:s31], [sflag:$0x1], $0x80, v3, vm0, $0xb8;
	[tilespmem:$0x10100] =	vst v63  }
0x9c: {  	s20 =	simm.s32 $0x6900  }
0x9d: {  	[hbm4b:s4+s2] =	stream.indirect_vreg.scatter [tilespmem:s20], [sflag:$0x1], $0x80, v3, vm0, $0xb8;
	[tilespmem:$0x10100] =	vst v63  }
0x9e: {  	s19 =	simm.s32 $0x7100  }
0x9f: {  	[hbm4b:s5+s2] =	stream.indirect_vreg.scatter [tilespmem:s19], [sflag:$0x1], $0x80, v3, vm0, $0xb8;
	[tilespmem:$0x10100] =	vst v63  }
0xa0: {  	_ = 	snop  }
0xa1: {  	[hbm4b:s6+s2] =	stream.indirect_vreg.scatter [tilespmem:s10], [sflag:$0x1], $0x80, v3, vm0, $0xb8;
	[tilespmem:$0x10100] =	vst v63  }
0xa2: {  	v3 =	vld [tilespmem:$0xA0];
	_ =	sdelay $0x4  }
0xa3: {  	v62 =	vshll.u32 v3, $0x3  }
0xa4: {  	v3 =	vand.u32 $0x7, v3;
	v4 =	vand.u32 $0xFFFFFFC0, v62  }
0xa5: {  	v3 =	vor.u32 v3, v4  }
0xa6: {  	v4 =	vperm.xlane v3, v0;
	_ =	sdelay $0x1  }
0xa7: {  	v4 =	vadd.s32 v1, v4;
	_ =	sdelay $0x4  }
0xa8: {  	[hbm4b:s3+s2] =	stream.indirect_vreg.scatter [tilespmem:s11], [sflag:$0x1], $0x80, v4, vm0, $0xb8;
	[tilespmem:$0x10100] =	vst v63  }
0xa9: {  	v3 =	vperm.xlane v3, v2  }
0xaa: {  	[hbm4b:s4+s2] =	stream.indirect_vreg.scatter [tilespmem:s12], [sflag:$0x1], $0x80, v4, vm0, $0xb8;
	[tilespmem:$0x10100] =	vst v63  }
0xab: {  	v3 =	vadd.s32 v1, v3  }
0xac: {  	[hbm4b:s5+s2] =	stream.indirect_vreg.scatter [tilespmem:s13], [sflag:$0x1], $0x80, v4, vm0, $0xb8;
	[tilespmem:$0x10100] =	vst v63  }
0xad: {  	_ = 	snop  }
0xae: {  	[hbm4b:s6+s2] =	stream.indirect_vreg.scatter [tilespmem:s14], [sflag:$0x1], $0x80, v4, vm0, $0xb8;
	[tilespmem:$0x10100] =	vst v63  }
0xaf: {  	_ = 	snop  }
0xb0: {  	[hbm4b:s3+s2] =	stream.indirect_vreg.scatter [tilespmem:s15], [sflag:$0x1], $0x80, v3, vm0, $0xb8;
	[tilespmem:$0x10100] =	vst v63  }
0xb1: {  	_ = 	snop  }
0xb2: {  	[hbm4b:s4+s2] =	stream.indirect_vreg.scatter [tilespmem:s16], [sflag:$0x1], $0x80, v3, vm0, $0xb8;
	[tilespmem:$0x10100] =	vst v63  }
0xb3: {  	_ = 	snop  }
0xb4: {  	[hbm4b:s5+s2] =	stream.indirect_vreg.scatter [tilespmem:s17], [sflag:$0x1], $0x80, v3, vm0, $0xb8;
	[tilespmem:$0x10100] =	vst v63  }
0xb5: {  	_ = 	snop  }
0xb6: {  	[hbm4b:s6+s2] =	stream.indirect_vreg.scatter [tilespmem:s9], [sflag:$0x1], $0x80, v3, vm0, $0xb8;
	[tilespmem:$0x10100] =	vst v63  }
0xb7: {  	v3 =	vld [tilespmem:$0xB0];
	_ =	sdelay $0x4  }
0xb8: {  	v63 =	vshll.u32 v3, $0x3  }
0xb9: {  	v3 =	vand.u32 $0x7, v3;
	v4 =	vand.u32 $0xFFFFFFC0, v63  }
0xba: {  	v3 =	vor.u32 v3, v4  }
0xbb: {  	v4 =	vperm.xlane v3, v0;
	_ =	sdelay $0x1  }
0xbc: {  	v4 =	vadd.s32 v1, v4;
	_ =	sdelay $0x3  }
0xbd: {  	s20 =	simm.s32 $0xC100  }
0xbe: {  	[hbm4b:s3+s2] =	stream.indirect_vreg.scatter [tilespmem:s20], [sflag:$0x1], $0x80, v4, vm0, $0xb8;
	[tilespmem:$0x10100] =	vst v63  }
0xbf: {  	s9 =	simm.s32 $0xC900;
	v3 =	vperm.xlane v3, v2  }
0xc0: {  	[hbm4b:s4+s2] =	stream.indirect_vreg.scatter [tilespmem:s9], [sflag:$0x1], $0x80, v4, vm0, $0xb8;
	[tilespmem:$0x10100] =	vst v63  }
0xc1: {  	s19 =	simm.s32 $0xD100;
	v3 =	vadd.s32 v1, v3  }
0xc2: {  	[hbm4b:s5+s2] =	stream.indirect_vreg.scatter [tilespmem:s19], [sflag:$0x1], $0x80, v4, vm0, $0xb8;
	[tilespmem:$0x10100] =	vst v63  }
0xc3: {  	s20 =	simm.s32 $0xD900  }
0xc4: {  	[hbm4b:s6+s2] =	stream.indirect_vreg.scatter [tilespmem:s20], [sflag:$0x1], $0x80, v4, vm0, $0xb8;
	[tilespmem:$0x10100] =	vst v63  }
0xc5: {  	s9 =	simm.s32 $0xE100  }
0xc6: {  	[hbm4b:s3+s2] =	stream.indirect_vreg.scatter [tilespmem:s9], [sflag:$0x1], $0x80, v3, vm0, $0xb8;
	[tilespmem:$0x10100] =	vst v63  }
0xc7: {  	s19 =	simm.s32 $0xE900  }
0xc8: {  	[hbm4b:s4+s2] =	stream.indirect_vreg.scatter [tilespmem:s19], [sflag:$0x1], $0x80, v3, vm0, $0xb8;
	[tilespmem:$0x10100] =	vst v63  }
0xc9: {  	p0 =	sne.s32 s7, $0x1;
	s20 =	simm.s32 $0xF100  }
0xca: {  	[hbm4b:s5+s2] =	stream.indirect_vreg.scatter [tilespmem:s20], [sflag:$0x1], $0x80, v3, vm0, $0xb8;
	[tilespmem:$0x10100] =	vst v63  }
.Ltmp0:
0xcb: {  	_ = 	snop;
	(pc) =	sbr.rel @p0 .LBB2_1-.Ltmp0, $4  }
0xcc: {  	[hbm4b:s6+s2] =	stream.indirect_vreg.scatter [tilespmem:s1], [sflag:$0x1], $0x80, v3, vm0, $0xb8;
	[tilespmem:$0x10100] =	vst v63  }
0xcd: {  	_ =	swait.ge [sflag:s18], $0x10000  }
0xce: {  	[sflag:s18] =	ssyncset.done $0x0  }
0xcf: {  	s7 =	sadd.s32 $0xFFFFFFFF, s7;
	[sflag:s18] =	ssyncadd.s32 $0xFFFF0000  }
0xd0: {  	_ =	sfence.sel $0x180000  }
0xd1: {  	[bflag:$0x0] =	sbarrier.arrive $0xFFFF  }
0xd2: {  	_ =	strace $0x90000047  }
0xd3: {  	s0 =	stileid.u32;
	[bflag:$0x2] =	sbarrier.arrive $0xFFFF  }
0xd4: {  	p0 =	sne.s32 s0, $0x0;
	s0 =	rddreg [dreg:$0x3]  }
0xd5: {  	s0 =	sadd.s32 @!p0 $0x100000, s0  }
0xd6: {  	[sflag:s0] =	ssyncadd.tile.s32 @!p0 $0x1;
	_ =	shalt  }
.Lfunc_end2:
_tile_overlayer_lowered:
.L_overlay_start_2:
0xd7: {  	(tag) =	ssettag $0x2  }
0xd8: {  	s0 =	rddreg [dreg:$0x0];
	s2 =	stileid.u32  }
0xd9: {  	s1 =	rddreg [dreg:$0x1];
	p0 =	sne.s32 s2, $0x0  }
0xda: {  	s3 =	rddreg [dreg:$0x2];
	[bflag:$0x3] =	sbarrier.arrive $0xFFFF;
	s2 =	simm.s32 @!p0 $0x1C02  }
0xdb: {  	[timem:s3], [sflag:s2] =	dma.local @!p0 [hbm:s0], s1  }
0xdc: {  	s0 =	simm.s32 @!p0 $0x2  }
0xdd: {  	_ =	swait.ge @!p0 [sflag:s0], s1  }
0xde: {  	s1 =	ssub.s32 @!p0 $0x0, s1;
	[sflag:s0] =	ssyncset.done @!p0 $0x0  }
0xdf: {  	[sflag:s0] =	ssyncadd.s32 @!p0 s1  }
0xe0: {  	[bflag:$0x3] =	sbarrier.arrive $0xFFFF  }
0xe1: {  	_ =	shalt  }

// kernel: kernel.9.cloned.1.call-start
scs
__scs_entry_jumppad:
0x0: {  	(pc) =	sbr.rel $0x88, $3  }
0x1: {  	(tag) =	ssettag $0x0;
	lr =	simm.s32 $0x1  }
0x2: {  	[smem:$0x3F98] =	sst lr;
	_ =	strace $0xD0000000  }
0x3: {  	_ = 	snop  }
0x4: {  	_ = 	snop  }
0x5: {  	_ = 	snop  }
0x6: {  	_ = 	snop  }
0x7: {  	_ = 	snop  }
__scs_overlays_trampoline_lowered:
0x8: {  	[smem:$0x3FA7] =	sst s0  }
0x9: {  	[smem:$0x3FA8] =	sst s1  }
0xa: {  	[smem:$0x3FA9] =	sst s2  }
0xb: {  	[smem:$0x3FAA] =	sst s3  }
0xc: {  	[smem:$0x3FAB] =	sst s4  }
0xd: {  	[smem:$0x3FAC] =	sst s5  }
0xe: {  	[smem:$0x3FAD] =	sst s6  }
0xf: {  	[smem:$0x3FAE] =	sst s7  }
0x10: {  	[smem:$0x3FAF] =	sst s8  }
0x11: {  	[smem:$0x3FB0] =	sst s9;
	s0 =	simm.s32 @!p0 $0x0  }
0x12: {  	s1 =	sld [smem:$0x3F96];
	s0 =	simm.s32 @p0 $0x1  }
0x13: {  	[smem:$0x3FB1] =	sst s0;
	s0 =	simm.s32 @!p1 $0x0  }
0x14: {  	s2 =	sld [smem:$0x3F95];
	s0 =	simm.s32 @p1 $0x1  }
0x15: {  	[smem:$0x3FB2] =	sst s0;
	s0 =	simm.s32 @!p2 $0x0  }
0x16: {  	s3 =	sld [smem:$0x3FDB];
	s0 =	simm.s32 @p2 $0x1  }
0x17: {  	s4 =	simm.s32 $0x1BF5;
	[smem:$0x3FB4] =	sst s0  }
0x18: {  	s0 =	sld [smem:$0x3F97];
	_ =	swait.ge [sflag:s4], $0x0  }
0x19: {  	s7 =	sld [smem:$0x3F98]  }
0x1a: {  	s8 =	sadd.s32 $0xFFFFE003, lr  }
0x1b: {  	s9 =	sadd.s32 $0xFFFFFEF7, lr;
	s5 =	simm.s32 $0xFFFFFFFF;
	p2 =	slt.u32 s8, $0xFFFFF086  }
0x1c: {  	p1 =	slt.u32 s9, $0xF7A;
	s5 =	simm.s32 @!p2 $0x0  }
0x1d: {  	s5 =	simm.s32 @p1 $0x1;
	p0 =	seq.s32 s7, s2  }
0x1e: {  	s7 =	smul.u32 @!p0 $0xF7A, s2;
	p2 =	seq.s32 @!p0 s5, $0x0  }
0x1f: {  	s9 =	smul.u32 $0xF7A, s1;
	s8 =	simm.s32 @!p0 $0x1BF5;
	p2 =	por !p2, p0  }
0x20: {  	[sflag:s8] =	ssyncset.s32 @!p0 $0xFFFFF086;
	s6 =	sadd.s32 @!p0 s3, s7;
	s7 =	simm.s32 @!p0 $0x108  }
0x21: {  	s3 =	sadd.s32 s3, s9;
	s6 =	sadd.s32 @!p0 $0x88, s6;
	s7 =	simm.s32 @p2 $0x1082  }
0x22: {  	[simem:s7], [sflag:s8] =	dma.local @!p0 [hbm:s6], $0xF7A  }
0x23: {  	s9 =	sor.u32 $0xD0000000, s2;
	s6 =	simm.s32 $0x108;
	_ =	swait.ge @!p0 [sflag:s8], $0x0  }
0x24: {  	s3 =	sadd.s32 $0x88, s3;
	s6 =	simm.s32 @!p1 $0x1082;
	[sflag:s4] =	ssyncset.s32 $0xFFFFF086  }
0x25: {  	[simem:s6], [sflag:s4] =	dma.local [hbm:s3], $0xF7A  }
0x26: {  	[smem:$0x3F98] =	sst s1;
	(tag) =	ssettag s2;
	_ =	strace s9  }
0x27: {  	s1 =	sld [smem:$0x3FA8]  }
0x28: {  	s2 =	sld [smem:$0x3FA9]  }
0x29: {  	s4 =	sld [smem:$0x3FAB]  }
0x2a: {  	p0 =	seq.s32 s5, $0x0;
	s5 =	sld [smem:$0x3FAC]  }
0x2b: {  	s6 =	sld [smem:$0x3FAD]  }
0x2c: {  	s7 =	sld [smem:$0x3FAE]  }
0x2d: {  	s3 =	simm.s32 $0x108;
	s8 =	sld [smem:$0x3FAF]  }
0x2e: {  	s3 =	simm.s32 @!p0 $0x1082;
	s9 =	sld [smem:$0x3FB0]  }
0x2f: {  	lr =	sadd.s32 s0, s3;
	s0 =	sld [smem:$0x3FA7]  }
0x30: {  	s3 =	sld [smem:$0x3FAA]  }
0x31: {  	[smem:$0x3FB3] =	sst s10  }
0x32: {  	s10 =	sld [smem:$0x3FB1];
	_ =	sdelay $0x3  }
0x33: {  	p0 =	seq.s32 s10, $0x1;
	s10 =	sld [smem:$0x3FB3];
	_ =	sdelay $0x3  }
0x34: {  	[smem:$0x3FB3] =	sst s10  }
0x35: {  	s10 =	sld [smem:$0x3FB2];
	_ =	sdelay $0x3  }
0x36: {  	p1 =	seq.s32 s10, $0x1;
	s10 =	sld [smem:$0x3FB3];
	_ =	sdelay $0x3  }
0x37: {  	[smem:$0x3FB3] =	sst s10  }
0x38: {  	s10 =	sld [smem:$0x3FB4]  }
0x39: {  	_ = 	snop;
	(pc) =	sbr.ind lr, $3  }
0x3a: {  	_ = 	snop  }
0x3b: {  	_ = 	snop  }
0x3c: {  	p2 =	seq.s32 s10, $0x1;
	s10 =	sld [smem:$0x3FB3]  }
0x3d: {  	_ =	shalt  }
0x3e: {  	_ =	shalt  }
0x3f: {  	_ =	shalt  }
0x40: {  	_ =	shalt  }
0x41: {  	_ =	shalt  }
0x42: {  	_ =	shalt  }
0x43: {  	_ =	shalt  }
0x44: {  	_ =	shalt  }
0x45: {  	_ =	shalt  }
0x46: {  	_ =	shalt  }
0x47: {  	_ =	shalt  }
0x48: {  	_ =	shalt  }
0x49: {  	_ =	shalt  }
0x4a: {  	_ =	shalt  }
0x4b: {  	_ =	shalt  }
0x4c: {  	_ =	shalt  }
0x4d: {  	_ =	shalt  }
0x4e: {  	_ =	shalt  }
0x4f: {  	_ =	shalt  }
0x50: {  	_ =	shalt  }
0x51: {  	_ =	shalt  }
0x52: {  	_ =	shalt  }
0x53: {  	_ =	shalt  }
0x54: {  	_ =	shalt  }
0x55: {  	_ =	shalt  }
0x56: {  	_ =	shalt  }
0x57: {  	_ =	shalt  }
0x58: {  	_ =	shalt  }
0x59: {  	_ =	shalt  }
0x5a: {  	_ =	shalt  }
0x5b: {  	_ =	shalt  }
0x5c: {  	_ =	shalt  }
0x5d: {  	_ =	shalt  }
0x5e: {  	_ =	shalt  }
0x5f: {  	_ =	shalt  }
0x60: {  	_ =	shalt  }
0x61: {  	_ =	shalt  }
0x62: {  	_ =	shalt  }
0x63: {  	_ =	shalt  }
0x64: {  	_ =	shalt  }
0x65: {  	_ =	shalt  }
0x66: {  	_ =	shalt  }
0x67: {  	_ =	shalt  }
0x68: {  	_ =	shalt  }
0x69: {  	_ =	shalt  }
0x6a: {  	_ =	shalt  }
0x6b: {  	_ =	shalt  }
0x6c: {  	_ =	shalt  }
0x6d: {  	_ =	shalt  }
0x6e: {  	_ =	shalt  }
0x6f: {  	_ =	shalt  }
0x70: {  	_ =	shalt  }
0x71: {  	_ =	shalt  }
0x72: {  	_ =	shalt  }
0x73: {  	_ =	shalt  }
0x74: {  	_ =	shalt  }
0x75: {  	_ =	shalt  }
0x76: {  	_ =	shalt  }
0x77: {  	_ =	shalt  }
0x78: {  	_ =	shalt  }
0x79: {  	_ =	shalt  }
0x7a: {  	_ =	shalt  }
0x7b: {  	_ =	shalt  }
0x7c: {  	_ =	shalt  }
0x7d: {  	_ =	shalt  }
0x7e: {  	_ =	shalt  }
0x7f: {  	_ =	shalt  }
0x80: {  	_ =	shalt  }
0x81: {  	_ =	shalt  }
0x82: {  	_ =	shalt  }
0x83: {  	_ =	shalt  }
0x84: {  	_ =	shalt  }
0x85: {  	_ =	shalt  }
0x86: {  	_ =	shalt  }
0x87: {  	_ =	shalt  }
.Lfunc_end0:
.L_simem_size_0:
called_computation.1_lowered:
.L_overlay_start_0:
0x88: {  	s2 =	sld [smem:$0x3FD9]  }
0x89: {  	s3 =	sld [smem:$0x3FFE];
	_ =	sdelay $0x1  }
0x8a: {  	s1 =	srdreg.scid  }
0x8b: {  	s0 =	sand.u32 $0x1, s1  }
0x8c: {  	s17 =	sshll.u32 s0, $0xA;
	s2 =	sadd.s32 s3, s2  }
0x8d: {  	s2 =	sadd.s32 s2, s17  }
0x8e: {  	[smem:$0x3FBF] =	sst s2  }
0x8f: {  	_ = 	snop  }
0x90: {  	s2 =	sld [smem:$0x3FD0];
	(tm) =	ssettm $0x1  }
0x91: {  	s18 =	sld [smem:$0x3FFB];
	_ =	sdelay $0x3  }
0x92: {  	_ =	strace s18  }
0x93: {  	s3 =	sld [smem:$0x3FFC];
	_ =	sdelay $0x3  }
0x94: {  	_ =	strace s3  }
0x95: {  	s3 =	sld [smem:$0x3FFD];
	_ =	sdelay $0x3  }
0x96: {  	_ =	strace s3  }
0x97: {  	_ =	strace $0x8FFFFFFF  }
0x98: {  	s19 =	sld [smem:$0x3FDB];
	_ =	sdelay $0x1  }
0x99: {  	s4 =	simm.s32 $_scs_section_size  }
0x9a: {  	s5 =	simm.s32 $_size__tile_overlayer_lowered;
	s6 =	simm.s32 $_tile_overlayer_lowered  }
0x9b: {  	s22 =	simm.s32 $0x1BFF;
	s21 =	sshll.u32 s6, $0x1;
	s3 =	sadd.s32 s4, s19  }
0x9c: {  	s7 =	simm.s32 $0x0;
	s20 =	sshll.u32 s5, $0x1;
	s5 =	sadd.s32 s21, s3  }
0x9d: {  	[timem:s7], [sflag:s22] =	dma.local [hbm:s5], s20  }
0x9e: {  	_ =	swait.ge [sflag:s22], s20  }
0x9f: {  	s4 =	ssub.s32 $0x0, s20;
	[sflag:s22] =	ssyncset.done $0x0  }
0xa0: {  	[sflag:s22] =	ssyncadd.s32 s4;
	_ =	sdelay $0x1  }
0xa1: {  	s23 =	simm.s32 $0x1B8B  }
0xa2: {  	_ =	swait.ge [sflag:s23], $0x1  }
0xa3: {  	[sflag:s23] =	ssyncset.done $0x0  }
0xa4: {  	s25 =	simm.s32 $0x1B8E;
	s24 =	sld [smem:$0x3FFE];
	[sflag:s23] =	ssyncadd.s32 $0xFFFFFFFF  }
0xa5: {  	s26 =	simm.s32 $execute0_lowered;
	[smem:$0x3FD2] =	sst s25  }
0xa6: {  	s5 =	sshll.u32 s26, $0x1;
	_ =	strace $0x80000049;
	[dreg:$0x1] =	wrdreg $0xFFFFFFFF  }
0xa7: {  	s28 =	simm.s32 $_size_execute0_lowered;
	s3 =	sadd.s32 s3, s5;
	[dreg:$0x0] =	wrdreg $0x0  }
0xa8: {  	s5 =	sshll.u32 s28, $0x1;
	[dreg:$0x2] =	wrdreg s3  }
0xa9: {  	[dreg:$0x3] =	wrdreg s5  }
0xaa: {  	[dreg:$0x4] =	wrdreg $0xC0  }
0xab: {  	_ =	task [dreg:s7], $0x5FFFF  }
0xac: {  	[dreg:$0x1] =	wrdreg $0xFFFFFFFF  }
0xad: {  	[dreg:$0x0] =	wrdreg $0x60  }
0xae: {  	[dreg:$0x2] =	wrdreg s24  }
0xaf: {  	[dreg:$0x3] =	wrdreg s2  }
0xb0: {  	[dreg:$0x4] =	wrdreg $0x9  }
0xb1: {  	_ =	task.clear_ibuf [dreg:s7], $0x5FFFF;
	_ =	strace $0x90000049  }
0xb2: {  	s29 =	simm.s32 $0x9;
	_ =	strace $0x8000004B  }
0xb3: {  	_ =	swait.ge [sflag:s29], $0x1  }
0xb4: {  	[sflag:s29] =	ssyncadd.s32 $0xFFFFFFFF  }
0xb5: {  	_ =	strace $0x9000004B  }
0xb6: {  	_ =	sfence  }
0xb7: {  	s30 =	sld [smem:$0x0];
	_ =	sdelay $0x2  }
0xb8: {  	s31 =	sshll.u32 s1, $0xD;
	s1 =	sshrl.u32 s1, $0x2  }
0xb9: {  	s3 =	sand.u32 $0x4000, s31;
	s1 =	sadd.s32 s1, s30  }
0xba: {  	s0 =	sor.u32 s3, s0;
	s1 =	sshll.u32 s1, $0x11  }
0xbb: {  	s0 =	sor.u32 s1, s0  }
0xbc: {  	s0 =	sadd.s32 $0x8F2B, s0  }
0xbd: {  	[sflag:s0] =	ssyncadd.remote.s32 $0x1  }
0xbe: {  	_ =	sfence.sel $0xFFFF  }
0xbf: {  	[dreg:$0x0] =	wrdreg $0xFFFFFFFF;
	(pc) =	sbr.abs _section_cstart, $3  }
0xc0: {  	[dreg:$0x1] =	wrdreg $0xFFFFFFFF  }
0xc1: {  	_ =	task.clear_ibuf [dreg:s7], $0x2FFFF;
	_ =	strace $0x9FFFFFFF  }
0xc2: {  	(tm) =	ssettm $0x7FFFFFFF  }
0xc3: {  	_ =	shalt  }
tec
execute0_lowered:
.L_overlay_start_1:
0x0: {  	(tag) =	ssettag $0x1  }
0x1: {  	s4 =	rddreg [dreg:$0x0]  }
0x2: {  	s5 =	rddreg [dreg:$0x1]  }
0x3: {  	s0 =	rddreg [dreg:$0x2]  }
0x4: {  	s3 =	srdreg.scid;
	s2 =	simm.s32 $0x0;
	s1 =	stileid.u32  }
0x5: {  	s11 =	simm.s32 $0x100;
	s12 =	simm.s32 $0x40;
	s13 =	simm.s32 $0x2100  }
0x6: {  	s14 =	simm.s32 $0x1;
	s15 =	simm.s32 $0x4100;
	s16 =	simm.s32 $0x6100  }
0x7: {  	s6 =	sand.u32 $0x1, s3;
	[smem:$0x7FF] =	sst s2;
	s31 =	sshll.u32 s1, $0x7  }
0x8: {  	s3 =	sadd.s32 $0xA200, s4;
	s7 =	sshll.u32 s6, $0x6;
	s6 =	ssub.s32 $0x2, s6  }
0x9: {  	_ =	strace $0x8000004A;
	s7 =	sor.u32 s7, s31;
	s10 =	sshrl.u32 s6, $0x1  }
0xa: {  	s8 =	sshrl.u32 s7, $0x3;
	s7 =	sshll.u32 s7, $0x4;
	s10 =	ssub.s32 s6, s10  }
0xb: {  	s9 =	sadd.s32 s8, s4;
	s7 =	sadd.s32 s7, s4;
	s4 =	sadd.s32 s5, s8  }
0xc: {  	s8 =	smax.u32 s10, $0x1;
	s10 =	simm.s32 $0x80;
	s5 =	sadd.s32 $0x2000, s9  }
0xd: {  	s6 =	sadd.s32 $0x2200, s7;
	s7 =	sadd.s32 $0x1E200, s7;
	s9 =	simm.s32 $0x2  }
.LBB2_1:
0xe: {  	[tilespmem:s2], [sflag:$0x2] =	stream.linear.gather [hbm4b:s4+s2], $0x40, $0x38;
	[tilespmem:$0x8100] =	vst v63  }
0xf: {  	_ =	swait.ge [sflag:s9], $0x40  }
0x10: {  	[sflag:s9] =	ssyncset.done $0x0  }
0x11: {  	[sflag:s9] =	ssyncadd.s32 $0xFFFFFFC0  }
0x12: {  	[tilespmem:s10], [sflag:$0x2] =	stream.linear.gather [hbm4b:s5+s2], $0x40, $0x38;
	[tilespmem:$0x8100] =	vst v63  }
0x13: {  	_ =	swait.ge [sflag:s9], $0x40  }
0x14: {  	[sflag:s9] =	ssyncset.done $0x0  }
0x15: {  	[sflag:s9] =	ssyncadd.s32 $0xFFFFFFC0  }
0x16: {  	[tilespmem:s11], [sflag:$0x2] =	stream.linear.gather [hbm4b:s6+s2], $0x2000, $0x38;
	[tilespmem:$0x8100] =	vst v63  }
0x17: {  	_ =	swait.ge [sflag:s9], $0x2000  }
0x18: {  	[sflag:s9] =	ssyncset.done $0x0  }
0x19: {  	[sflag:s9] =	ssyncadd.s32 $0xFFFFE000  }
0x1a: {  	[tilespmem:s13], [sflag:$0x1] =	stream.indirect.gather [hbm4b:s3+s12], $0x80, s2, s12, $0xb8;
	[tilespmem:$0x8100] =	vst v63  }
0x1b: {  	_ =	swait.ge [sflag:s14], $0x2000  }
0x1c: {  	[sflag:s14] =	ssyncset.done $0x0  }
0x1d: {  	[sflag:s14] =	ssyncadd.s32 $0xFFFFE000  }
0x1e: {  	[tilespmem:s15], [sflag:$0x1] =	stream.indirect.gather [hbm4b:s3+s12], $0x80, s10, s12, $0xb8;
	[tilespmem:$0x8100] =	vst v63  }
0x1f: {  	_ =	swait.ge [sflag:s14], $0x2000  }
0x20: {  	[sflag:s14] =	ssyncset.done $0x0  }
0x21: {  	[sflag:s14] =	ssyncadd.s32 $0xFFFFE000  }
0x22: {  	v60 =	vld [tilespmem:$0x900];
	_ =	sdelay $0x4  }
0x23: {  	[tilespmem:$0x1F750] =	vst v60;
	v60 =	vld [tilespmem:$0x2900];
	_ =	sdelay $0x4  }
0x24: {  	[tilespmem:$0x1F760] =	vst v60;
	v60 =	vld [tilespmem:$0x910];
	_ =	sdelay $0x4  }
0x25: {  	[tilespmem:$0x1F770] =	vst v60;
	v60 =	vld [tilespmem:$0x980]  }
0x26: {  	v20 =	vld [tilespmem:$0x100]  }
0x27: {  	v16 =	vld [tilespmem:$0x2100]  }
0x28: {  	v17 =	vld [tilespmem:$0x110]  }
0x29: {  	v8 =	vld [tilespmem:$0x4100]  }
0x2a: {  	[tilespmem:$0x1F780] =	vst v60;
	v60 =	vld [tilespmem:$0x2980]  }
0x2b: {  	v18 =	vld [tilespmem:$0x180]  }
0x2c: {  	v9 =	vld [tilespmem:$0x2180]  }
0x2d: {  	v10 =	vld [tilespmem:$0x190]  }
0x2e: {  	v0 =	vld [tilespmem:$0x4180]  }
0x2f: {  	[tilespmem:$0x1F790] =	vst v60;
	v60 =	vld [tilespmem:$0x990]  }
0x30: {  	v11 =	vld [tilespmem:$0x200]  }
0x31: {  	v3 =	vld [tilespmem:$0x2200]  }
0x32: {  	v4 =	vld [tilespmem:$0x210]  }
0x33: {  	v1 =	vld [tilespmem:$0x4200]  }
0x34: {  	[tilespmem:$0x1F7A0] =	vst v60;
	v60 =	vld [tilespmem:$0x4980]  }
0x35: {  	v12 =	vld [tilespmem:$0x280]  }
0x36: {  	v5 =	vld [tilespmem:$0x2280]  }
0x37: {  	v6 =	vld [tilespmem:$0x290]  }
0x38: {  	v2 =	vld [tilespmem:$0x4280]  }
0x39: {  	[tilespmem:$0x1F7B0] =	vst v60;
	v60 =	vld [tilespmem:$0xA00]  }
0x3a: {  	v21 =	vld [tilespmem:$0x300]  }
0x3b: {  	v13 =	vld [tilespmem:$0x2300]  }
0x3c: {  	v14 =	vld [tilespmem:$0x310]  }
0x3d: {  	v7 =	vld [tilespmem:$0x4300]  }
0x3e: {  	[tilespmem:$0x1F7C0] =	vst v60;
	v60 =	vld [tilespmem:$0x2A00]  }
0x3f: {  	v24 =	vld [tilespmem:$0x380]  }
0x40: {  	v22 =	vld [tilespmem:$0x2380]  }
0x41: {  	v23 =	vld [tilespmem:$0x390]  }
0x42: {  	v15 =	vld [tilespmem:$0x4380]  }
0x43: {  	[tilespmem:$0x1F7D0] =	vst v60;
	v60 =	vld [tilespmem:$0xA10]  }
0x44: {  	v28 =	vld [tilespmem:$0x400]  }
0x45: {  	v25 =	vld [tilespmem:$0x2400]  }
0x46: {  	v26 =	vld [tilespmem:$0x410]  }
0x47: {  	v19 =	vld [tilespmem:$0x4400]  }
0x48: {  	[tilespmem:$0x1F7E0] =	vst v60;
	v60 =	vld [tilespmem:$0x4A00]  }
0x49: {  	v32 =	vld [tilespmem:$0x480]  }
0x4a: {  	v29 =	vld [tilespmem:$0x2480]  }
0x4b: {  	v30 =	vld [tilespmem:$0x490]  }
0x4c: {  	v27 =	vld [tilespmem:$0x4480]  }
0x4d: {  	[tilespmem:$0x1F7F0] =	vst v60;
	v60 =	vld [tilespmem:$0xA80]  }
0x4e: {  	v44 =	vld [tilespmem:$0x500]  }
0x4f: {  	v33 =	vld [tilespmem:$0x2500]  }
0x50: {  	v34 =	vld [tilespmem:$0x510]  }
0x51: {  	v31 =	vld [tilespmem:$0x4500]  }
0x52: {  	[tilespmem:$0x1F800] =	vst v60;
	v60 =	vld [tilespmem:$0x2A80]  }
0x53: {  	v40 =	vld [tilespmem:$0x580]  }
0x54: {  	v36 =	vld [tilespmem:$0x2580]  }
0x55: {  	v37 =	vld [tilespmem:$0x590]  }
0x56: {  	v35 =	vld [tilespmem:$0x4580]  }
0x57: {  	[tilespmem:$0x1F810] =	vst v60;
	v60 =	vld [tilespmem:$0xA90]  }
0x58: {  	v46 =	vld [tilespmem:$0x600]  }
0x59: {  	v41 =	vld [tilespmem:$0x2600]  }
0x5a: {  	v42 =	vld [tilespmem:$0x610]  }
0x5b: {  	v38 =	vld [tilespmem:$0x4600]  }
0x5c: {  	[tilespmem:$0x1F820] =	vst v60;
	v60 =	vld [tilespmem:$0x4A80]  }
0x5d: {  	v51 =	vld [tilespmem:$0x680]  }
0x5e: {  	v45 =	vld [tilespmem:$0x2680]  }
0x5f: {  	v47 =	vld [tilespmem:$0x690]  }
0x60: {  	v39 =	vld [tilespmem:$0x4680]  }
0x61: {  	[tilespmem:$0x1F830] =	vst v60;
	v60 =	vld [tilespmem:$0xB00]  }
0x62: {  	v54 =	vld [tilespmem:$0x700]  }
0x63: {  	v48 =	vld [tilespmem:$0x2700]  }
0x64: {  	v49 =	vld [tilespmem:$0x710]  }
0x65: {  	v43 =	vld [tilespmem:$0x4700]  }
0x66: {  	[tilespmem:$0x1F840] =	vst v60;
	v60 =	vld [tilespmem:$0x2B00]  }
0x67: {  	v58 =	vld [tilespmem:$0x780]  }
0x68: {  	v55 =	vld [tilespmem:$0x2780]  }
0x69: {  	v52 =	vld [tilespmem:$0x790]  }
0x6a: {  	v50 =	vld [tilespmem:$0x4780]  }
0x6b: {  	[tilespmem:$0x1F850] =	vst v60;
	v60 =	vld [tilespmem:$0xB10]  }
0x6c: {  	v62 =	vld [tilespmem:$0x800]  }
0x6d: {  	v59 =	vld [tilespmem:$0x2800]  }
0x6e: {  	v57 =	vld [tilespmem:$0x880]  }
0x6f: {  	v61 =	vld [tilespmem:$0x890]  }
0x70: {  	[tilespmem:$0x1F860] =	vst v60;
	v60 =	vld [tilespmem:$0x4B00]  }
0x71: {  	v56 =	vld [tilespmem:$0x810]  }
0x72: {  	v53 =	vld [tilespmem:$0x4800]  }
0x73: {  	v63 =	vld [tilespmem:$0x2880];
	[tilespmem:$0x1F730] =	vst v57  }
0x74: {  	[tilespmem:$0x1F740] =	vst v61;
	v57 =	vld [tilespmem:$0x4880]  }
0x75: {  	v61 =	vld [tilespmem:$0x4900];
	[tilespmem:$0x1F870] =	vst v60  }
0x76: {  	v60 =	vld [tilespmem:$0xB80];
	_ =	sdelay $0x4  }
0x77: {  	[tilespmem:$0x1F880] =	vst v60;
	v60 =	vld [tilespmem:$0x2B80];
	_ =	sdelay $0x4  }
0x78: {  	[tilespmem:$0x1F890] =	vst v60;
	v60 =	vld [tilespmem:$0xB90];
	_ =	sdelay $0x4  }
0x79: {  	[tilespmem:$0x1F8A0] =	vst v60;
	v60 =	vld [tilespmem:$0x4B80];
	_ =	sdelay $0x4  }
0x7a: {  	[tilespmem:$0x1F8B0] =	vst v60;
	v60 =	vld [tilespmem:$0xC00];
	_ =	sdelay $0x4  }
0x7b: {  	[tilespmem:$0x1F8C0] =	vst v60;
	v60 =	vld [tilespmem:$0x2C00];
	_ =	sdelay $0x4  }
0x7c: {  	[tilespmem:$0x1F8D0] =	vst v60;
	v60 =	vld [tilespmem:$0xC10];
	_ =	sdelay $0x4  }
0x7d: {  	[tilespmem:$0x1F8E0] =	vst v60;
	v60 =	vld [tilespmem:$0x4C00];
	_ =	sdelay $0x4  }
0x7e: {  	[tilespmem:$0x1F8F0] =	vst v60;
	v60 =	vld [tilespmem:$0xC80];
	_ =	sdelay $0x4  }
0x7f: {  	[tilespmem:$0x1F900] =	vst v60;
	v60 =	vld [tilespmem:$0x2C80];
	_ =	sdelay $0x4  }
0x80: {  	[tilespmem:$0x1F910] =	vst v60;
	v60 =	vld [tilespmem:$0xC90];
	_ =	sdelay $0x4  }
0x81: {  	[tilespmem:$0x1F920] =	vst v60;
	v60 =	vld [tilespmem:$0x4C80];
	_ =	sdelay $0x4  }
0x82: {  	[tilespmem:$0x1F930] =	vst v60;
	v60 =	vld [tilespmem:$0xD00];
	_ =	sdelay $0x4  }
0x83: {  	[tilespmem:$0x1F940] =	vst v60;
	v60 =	vld [tilespmem:$0x2D00];
	_ =	sdelay $0x4  }
0x84: {  	[tilespmem:$0x1F950] =	vst v60;
	v60 =	vld [tilespmem:$0xD10];
	_ =	sdelay $0x4  }
0x85: {  	[tilespmem:$0x1F960] =	vst v60;
	v60 =	vld [tilespmem:$0x4D00];
	_ =	sdelay $0x4  }
0x86: {  	[tilespmem:$0x1F970] =	vst v60;
	v60 =	vld [tilespmem:$0xD80];
	_ =	sdelay $0x4  }
0x87: {  	[tilespmem:$0x1F980] =	vst v60;
	v60 =	vld [tilespmem:$0x2D80];
	_ =	sdelay $0x4  }
0x88: {  	[tilespmem:$0x1F990] =	vst v60;
	v60 =	vld [tilespmem:$0xD90];
	_ =	sdelay $0x4  }
0x89: {  	[tilespmem:$0x1F9A0] =	vst v60;
	v60 =	vld [tilespmem:$0x4D80];
	_ =	sdelay $0x4  }
0x8a: {  	[tilespmem:$0x1F9B0] =	vst v60;
	v60 =	vld [tilespmem:$0xE00];
	_ =	sdelay $0x4  }
0x8b: {  	[tilespmem:$0x1F9C0] =	vst v60;
	v60 =	vld [tilespmem:$0x2E00];
	_ =	sdelay $0x4  }
0x8c: {  	[tilespmem:$0x1F9D0] =	vst v60;
	v60 =	vld [tilespmem:$0xE10];
	_ =	sdelay $0x4  }
0x8d: {  	[tilespmem:$0x1F9E0] =	vst v60;
	v60 =	vld [tilespmem:$0x4E00];
	_ =	sdelay $0x4  }
0x8e: {  	[tilespmem:$0x1F9F0] =	vst v60;
	v60 =	vld [tilespmem:$0xE80];
	_ =	sdelay $0x4  }
0x8f: {  	[tilespmem:$0x1FA00] =	vst v60;
	v60 =	vld [tilespmem:$0x2E80];
	_ =	sdelay $0x4  }
0x90: {  	[tilespmem:$0x1FA10] =	vst v60;
	v60 =	vld [tilespmem:$0xE90];
	_ =	sdelay $0x4  }
0x91: {  	[tilespmem:$0x1FA20] =	vst v60;
	v60 =	vld [tilespmem:$0x4E80];
	_ =	sdelay $0x4  }
0x92: {  	[tilespmem:$0x1FA30] =	vst v60;
	v60 =	vld [tilespmem:$0xF00];
	_ =	sdelay $0x4  }
0x93: {  	[tilespmem:$0x1FA40] =	vst v60;
	v60 =	vld [tilespmem:$0x2F00];
	_ =	sdelay $0x4  }
0x94: {  	[tilespmem:$0x1FA50] =	vst v60;
	v60 =	vld [tilespmem:$0xF10];
	_ =	sdelay $0x4  }
0x95: {  	[tilespmem:$0x1FA60] =	vst v60;
	v60 =	vld [tilespmem:$0x4F00];
	_ =	sdelay $0x4  }
0x96: {  	[tilespmem:$0x1FA70] =	vst v60;
	v60 =	vld [tilespmem:$0xF80];
	_ =	sdelay $0x4  }
0x97: {  	[tilespmem:$0x1FA80] =	vst v60;
	v60 =	vld [tilespmem:$0x2F80];
	_ =	sdelay $0x4  }
0x98: {  	[tilespmem:$0x1FA90] =	vst v60;
	v60 =	vld [tilespmem:$0xF90];
	_ =	sdelay $0x4  }
0x99: {  	[tilespmem:$0x1FAA0] =	vst v60;
	v60 =	vld [tilespmem:$0x4F80];
	_ =	sdelay $0x4  }
0x9a: {  	[tilespmem:$0x1FAB0] =	vst v60;
	v60 =	vld [tilespmem:$0x1000];
	_ =	sdelay $0x4  }
0x9b: {  	[tilespmem:$0x1FAC0] =	vst v60;
	v60 =	vld [tilespmem:$0x3000];
	_ =	sdelay $0x4  }
0x9c: {  	[tilespmem:$0x1FAD0] =	vst v60;
	v60 =	vld [tilespmem:$0x1010];
	_ =	sdelay $0x4  }
0x9d: {  	[tilespmem:$0x1FAE0] =	vst v60;
	v60 =	vld [tilespmem:$0x5000];
	_ =	sdelay $0x4  }
0x9e: {  	[tilespmem:$0x1FAF0] =	vst v60;
	v60 =	vld [tilespmem:$0x1080];
	_ =	sdelay $0x4  }
0x9f: {  	[tilespmem:$0x1FB00] =	vst v60;
	v60 =	vld [tilespmem:$0x3080];
	_ =	sdelay $0x4  }
0xa0: {  	[tilespmem:$0x1FB10] =	vst v60;
	v60 =	vld [tilespmem:$0x1090];
	_ =	sdelay $0x4  }
0xa1: {  	[tilespmem:$0x1FB20] =	vst v60;
	v60 =	vld [tilespmem:$0x5080];
	_ =	sdelay $0x4  }
0xa2: {  	[tilespmem:$0x1FB30] =	vst v60;
	v60 =	vld [tilespmem:$0x1100];
	_ =	sdelay $0x4  }
0xa3: {  	[tilespmem:$0x1FB40] =	vst v60;
	v60 =	vld [tilespmem:$0x3100];
	_ =	sdelay $0x4  }
0xa4: {  	[tilespmem:$0x1FB50] =	vst v60;
	v60 =	vld [tilespmem:$0x1110];
	_ =	sdelay $0x4  }
0xa5: {  	[tilespmem:$0x1FB60] =	vst v60;
	v60 =	vld [tilespmem:$0x5100];
	_ =	sdelay $0x4  }
0xa6: {  	[tilespmem:$0x1FB70] =	vst v60;
	v60 =	vld [tilespmem:$0x1180];
	_ =	sdelay $0x4  }
0xa7: {  	[tilespmem:$0x1FB80] =	vst v60;
	v60 =	vld [tilespmem:$0x3180];
	_ =	sdelay $0x4  }
0xa8: {  	[tilespmem:$0x1FB90] =	vst v60;
	v60 =	vld [tilespmem:$0x1190];
	_ =	sdelay $0x4  }
0xa9: {  	[tilespmem:$0x1FBA0] =	vst v60;
	v60 =	vld [tilespmem:$0x5180];
	_ =	sdelay $0x4  }
0xaa: {  	[tilespmem:$0x1FBB0] =	vst v60;
	v60 =	vld [tilespmem:$0x1200];
	_ =	sdelay $0x4  }
0xab: {  	[tilespmem:$0x1FBC0] =	vst v60;
	v60 =	vld [tilespmem:$0x3200];
	_ =	sdelay $0x4  }
0xac: {  	[tilespmem:$0x1FBD0] =	vst v60;
	v60 =	vld [tilespmem:$0x1210];
	_ =	sdelay $0x4  }
0xad: {  	[tilespmem:$0x1FBE0] =	vst v60;
	v60 =	vld [tilespmem:$0x5200];
	_ =	sdelay $0x4  }
0xae: {  	[tilespmem:$0x1FBF0] =	vst v60;
	v60 =	vld [tilespmem:$0x1280];
	_ =	sdelay $0x4  }
0xaf: {  	[tilespmem:$0x1FC00] =	vst v60;
	v60 =	vld [tilespmem:$0x3280];
	_ =	sdelay $0x4  }
0xb0: {  	[tilespmem:$0x1FC10] =	vst v60;
	v60 =	vld [tilespmem:$0x1290];
	_ =	sdelay $0x4  }
0xb1: {  	[tilespmem:$0x1FC20] =	vst v60;
	v60 =	vld [tilespmem:$0x5280];
	_ =	sdelay $0x4  }
0xb2: {  	[tilespmem:$0x1FC30] =	vst v60;
	v60 =	vld [tilespmem:$0x1300];
	_ =	sdelay $0x4  }
0xb3: {  	[tilespmem:$0x1FC40] =	vst v60;
	v60 =	vld [tilespmem:$0x3300];
	_ =	sdelay $0x4  }
0xb4: {  	[tilespmem:$0x1FC50] =	vst v60;
	v60 =	vld [tilespmem:$0x1310];
	_ =	sdelay $0x4  }
0xb5: {  	[tilespmem:$0x1FC60] =	vst v60;
	v60 =	vld [tilespmem:$0x5300];
	_ =	sdelay $0x4  }
0xb6: {  	[tilespmem:$0x1FC70] =	vst v60;
	v60 =	vld [tilespmem:$0x1380];
	_ =	sdelay $0x4  }
0xb7: {  	[tilespmem:$0x1FC80] =	vst v60;
	v60 =	vld [tilespmem:$0x3380];
	_ =	sdelay $0x4  }
0xb8: {  	[tilespmem:$0x1FC90] =	vst v60;
	v60 =	vld [tilespmem:$0x1390]  }
0xb9: {  	v9 =	vmul.f32 v9, v18;
	v18 =	vld [tilespmem:$0x1990]  }
0xba: {  	v16 =	vmul.f32 v16, v20;
	v0 =	vmul.f32 v0, v10;
	v20 =	vld [tilespmem:$0x5980]  }
0xbb: {  	v3 =	vmul.f32 v3, v11;
	v10 =	vmul.f32 v5, v12;
	v11 =	vld [tilespmem:$0x1A00]  }
0xbc: {  	v12 =	vmul.f32 v13, v21;
	v13 =	vmul.f32 v7, v14;
	v14 =	vld [tilespmem:$0x3A00]  }
0xbd: {  	v8 =	vmul.f32 v8, v17;
	v1 =	vmul.f32 v1, v4;
	[tilespmem:$0x1FCA0] =	vst v60;
	v60 =	vld [tilespmem:$0x5380]  }
0xbe: {  	v2 =	vmul.f32 v2, v6;
	v17 =	vmul.f32 v22, v24;
	v0 =	vadd.f32 v0, v9;
	v24 =	vld [tilespmem:$0x5A00]  }
0xbf: {  	v36 =	vmul.f32 v36, v40;
	v40 =	vmul.f32 v35, v37;
	v1 =	vadd.f32 v1, v3;
	v4 =	vld [tilespmem:$0x5A80]  }
0xc0: {  	v8 =	vadd.f32 v8, v16;
	[tilespmem:$0x6180] =	vst v0;
	v0 =	vld [tilespmem:$0x1B00]  }
0xc1: {  	v16 =	vadd.f32 v2, v10;
	v2 =	vadd.f32 v40, v36;
	[tilespmem:$0x6200] =	vst v1;
	v1 =	vld [tilespmem:$0x3B00]  }
0xc2: {  	v21 =	vadd.f32 v13, v12;
	v12 =	vmul.f32 v45, v51;
	v13 =	vmul.f32 v39, v47;
	[tilespmem:$0x1FCB0] =	vst v60;
	v60 =	vld [tilespmem:$0x1400]  }
0xc3: {  	[tilespmem:$0x6580] =	vst v2;
	v2 =	vld [tilespmem:$0x1B10]  }
0xc4: {  	v6 =	vadd.f32 v13, v12;
	v5 =	vld [tilespmem:$0x1B80]  }
0xc5: {  	v22 =	vmul.f32 v25, v28;
	v28 =	vmul.f32 v27, v30;
	v27 =	vld [tilespmem:$0x1F760]  }
0xc6: {  	[tilespmem:$0x6680] =	vst v6;
	v6 =	vld [tilespmem:$0x3B80]  }
0xc7: {  	[tilespmem:$0x1FCC0] =	vst v60;
	v60 =	vld [tilespmem:$0x3400]  }
0xc8: {  	v35 =	vld [tilespmem:$0x1F7D0]  }
0xc9: {  	v36 =	vld [tilespmem:$0x1F7E0]  }
0xca: {  	v37 =	vld [tilespmem:$0x1F7F0]  }
0xcb: {  	v39 =	vld [tilespmem:$0x1F810]  }
0xcc: {  	[tilespmem:$0x1FCD0] =	vst v60;
	v60 =	vld [tilespmem:$0x1410]  }
0xcd: {  	v40 =	vld [tilespmem:$0x1F820]  }
0xce: {  	v10 =	vmul.f32 v41, v46;
	v41 =	vld [tilespmem:$0x1F830]  }
0xcf: {  	v46 =	vld [tilespmem:$0x1F860]  }
0xd0: {  	v47 =	vld [tilespmem:$0x1F870];
	[tilespmem:$0x1FF90] =	vst v18  }
0xd1: {  	[tilespmem:$0x1FCE0] =	vst v60;
	v60 =	vld [tilespmem:$0x5400]  }
0xd2: {  	[tilespmem:$0x1FFA0] =	vst v20;
	v18 =	vmul.f32 v15, v23;
	v20 =	vld [tilespmem:$0x1A10]  }
0xd3: {  	v23 =	vmul.f32 v19, v26;
	v26 =	vmul.f32 v29, v32;
	v29 =	vld [tilespmem:$0x1A80]  }
0xd4: {  	v32 =	vmul.f32 v33, v44;
	v44 =	vld [tilespmem:$0x3A80]  }
0xd5: {  	[tilespmem:$0x1FFE0] =	vst v24;
	v24 =	vld [tilespmem:$0x1A90]  }
0xd6: {  	[tilespmem:$0x1FCF0] =	vst v60;
	v60 =	vld [tilespmem:$0x1480]  }
0xd7: {  	v33 =	vmul.f32 v31, v34;
	v31 =	vld [tilespmem:$0x1F790]  }
0xd8: {  	[tilespmem:$0x1FFB0] =	vst v11;
	v11 =	vmul.f32 v38, v42;
	v38 =	vld [tilespmem:$0x1F800]  }
0xd9: {  	v42 =	vld [tilespmem:$0x1F840]  }
0xda: {  	v15 =	vmul.f32 v43, v49;
	v43 =	vld [tilespmem:$0x1F850]  }
0xdb: {  	[tilespmem:$0x1FD00] =	vst v60;
	v60 =	vld [tilespmem:$0x3480]  }
0xdc: {  	v49 =	vld [tilespmem:$0x1F880]  }
0xdd: {  	v30 =	vadd.f32 v23, v22;
	v22 =	vld [tilespmem:$0x1F740]  }
0xde: {  	v34 =	vadd.f32 v28, v26;
	v26 =	vld [tilespmem:$0x1F750]  }
0xdf: {  	[tilespmem:$0x6100] =	vst v8;
	v28 =	vld [tilespmem:$0x1F770]  }
0xe0: {  	[tilespmem:$0x1FD10] =	vst v60;
	v60 =	vld [tilespmem:$0x1490]  }
0xe1: {  	[tilespmem:$0x6280] =	vst v16;
	v9 =	vadd.f32 v33, v32;
	v3 =	vadd.f32 v11, v10;
	v32 =	vld [tilespmem:$0x1F7A0]  }
0xe2: {  	[tilespmem:$0x1FFC0] =	vst v14;
	v33 =	vld [tilespmem:$0x1F7B0]  }
0xe3: {  	v14 =	vmul.f32 v48, v54;
	[tilespmem:$0x6600] =	vst v3;
	v3 =	vld [tilespmem:$0x5B00]  }
0xe4: {  	[tilespmem:$0x6400] =	vst v30;
	v30 =	vld [tilespmem:$0x1F780]  }
0xe5: {  	v8 =	vadd.f32 v15, v14;
	[tilespmem:$0x1FD20] =	vst v60;
	v60 =	vld [tilespmem:$0x5480]  }
0xe6: {  	[tilespmem:$0x6480] =	vst v34;
	v34 =	vld [tilespmem:$0x1F7C0]  }
0xe7: {  	v16 =	vmul.f32 v55, v58;
	v25 =	vadd.f32 v18, v17;
	v17 =	vmul.f32 v50, v52;
	[tilespmem:$0x6700] =	vst v8;
	v8 =	vld [tilespmem:$0x5B80]  }
0xe8: {  	[tilespmem:$0x1FFD0] =	vst v20;
	v20 =	vld [tilespmem:$0x1F730];
	v4 =	vmul.f32 v4, v24  }
0xe9: {  	v7 =	vadd.f32 v17, v16;
	[tilespmem:$0x1FFF0] =	vst v29;
	v24 =	vld [tilespmem:$0x2000];
	v10 =	vmul.f32 v27, v26;
	v29 =	vmul.f32 v61, v28  }
0xea: {  	[tilespmem:$0x1FD30] =	vst v60;
	v60 =	vld [tilespmem:$0x1500]  }
0xeb: {  	[tilespmem:$0x6780] =	vst v7;
	v7 =	vld [tilespmem:$0x1B90];
	v10 =	vadd.f32 v29, v10  }
0xec: {  	v50 =	vld [tilespmem:$0x1F890]  }
0xed: {  	v13 =	vmul.f32 v33, v32;
	v12 =	vmul.f32 v31, v30;
	[tilespmem:$0x6900] =	vst v10;
	v10 =	vld [tilespmem:$0x3C00]  }
0xee: {  	v14 =	vmul.f32 v37, v36;
	v11 =	vmul.f32 v35, v34;
	v52 =	vld [tilespmem:$0x1F8A0]  }
0xef: {  	v12 =	vadd.f32 v13, v12;
	[tilespmem:$0x1FD40] =	vst v60;
	v60 =	vld [tilespmem:$0x3500]  }
0xf0: {  	v14 =	vadd.f32 v14, v11;
	v11 =	vld [tilespmem:$0x1C10]  }
0xf1: {  	[tilespmem:$0x6980] =	vst v12;
	v12 =	vld [tilespmem:$0x5C00]  }
0xf2: {  	[tilespmem:$0x6A00] =	vst v14;
	v14 =	vld [tilespmem:$0x3C80]  }
0xf3: {  	v19 =	vmul.f32 v53, v56;
	v53 =	vld [tilespmem:$0x1F8B0]  }
0xf4: {  	[tilespmem:$0x1FD50] =	vst v60;
	v60 =	vld [tilespmem:$0x1510]  }
0xf5: {  	v56 =	vld [tilespmem:$0x1F8C0]  }
0xf6: {  	v23 =	vmul.f32 v57, v22;
	v57 =	vld [tilespmem:$0x1F8D0]  }
0xf7: {  	v58 =	vld [tilespmem:$0x1F8E0]  }
0xf8: {  	v18 =	vmul.f32 v59, v62;
	v59 =	vld [tilespmem:$0x1F8F0]  }
0xf9: {  	[tilespmem:$0x1FD60] =	vst v60;
	v60 =	vld [tilespmem:$0x5500]  }
0xfa: {  	v61 =	vld [tilespmem:$0x1F900]  }
0xfb: {  	[tilespmem:$0x6300] =	vst v21;
	v21 =	vmul.f32 v63, v20;
	v62 =	vld [tilespmem:$0x1F910]  }
0xfc: {  	v63 =	vld [tilespmem:$0x1F920]  }
0xfd: {  	[tilespmem:$0x6500] =	vst v9;
	v9 =	vadd.f32 v23, v21;
	v21 =	vld [tilespmem:$0x1F930]  }
0xfe: {  	[tilespmem:$0x1FD70] =	vst v60;
	v60 =	vld [tilespmem:$0x1580]  }
0xff: {  	[tilespmem:$0x6380] =	vst v25;
	v25 =	vadd.f32 v19, v18;
	v22 =	vld [tilespmem:$0x1F940]  }
0x100: {  	v23 =	vld [tilespmem:$0x1F950]  }
0x101: {  	v15 =	vmul.f32 v41, v40;
	[tilespmem:$0x6800] =	vst v25;
	v13 =	vmul.f32 v39, v38;
	v25 =	vld [tilespmem:$0x1F960]  }
0x102: {  	v51 =	vmul.f32 v50, v49;
	v54 =	vmul.f32 v53, v52;
	v26 =	vld [tilespmem:$0x1F970]  }
0x103: {  	v13 =	vadd.f32 v15, v13;
	v16 =	vmul.f32 v57, v56;
	v17 =	vmul.f32 v59, v58;
	[tilespmem:$0x1FD80] =	vst v60;
	v60 =	vld [tilespmem:$0x3580]  }
0x104: {  	[tilespmem:$0x6880] =	vst v9;
	v9 =	vld [tilespmem:$0x1C00];
	v15 =	vadd.f32 v54, v51  }
0x105: {  	[tilespmem:$0x6A80] =	vst v13;
	v13 =	vld [tilespmem:$0x1C80];
	v16 =	vadd.f32 v17, v16;
	v18 =	vmul.f32 v62, v61;
	v19 =	vmul.f32 v21, v63  }
0x106: {  	[tilespmem:$0x6B80] =	vst v15;
	v15 =	vld [tilespmem:$0x1C90]  }
0x107: {  	[tilespmem:$0x6C00] =	vst v16;
	v16 =	vld [tilespmem:$0x5C80];
	v18 =	vadd.f32 v19, v18  }
0x108: {  	v17 =	vmul.f32 v23, v22;
	v20 =	vmul.f32 v26, v25;
	[tilespmem:$0x1FD90] =	vst v60;
	v60 =	vld [tilespmem:$0x1590]  }
0x109: {  	[tilespmem:$0x6C80] =	vst v18;
	v18 =	vld [tilespmem:$0x3D00]  }
0x10a: {  	v27 =	vld [tilespmem:$0x1F980];
	v20 =	vadd.f32 v20, v17  }
0x10b: {  	v17 =	vld [tilespmem:$0x1D00]  }
0x10c: {  	[tilespmem:$0x6D00] =	vst v20;
	v20 =	vld [tilespmem:$0x5D00]  }
0x10d: {  	[tilespmem:$0x1FDA0] =	vst v60;
	v60 =	vld [tilespmem:$0x5580]  }
0x10e: {  	v28 =	vld [tilespmem:$0x1F990]  }
0x10f: {  	v29 =	vld [tilespmem:$0x1F9A0]  }
0x110: {  	v30 =	vld [tilespmem:$0x1F9B0]  }
0x111: {  	v31 =	vld [tilespmem:$0x1F9C0]  }
0x112: {  	[tilespmem:$0x1FDB0] =	vst v60;
	v60 =	vld [tilespmem:$0x1600]  }
0x113: {  	v32 =	vld [tilespmem:$0x1F9D0]  }
0x114: {  	v19 =	vmul.f32 v28, v27;
	v28 =	vld [tilespmem:$0x1D80]  }
0x115: {  	v21 =	vmul.f32 v30, v29;
	v29 =	vld [tilespmem:$0x3D80]  }
0x116: {  	v30 =	vld [tilespmem:$0x1D90]  }
0x117: {  	v19 =	vadd.f32 v21, v19;
	[tilespmem:$0x1FDC0] =	vst v60;
	v60 =	vld [tilespmem:$0x3600]  }
0x118: {  	v33 =	vmul.f32 v32, v31;
	v31 =	vld [tilespmem:$0x5D80]  }
0x119: {  	[tilespmem:$0x6D80] =	vst v19;
	v19 =	vld [tilespmem:$0x1D10]  }
0x11a: {  	v34 =	vld [tilespmem:$0x1F9E0]  }
0x11b: {  	v35 =	vld [tilespmem:$0x1F9F0]  }
0x11c: {  	[tilespmem:$0x1FDD0] =	vst v60;
	v60 =	vld [tilespmem:$0x1610]  }
0x11d: {  	v28 =	vmul.f32 v29, v28;
	v29 =	vmul.f32 v31, v30;
	v30 =	vld [tilespmem:$0x2090]  }
0x11e: {  	v37 =	vld [tilespmem:$0x1FA00]  }
0x11f: {  	v38 =	vld [tilespmem:$0x1FA10]  }
0x120: {  	v40 =	vld [tilespmem:$0x1FA20]  }
0x121: {  	v48 =	vmul.f32 v47, v46;
	v45 =	vmul.f32 v43, v42;
	[tilespmem:$0x1FDE0] =	vst v60;
	v60 =	vld [tilespmem:$0x5600]  }
0x122: {  	v41 =	vld [tilespmem:$0x1FA30]  }
0x123: {  	v55 =	vadd.f32 v48, v45;
	v45 =	vld [tilespmem:$0x1FA40]  }
0x124: {  	v46 =	vld [tilespmem:$0x1FA50]  }
0x125: {  	v47 =	vld [tilespmem:$0x1FA60]  }
0x126: {  	[tilespmem:$0x1FDF0] =	vst v60;
	v60 =	vld [tilespmem:$0x1680]  }
0x127: {  	v48 =	vld [tilespmem:$0x1FA70]  }
0x128: {  	v49 =	vld [tilespmem:$0x1FA80]  }
0x129: {  	v50 =	vld [tilespmem:$0x1FA90]  }
0x12a: {  	v51 =	vld [tilespmem:$0x1FAA0]  }
0x12b: {  	[tilespmem:$0x1FE00] =	vst v60;
	v60 =	vld [tilespmem:$0x3680]  }
0x12c: {  	v52 =	vld [tilespmem:$0x1FAB0]  }
0x12d: {  	v53 =	vld [tilespmem:$0x1FAC0]  }
0x12e: {  	v54 =	vld [tilespmem:$0x1FAD0]  }
0x12f: {  	[tilespmem:$0x6B00] =	vst v55;
	v55 =	vld [tilespmem:$0x1FAE0]  }
0x130: {  	[tilespmem:$0x1FE10] =	vst v60;
	v60 =	vld [tilespmem:$0x1690]  }
0x131: {  	v56 =	vld [tilespmem:$0x1FAF0]  }
0x132: {  	v58 =	vld [tilespmem:$0x1FB00]  }
0x133: {  	v59 =	vld [tilespmem:$0x1FB10]  }
0x134: {  	v61 =	vld [tilespmem:$0x1FB20]  }
0x135: {  	[tilespmem:$0x1FE20] =	vst v60;
	v60 =	vld [tilespmem:$0x5680]  }
0x136: {  	v36 =	vmul.f32 v35, v34;
	v62 =	vld [tilespmem:$0x1FB30]  }
0x137: {  	v32 =	vld [tilespmem:$0x1FB40]  }
0x138: {  	v43 =	vadd.f32 v36, v33;
	v39 =	vmul.f32 v38, v37;
	v42 =	vmul.f32 v41, v40;
	v33 =	vld [tilespmem:$0x1FB50]  }
0x139: {  	v22 =	vmul.f32 v46, v45;
	v23 =	vmul.f32 v48, v47;
	v34 =	vld [tilespmem:$0x1FB60]  }
0x13a: {  	v21 =	vadd.f32 v42, v39;
	[tilespmem:$0x1FE30] =	vst v60;
	v60 =	vld [tilespmem:$0x1700]  }
0x13b: {  	v22 =	vadd.f32 v23, v22;
	v23 =	vmul.f32 v54, v53;
	v27 =	vmul.f32 v56, v55;
	v35 =	vld [tilespmem:$0x1FB70]  }
0x13c: {  	[tilespmem:$0x6E80] =	vst v21;
	v21 =	vld [tilespmem:$0x2080];
	v25 =	vmul.f32 v50, v49;
	v26 =	vmul.f32 v52, v51  }
0x13d: {  	v63 =	vadd.f32 v27, v23;
	v23 =	vmul.f32 v33, v32;
	v32 =	vld [tilespmem:$0x1E00]  }
0x13e: {  	v57 =	vadd.f32 v26, v25;
	v25 =	vmul.f32 v59, v58;
	v26 =	vmul.f32 v62, v61;
	v33 =	vld [tilespmem:$0x3E00]  }
0x13f: {  	[tilespmem:$0x1FE40] =	vst v60;
	v60 =	vld [tilespmem:$0x3700]  }
0x140: {  	v36 =	vadd.f32 v26, v25;
	v27 =	vmul.f32 v35, v34;
	v34 =	vld [tilespmem:$0x1E10]  }
0x141: {  	v35 =	vld [tilespmem:$0x5E00]  }
0x142: {  	[tilespmem:$0x7080] =	vst v36;
	v36 =	vld [tilespmem:$0x1E80]  }
0x143: {  	v37 =	vld [tilespmem:$0x1FB80]  }
0x144: {  	[tilespmem:$0x1FE50] =	vst v60;
	v60 =	vld [tilespmem:$0x1710]  }
0x145: {  	v38 =	vld [tilespmem:$0x1FB90]  }
0x146: {  	v32 =	vmul.f32 v33, v32;
	v33 =	vmul.f32 v35, v34;
	v34 =	vld [tilespmem:$0x6080]  }
0x147: {  	v39 =	vld [tilespmem:$0x1FBA0]  }
0x148: {  	v40 =	vld [tilespmem:$0x1FBB0]  }
0x149: {  	[tilespmem:$0x1FE60] =	vst v60;
	v60 =	vld [tilespmem:$0x5700]  }
0x14a: {  	v42 =	vld [tilespmem:$0x1FBC0]  }
0x14b: {  	[tilespmem:$0x6E00] =	vst v43;
	v43 =	vld [tilespmem:$0x1FBD0]  }
0x14c: {  	v45 =	vld [tilespmem:$0x1FBE0]  }
0x14d: {  	v46 =	vld [tilespmem:$0x1FBF0]  }
0x14e: {  	[tilespmem:$0x1FE70] =	vst v60;
	v60 =	vld [tilespmem:$0x1780]  }
0x14f: {  	v48 =	vld [tilespmem:$0x1FC00]  }
0x150: {  	v49 =	vld [tilespmem:$0x1FC10]  }
0x151: {  	v50 =	vld [tilespmem:$0x1FC20]  }
0x152: {  	v51 =	vld [tilespmem:$0x1FC30]  }
0x153: {  	[tilespmem:$0x1FE80] =	vst v60;
	v60 =	vld [tilespmem:$0x3780]  }
0x154: {  	v58 =	vld [tilespmem:$0x1FC80]  }
0x155: {  	v59 =	vld [tilespmem:$0x1FC90]  }
0x156: {  	v61 =	vld [tilespmem:$0x1FCA0]  }
0x157: {  	v62 =	vld [tilespmem:$0x1FCB0]  }
0x158: {  	v25 =	vmul.f32 v38, v37;
	v26 =	vmul.f32 v40, v39;
	[tilespmem:$0x1FE90] =	vst v60;
	v60 =	vld [tilespmem:$0x1790]  }
0x159: {  	v53 =	vld [tilespmem:$0x1FC40]  }
0x15a: {  	v47 =	vadd.f32 v26, v25;
	v25 =	vmul.f32 v49, v48;
	v26 =	vmul.f32 v51, v50;
	v54 =	vld [tilespmem:$0x1FC50]  }
0x15b: {  	v41 =	vadd.f32 v27, v23;
	v55 =	vld [tilespmem:$0x1FC60]  }
0x15c: {  	[tilespmem:$0x6F80] =	vst v57;
	v57 =	vadd.f32 v26, v25;
	v56 =	vld [tilespmem:$0x1FC70];
	v25 =	vmul.f32 v59, v58;
	v26 =	vmul.f32 v62, v61  }
0x15d: {  	[tilespmem:$0x1FEA0] =	vst v60;
	v60 =	vld [tilespmem:$0x5780]  }
0x15e: {  	[tilespmem:$0x7100] =	vst v41;
	v37 =	vld [tilespmem:$0x1FCC0];
	v41 =	vadd.f32 v26, v25  }
0x15f: {  	v38 =	vld [tilespmem:$0x1FCD0]  }
0x160: {  	v23 =	vmul.f32 v43, v42;
	v27 =	vmul.f32 v46, v45;
	[tilespmem:$0x7380] =	vst v41;
	v41 =	vld [tilespmem:$0x3F00]  }
0x161: {  	v39 =	vld [tilespmem:$0x1FCE0]  }
0x162: {  	v52 =	vadd.f32 v27, v23;
	v23 =	vmul.f32 v54, v53;
	v27 =	vmul.f32 v56, v55;
	[tilespmem:$0x1FEB0] =	vst v60;
	v60 =	vld [tilespmem:$0x1800]  }
0x163: {  	v40 =	vld [tilespmem:$0x1FCF0]  }
0x164: {  	[tilespmem:$0x7000] =	vst v63;
	v63 =	vadd.f32 v27, v23;
	v23 =	vmul.f32 v38, v37;
	v37 =	vld [tilespmem:$0x3E80]  }
0x165: {  	v38 =	vld [tilespmem:$0x1E90]  }
0x166: {  	v42 =	vld [tilespmem:$0x1FD00]  }
0x167: {  	[tilespmem:$0x1FEC0] =	vst v60;
	v60 =	vld [tilespmem:$0x3800]  }
0x168: {  	v27 =	vmul.f32 v40, v39;
	v39 =	vld [tilespmem:$0x5E80]  }
0x169: {  	v40 =	vld [tilespmem:$0x1F00]  }
0x16a: {  	v43 =	vld [tilespmem:$0x1FD10]  }
0x16b: {  	v45 =	vld [tilespmem:$0x1FD20]  }
0x16c: {  	[tilespmem:$0x1FED0] =	vst v60;
	v60 =	vld [tilespmem:$0x1810]  }
0x16d: {  	v46 =	vld [tilespmem:$0x1FD30]  }
0x16e: {  	v48 =	vld [tilespmem:$0x1FD40]  }
0x16f: {  	v49 =	vld [tilespmem:$0x1FD50]  }
0x170: {  	v50 =	vld [tilespmem:$0x1FD60]  }
0x171: {  	[tilespmem:$0x1FEE0] =	vst v60;
	v60 =	vld [tilespmem:$0x5800]  }
0x172: {  	v51 =	vld [tilespmem:$0x1FD70]  }
0x173: {  	v53 =	vld [tilespmem:$0x1FD80]  }
0x174: {  	v54 =	vld [tilespmem:$0x1FD90]  }
0x175: {  	v55 =	vld [tilespmem:$0x1FDA0]  }
0x176: {  	[tilespmem:$0x1FEF0] =	vst v60;
	v60 =	vld [tilespmem:$0x1880]  }
0x177: {  	v56 =	vld [tilespmem:$0x1FDB0]  }
0x178: {  	v58 =	vld [tilespmem:$0x1FDC0]  }
0x179: {  	v59 =	vld [tilespmem:$0x1FDD0]  }
0x17a: {  	v25 =	vmul.f32 v43, v42;
	v42 =	vld [tilespmem:$0x1FE00]  }
0x17b: {  	[tilespmem:$0x1FF00] =	vst v60;
	v60 =	vld [tilespmem:$0x3880]  }
0x17c: {  	v43 =	vld [tilespmem:$0x1FE10]  }
0x17d: {  	v26 =	vmul.f32 v46, v45;
	v61 =	vld [tilespmem:$0x1FDE0]  }
0x17e: {  	v62 =	vld [tilespmem:$0x1FDF0]  }
0x17f: {  	[tilespmem:$0x7200] =	vst v52;
	v52 =	vadd.f32 v26, v25;
	v25 =	vmul.f32 v54, v53;
	v26 =	vmul.f32 v56, v55;
	v45 =	vld [tilespmem:$0x1FE20]  }
0x180: {  	[tilespmem:$0x1FF10] =	vst v60;
	v60 =	vld [tilespmem:$0x1890]  }
0x181: {  	[tilespmem:$0x7300] =	vst v63;
	v63 =	vadd.f32 v26, v25;
	v25 =	vmul.f32 v43, v42;
	v42 =	vld [tilespmem:$0x1F10]  }
0x182: {  	v43 =	vld [tilespmem:$0x5F00]  }
0x183: {  	v46 =	vld [tilespmem:$0x1FE30]  }
0x184: {  	v53 =	vld [tilespmem:$0x1FE80]  }
0x185: {  	[tilespmem:$0x1FF20] =	vst v60;
	v60 =	vld [tilespmem:$0x5880]  }
0x186: {  	v54 =	vld [tilespmem:$0x1FE90]  }
0x187: {  	v55 =	vld [tilespmem:$0x1FEA0]  }
0x188: {  	v56 =	vld [tilespmem:$0x1FEB0]  }
0x189: {  	[tilespmem:$0x7180] =	vst v47;
	v47 =	vadd.f32 v27, v23;
	v23 =	vmul.f32 v49, v48;
	v48 =	vld [tilespmem:$0x1FE40]  }
0x18a: {  	[tilespmem:$0x1FF30] =	vst v60;
	v60 =	vld [tilespmem:$0x1900]  }
0x18b: {  	v26 =	vmul.f32 v46, v45;
	v49 =	vld [tilespmem:$0x1FE50]  }
0x18c: {  	[tilespmem:$0x7280] =	vst v57;
	v27 =	vmul.f32 v51, v50;
	v50 =	vld [tilespmem:$0x1FE60]  }
0x18d: {  	[tilespmem:$0x7480] =	vst v52;
	v52 =	vadd.f32 v26, v25;
	v51 =	vld [tilespmem:$0x1FE70];
	v25 =	vmul.f32 v54, v53;
	v26 =	vmul.f32 v56, v55  }
0x18e: {  	v57 =	vadd.f32 v27, v23;
	[tilespmem:$0x7580] =	vst v63;
	v23 =	vmul.f32 v59, v58;
	v58 =	vld [tilespmem:$0x1FEC0]  }
0x18f: {  	v63 =	vadd.f32 v26, v25;
	[tilespmem:$0x1FF40] =	vst v60;
	v60 =	vld [tilespmem:$0x3900]  }
0x190: {  	v59 =	vld [tilespmem:$0x1FED0]  }
0x191: {  	v27 =	vmul.f32 v62, v61;
	[tilespmem:$0x7780] =	vst v63;
	v63 =	vld [tilespmem:$0x1FFD0]  }
0x192: {  	v61 =	vld [tilespmem:$0x1FEE0]  }
0x193: {  	[tilespmem:$0x7400] =	vst v47;
	v47 =	vadd.f32 v27, v23;
	v23 =	vmul.f32 v49, v48;
	v27 =	vmul.f32 v51, v50;
	v62 =	vld [tilespmem:$0x1FEF0]  }
0x194: {  	[tilespmem:$0x1FF50] =	vst v60;
	v60 =	vld [tilespmem:$0x1910]  }
0x195: {  	[tilespmem:$0x7500] =	vst v57;
	v57 =	vadd.f32 v27, v23;
	v23 =	vmul.f32 v59, v58;
	v58 =	vld [tilespmem:$0x1FF90]  }
0x196: {  	v59 =	vld [tilespmem:$0x1FFA0]  }
0x197: {  	[tilespmem:$0x7600] =	vst v47;
	v47 =	vld [tilespmem:$0x1FF00]  }
0x198: {  	v27 =	vmul.f32 v62, v61;
	v61 =	vld [tilespmem:$0x1FFB0]  }
0x199: {  	[tilespmem:$0x1FF60] =	vst v60;
	v60 =	vld [tilespmem:$0x5900]  }
0x19a: {  	v62 =	vld [tilespmem:$0x1FFC0]  }
0x19b: {  	v48 =	vld [tilespmem:$0x1FF10]  }
0x19c: {  	v49 =	vld [tilespmem:$0x1FF20]  }
0x19d: {  	v50 =	vld [tilespmem:$0x1FF30]  }
0x19e: {  	[tilespmem:$0x1FF70] =	vst v60;
	v60 =	vld [tilespmem:$0x1980]  }
0x19f: {  	[tilespmem:$0x7680] =	vst v52;
	v52 =	vld [tilespmem:$0x1FF40]  }
0x1a0: {  	v53 =	vld [tilespmem:$0x1FF50]  }
0x1a1: {  	v54 =	vld [tilespmem:$0x1FF60]  }
0x1a2: {  	v25 =	vmul.f32 v48, v47;
	v26 =	vmul.f32 v50, v49;
	v55 =	vld [tilespmem:$0x1FF70]  }
0x1a3: {  	[tilespmem:$0x1FF80] =	vst v60;
	v60 =	vld [tilespmem:$0x3980]  }
0x1a4: {  	[tilespmem:$0x7700] =	vst v57;
	v56 =	vadd.f32 v26, v25;
	v57 =	vld [tilespmem:$0x1FF80]  }
0x1a5: {  	[tilespmem:$0x6F00] =	vst v22;
	v35 =	vadd.f32 v29, v28;
	v51 =	vadd.f32 v27, v23;
	v23 =	vmul.f32 v53, v52;
	v52 =	vld [tilespmem:$0x1FFE0]  }
0x1a6: {  	v0 =	vmul.f32 v1, v0;
	v45 =	vld [tilespmem:$0x1F80];
	[tilespmem:$0x7880] =	vst v56;
	v56 =	vmul.f32 v3, v2  }
0x1a7: {  	[tilespmem:$0x7D80] =	vst v35;
	v46 =	vld [tilespmem:$0x3F80];
	v50 =	vadd.f32 v33, v32;
	v26 =	vmul.f32 v59, v58;
	v27 =	vmul.f32 v55, v54  }
0x1a8: {  	[tilespmem:$0x7800] =	vst v51;
	v47 =	vld [tilespmem:$0x1F90];
	v58 =	vmul.f32 v6, v5;
	v59 =	vmul.f32 v8, v7;
	v0 =	vadd.f32 v56, v0  }
0x1a9: {  	[tilespmem:$0x7E00] =	vst v50;
	v54 =	vld [tilespmem:$0x1FFF0];
	v25 =	vmul.f32 v60, v57;
	v60 =	vadd.f32 v27, v23;
	v23 =	vmul.f32 v62, v61  }
0x1aa: {  	v48 =	vld [tilespmem:$0x5F80];
	[tilespmem:$0x7B00] =	vst v0;
	v27 =	vmul.f32 v52, v63;
	v62 =	vmul.f32 v12, v11;
	v12 =	vadd.f32 v59, v58  }
0x1ab: {  	v2 =	vld [tilespmem:$0x4000];
	v61 =	vmul.f32 v10, v9;
	v53 =	vadd.f32 v26, v25;
	[tilespmem:$0x7900] =	vst v60  }
0x1ac: {  	v14 =	vmul.f32 v14, v13;
	v16 =	vmul.f32 v16, v15;
	v63 =	vld [tilespmem:$0x6000];
	v55 =	vadd.f32 v27, v23;
	[tilespmem:$0x7B80] =	vst v12  }
0x1ad: {  	v51 =	vmul.f32 v41, v40;
	v52 =	vmul.f32 v43, v42;
	v60 =	vld [tilespmem:$0x2010];
	v22 =	vadd.f32 v62, v61;
	[tilespmem:$0x7980] =	vst v53  }
0x1ae: {  	v25 =	vmul.f32 v44, v54;
	v26 =	vld [tilespmem:$0x4080];
	v27 =	vadd.f32 v16, v14;
	[tilespmem:$0x7A00] =	vst v55  }
0x1af: {  	v49 =	vmul.f32 v39, v38;
	v44 =	vmul.f32 v37, v36;
	v56 =	vadd.f32 v52, v51;
	[tilespmem:$0x7C00] =	vst v22  }
0x1b0: {  	v23 =	vmul.f32 v18, v17;
	v57 =	vadd.f32 v4, v25;
	v25 =	vmul.f32 v20, v19;
	[tilespmem:$0x7C80] =	vst v27  }
0x1b1: {  	v54 =	vmul.f32 v46, v45;
	v53 =	vadd.f32 v49, v44;
	v55 =	vmul.f32 v48, v47;
	[tilespmem:$0x7F00] =	vst v56  }
0x1b2: {  	[tilespmem:$0x7A80] =	vst v57;
	v31 =	vadd.f32 v25, v23;
	v57 =	vmul.f32 v2, v24;
	v58 =	vmul.f32 v63, v60  }
0x1b3: {  	v61 =	vmul.f32 v34, v30;
	[tilespmem:$0x7E80] =	vst v53;
	v59 =	vadd.f32 v55, v54;
	v60 =	vmul.f32 v26, v21  }
0x1b4: {  	[tilespmem:$0x7D00] =	vst v31;
	v62 =	vadd.f32 v58, v57  }
0x1b5: {  	[tilespmem:$0x7F80] =	vst v59;
	v63 =	vadd.f32 v61, v60  }
0x1b6: {  	p0 =	sne.s32 s8, $0x1;
	[tilespmem:$0x8000] =	vst v62  }
.Ltmp0:
0x1b7: {  	[tilespmem:$0x8080] =	vst v63;
	(pc) =	sbr.rel @p0 .LBB2_1-.Ltmp0, $4  }
0x1b8: {  	[hbm4b:s7+s2] =	stream.linear.scatter [tilespmem:s16], [sflag:$0x2], $0x2000, $0x38;
	[tilespmem:$0x8100] =	vst v63  }
0x1b9: {  	_ =	swait.ge [sflag:s9], $0x2000  }
0x1ba: {  	[sflag:s9] =	ssyncset.done $0x0  }
0x1bb: {  	s8 =	sadd.s32 $0xFFFFFFFF, s8;
	[sflag:s9] =	ssyncadd.s32 $0xFFFFE000  }
0x1bc: {  	_ =	sfence.sel $0x180000  }
0x1bd: {  	[bflag:$0x0] =	sbarrier.arrive $0xFFFF  }
0x1be: {  	p0 =	sne.s32 s1, $0x0;
	_ =	strace $0x9000004A  }
0x1bf: {  	s0 =	sadd.s32 @!p0 $0x100000, s0;
	[bflag:$0x2] =	sbarrier.arrive $0xFFFF  }
0x1c0: {  	[sflag:s0] =	ssyncadd.tile.s32 @!p0 $0x1;
	_ =	shalt  }
.Lfunc_end2:
_tile_overlayer_lowered:
.L_overlay_start_2:
0x1c1: {  	(tag) =	ssettag $0x2  }
0x1c2: {  	s0 =	rddreg [dreg:$0x0];
	s2 =	stileid.u32  }
0x1c3: {  	s1 =	rddreg [dreg:$0x1];
	p0 =	sne.s32 s2, $0x0  }
0x1c4: {  	s3 =	rddreg [dreg:$0x2];
	[bflag:$0x3] =	sbarrier.arrive $0xFFFF;
	s2 =	simm.s32 @!p0 $0x1C02  }
0x1c5: {  	[timem:s3], [sflag:s2] =	dma.local @!p0 [hbm:s0], s1  }
0x1c6: {  	s0 =	simm.s32 @!p0 $0x2  }
0x1c7: {  	_ =	swait.ge @!p0 [sflag:s0], s1  }
0x1c8: {  	s1 =	ssub.s32 @!p0 $0x0, s1;
	[sflag:s0] =	ssyncset.done @!p0 $0x0  }
0x1c9: {  	[sflag:s0] =	ssyncadd.s32 @!p0 s1  }
0x1ca: {  	[bflag:$0x3] =	sbarrier.arrive $0xFFFF  }
0x1cb: {  	_ =	shalt  }

</sc_bundles>
